<compile_context>
chip_gen: v7x
topology: tpu7x:2x2x1
jax: 0.10.2.dev20260603
libtpu: 0.0.44.dev20260713+nightly
codegen_flags: <defaults>
</compile_context>

<pallas_src>
import functools

import jax
import jax.numpy as jnp
from jax import lax
from jax.experimental import pallas as pl
from jax.experimental.pallas import tpu as pltpu
from jax.experimental.pallas import tpu_sc as plsc

N = 10000
F = 128
C = 16
E = 320000
NC = 2
NS = 16
NW = NC * NS
EPW = E // NW
CH1 = 80
NCH1 = EPW // CH1
KB1 = 1
CH2 = CH1
NCH2 = NCH1
KB2 = 5
NIT = 10
RPT = N // NIT

_MESH = plsc.VectorSubcoreMesh(
    core_axis_name="c", subcore_axis_name="s", num_cores=NC, num_subcores=NS)



def _edge_pipeline(tab, src_v, dst_v, rows_v, acc_sh, gsem, ssem, nchunk, kb):
    def fire_g(buf, base):
        for k in range(kb):
            pltpu.async_copy(
                tab.at[src_v.at[base + k]], rows_v.at[buf + k], gsem)

    def drain_g(buf, base):
        for k in range(kb):
            pltpu.make_async_copy(
                tab.at[src_v.at[base + k]], rows_v.at[buf + k], gsem).wait()

    def fire_s(buf, base):
        for k in range(kb):
            pltpu.async_copy(
                rows_v.at[buf + k], acc_sh.at[dst_v.at[base + k]], ssem,
                add=True)

    def drain_s(buf, base):
        for k in range(kb):
            pltpu.make_async_copy(
                rows_v.at[buf + k], acc_sh.at[dst_v.at[base + k]],
                ssem).wait()

    nbatch = nchunk // kb
    npair = nbatch // 2

    fire_g(0, 0)

    def body(i, carry):
        base_a = 2 * i * kb
        drain_g(0, base_a)
        fire_s(0, base_a)

        @pl.when(i > 0)
        def _():
            drain_s(kb, base_a - kb)

        fire_g(kb, base_a + kb)
        drain_g(kb, base_a + kb)
        fire_s(kb, base_a + kb)
        drain_s(0, base_a)

        @pl.when(i < npair - 1)
        def _():
            fire_g(0, base_a + 2 * kb)

        return carry

    lax.fori_loop(0, npair, body, 0)
    drain_s(kb, 2 * npair * kb - kb)

    if nbatch % 2:
        base = (nbatch - 1) * kb
        fire_g(0, base)
        drain_g(0, base)
        fire_s(0, base)
        drain_s(0, base)


@functools.partial(
    pl.kernel,
    out_type=jax.ShapeDtypeStruct((NC, N, C), jnp.float32),
    mesh=_MESH,
    compiler_params=pltpu.CompilerParams(use_tc_tiling_on_sc=False),
    scratch_types=[
        pltpu.VMEM((NCH2, CH2), jnp.int32),
        pltpu.VMEM((CH2, C), jnp.float32),
        pltpu.VMEM_SHARED((N, C), jnp.float32),
    ],
)
def _deg_sc(e_hbm, zeros_hbm, ones_hbm, out_hbm, idx_v, ones_v, acc_sh):
    c = lax.axis_index("c")
    s = lax.axis_index("s")
    w = c * NS + s
    pltpu.sync_copy(e_hbm.at[1, w], idx_v)
    pltpu.sync_copy(ones_hbm, ones_v)

    @pl.when(s < NIT)
    def _():
        pltpu.sync_copy(zeros_hbm.at[pl.ds(s * RPT, RPT)],
                        acc_sh.at[pl.ds(s * RPT, RPT)])
    plsc.subcore_barrier()

    def body(ci, carry):
        pltpu.sync_copy(ones_v, acc_sh.at[idx_v.at[ci]], add=True)
        return carry

    lax.fori_loop(0, NCH2, body, 0)
    plsc.subcore_barrier()

    @pl.when(s < NIT)
    def _():
        pltpu.sync_copy(acc_sh.at[pl.ds(s * RPT, RPT)],
                        out_hbm.at[c, pl.ds(s * RPT, RPT)])


def _make_agg(width, chunk, kb):
    nchunk = EPW // chunk

    @functools.partial(
        pl.kernel,
        out_type=jax.ShapeDtypeStruct((NC, N, width), jnp.float32),
        mesh=_MESH,
        compiler_params=pltpu.CompilerParams(use_tc_tiling_on_sc=False),
        scratch_types=[
            pltpu.VMEM((nchunk, chunk), jnp.int32),
            pltpu.VMEM((nchunk, chunk), jnp.int32),
            pltpu.VMEM((2 * kb, chunk, width), jnp.float32),
            pltpu.VMEM_SHARED((N, width), jnp.float32),
            pltpu.SemaphoreType.DMA,
            pltpu.SemaphoreType.DMA,
        ],
    )
    def _agg(e_hbm, tab_hbm, out_hbm,
             src_v, dst_v, rows_v, acc_sh, gsem, ssem):
        c = lax.axis_index("c")
        s = lax.axis_index("s")
        w = c * NS + s
        pltpu.sync_copy(e_hbm.at[0, w], src_v)
        pltpu.sync_copy(e_hbm.at[1, w], dst_v)
        @pl.when(s < NIT)
        def _():
            pltpu.sync_copy(tab_hbm.at[pl.ds(s * RPT, RPT)],
                            acc_sh.at[pl.ds(s * RPT, RPT)])
        plsc.subcore_barrier()
        _edge_pipeline(tab_hbm, src_v, dst_v, rows_v, acc_sh,
                       gsem, ssem, nchunk, kb)
        plsc.subcore_barrier()

        @pl.when(s < NIT)
        def _():
            pltpu.sync_copy(acc_sh.at[pl.ds(s * RPT, RPT)],
                            out_hbm.at[c, pl.ds(s * RPT, RPT)])

    return _agg


_agg128_sc = _make_agg(F, CH1, KB1)
_agg16_sc = _make_agg(C, CH2, KB2)



_GRID = 10
_BR = N // _GRID


def _tc1_body(degp_ref, x_ref, w1_ref, hp_ref, dinv_ref):
    deg = degp_ref[0] + degp_ref[1] + 1.0
    dinv = lax.rsqrt(deg[:, 0:1])
    h = jnp.dot(x_ref[...], w1_ref[...], preferred_element_type=jnp.float32)
    hp_ref[...] = h * dinv
    dinv_ref[...] = dinv


def _tc2_body(p_ref, hp_ref, dinv_ref, b1_ref, w2_ref, gp_ref):
    ssum = p_ref[0] + p_ref[1] - hp_ref[...]
    h1 = jnp.maximum(dinv_ref[...] * ssum + b1_ref[...], 0.0)
    g = jnp.dot(h1, w2_ref[...], preferred_element_type=jnp.float32)
    gp_ref[...] = g * dinv_ref[...]


def _tc3_body(q_ref, gp_ref, dinv_ref, b2_ref, out_ref):
    t = dinv_ref[...] * (q_ref[0] + q_ref[1] - gp_ref[...]) + b2_ref[...]
    m = jnp.max(t, axis=1, keepdims=True)
    lse = jnp.log(jnp.sum(jnp.exp(t - m), axis=1, keepdims=True)) + m
    out_ref[...] = t - lse


def _row_block(width):
    return pl.BlockSpec((_BR, width), lambda i: (i, 0))


def _part_block(width):
    return pl.BlockSpec((NC, _BR, width), lambda i: (0, i, 0))


def _full_block(r, c):
    return pl.BlockSpec((r, c), lambda i: (0, 0))


def kernel(x, edge_index, W1, b1, W2, b2):
    ei = edge_index.astype(jnp.int32)
    e1 = ei.reshape(2, NW, NCH1, CH1)

    zeros_nc = jnp.zeros((N, C), jnp.float32)
    ones_c = jnp.ones((CH2, C), jnp.float32)

    degp = _deg_sc(e1, zeros_nc, ones_c)

    hp, dinv = pl.pallas_call(
        _tc1_body,
        grid=(_GRID,),
        in_specs=[_part_block(C), _row_block(F), _full_block(F, F)],
        out_specs=[_row_block(F), _row_block(1)],
        out_shape=[
            jax.ShapeDtypeStruct((N, F), jnp.float32),
            jax.ShapeDtypeStruct((N, 1), jnp.float32),
        ],
    )(degp, x, W1)

    p1 = _agg128_sc(e1, hp)

    gp = pl.pallas_call(
        _tc2_body,
        grid=(_GRID,),
        in_specs=[_part_block(F), _row_block(F), _row_block(1),
                  _full_block(1, F), _full_block(F, C)],
        out_specs=_row_block(C),
        out_shape=jax.ShapeDtypeStruct((N, C), jnp.float32),
    )(p1, hp, dinv, b1.reshape(1, F), W2)

    q1 = _agg16_sc(e1, gp)

    out = pl.pallas_call(
        _tc3_body,
        grid=(_GRID,),
        in_specs=[_part_block(C), _row_block(C), _row_block(1),
                  _full_block(1, C)],
        out_specs=_row_block(C),
        out_shape=jax.ShapeDtypeStruct((N, C), jnp.float32),
    )(q1, gp, dinv, b2.reshape(1, C))

    return out

# --- scband reference (transcript-rebuilt; emitter-appended) ---
"""Pipeline reference for scband-net-15410342658439 (READ-ONLY COPY).

The authoritative reference and input builder live on the scoring server;
editing this copy changes nothing except your own understanding.
"""

import jax, jax.numpy as jnp
import numpy as np

NUM_NODES = 10000
NUM_FEATURES = 128
HIDDEN = 128
NUM_CLASSES = 16
NUM_EDGES = 320000


def gcn_conv(x, edge_index, W, b, num_nodes):
    src = edge_index[0]
    dst = edge_index[1]
    loop = jnp.arange(num_nodes, dtype=edge_index.dtype)
    src = jnp.concatenate([src, loop])
    dst = jnp.concatenate([dst, loop])
    deg = jnp.zeros((num_nodes,), dtype=x.dtype).at[dst].add(1.0)
    dinv = jnp.where(deg > 0, deg ** -0.5, 0.0)
    norm = dinv[src] * dinv[dst]
    h = x @ W
    msg = h[src] * norm[:, None]
    out = jnp.zeros((num_nodes, W.shape[1]), dtype=x.dtype).at[dst].add(msg)
    return out + b


def setup_inputs(seed: int = 0) -> dict:
    key = jax.random.key(seed)
    k_x, k_e, k_w1, k_w2 = jax.random.split(key, 4)
    x = jax.random.normal(k_x, (NUM_NODES, NUM_FEATURES), dtype=jnp.float32)
    edge_index = jax.random.randint(k_e, (2, NUM_EDGES), 0, NUM_NODES, dtype=jnp.int64)
    s1 = 1.0 / np.sqrt(NUM_FEATURES)
    s2 = 1.0 / np.sqrt(HIDDEN)
    W1 = jax.random.uniform(k_w1, (NUM_FEATURES, HIDDEN), minval=-s1, maxval=s1, dtype=jnp.float32)
    b1 = jnp.zeros((HIDDEN,), dtype=jnp.float32)
    W2 = jax.random.uniform(k_w2, (HIDDEN, NUM_CLASSES), minval=-s2, maxval=s2, dtype=jnp.float32)
    b2 = jnp.zeros((NUM_CLASSES,), dtype=jnp.float32)
    return {"x": x, "edge_index": edge_index, "W1": W1, "b1": b1, "W2": W2, "b2": b2}


def reference(x, edge_index, W1, b1, W2, b2):
    h = gcn_conv(x, edge_index, W1, b1, NUM_NODES)
    h = jax.nn.relu(h)
    # dropout is identity in eval mode (training=False)
    h = gcn_conv(h, edge_index, W2, b2, NUM_NODES)
    return jax.nn.log_softmax(h, axis=1)

if __name__ == "__main__":
    import jax
    _d = setup_inputs()
    print(jax.jit(kernel)(*tuple(_d.values())))

</pallas_src>

<mosaic_0001>
#map = affine_map<(d0, d1) -> (0, 0, 0, 0)>
#map1 = affine_map<(d0, d1) -> (0, 0)>
#map2 = affine_map<(d0, d1) -> (0, 0, 0)>
module attributes {stable_mosaic.version = 14 : i64} {
  func.func @_agg(%arg0: i32, %arg1: i32, %arg2: memref<2x32x125x80xi32, #tpu.memory_space<hbm>>, %arg3: memref<10000x128xf32, #tpu.memory_space<hbm>>, %arg4: memref<2x10000x128xf32, #tpu.memory_space<hbm>>, %arg5: memref<125x80xi32, #tpu.memory_space<vmem>>, %arg6: memref<125x80xi32, #tpu.memory_space<vmem>>, %arg7: memref<2x80x128xf32, #tpu.memory_space<vmem>>, %arg8: memref<10000x128xf32, #tpu.memory_space<vmem_shared>>, %arg9: memref<!tpu.dma_semaphore, #tpu.memory_space<semaphore_mem>>, %arg10: memref<!tpu.dma_semaphore, #tpu.memory_space<semaphore_mem>>) attributes {dimension_semantics = [#tpu.dimension_semantics<core_parallel>, #tpu.dimension_semantics<subcore_parallel>], iteration_bounds = array<i64: 2, 16>, scalar_prefetch = 0 : i64, scratch_operands = 6 : i64, tpu.core_type = #tpu.core_type<sc_vector_subcore>, window_params = [{transform_indices = #map}, {transform_indices = #map1}, {transform_indices = #map2}]} {
    %mul3A = arith.constant 16 : i32
    %mul3A_0 = arith.muli %arg0, %mul3A : i32
    %add3A = arith.addi %mul3A_0, %arg1 : i32
    %run_scoped3A = arith.constant 0 : i32
    "tpu.region"() ({
      %run_scoped3A_85 = tpu.sem_alloc : memref<!tpu.dma_semaphore, #tpu.memory_space<semaphore_mem>>
      %dma_start3A_86 = arith.constant 0 : i32
      %dma_start3A_87 = arith.constant 0 : i32
      %dma_start3A_88 = tpu.memref_slice %arg2[%run_scoped3A, %add3A, %dma_start3A_86, %dma_start3A_87] : memref<2x32x125x80xi32, #tpu.memory_space<hbm>> -> memref<1x1x125x80xi32, #tpu.memory_space<hbm>>
      %dma_start3A_89 = tpu.memref_squeeze %dma_start3A_88 : memref<1x1x125x80xi32, #tpu.memory_space<hbm>> -> memref<125x80xi32, #tpu.memory_space<hbm>>
      %dma_start3A_90 = arith.constant 0 : i32
      %dma_start3A_91 = arith.constant 0 : i32
      %dma_start3A_92 = tpu.memref_slice %arg2[%run_scoped3A, %add3A, %dma_start3A_90, %dma_start3A_91] : memref<2x32x125x80xi32, #tpu.memory_space<hbm>> -> memref<1x1x125x80xi32, #tpu.memory_space<hbm>>
      %dma_start3A_93 = tpu.memref_squeeze %dma_start3A_92 : memref<1x1x125x80xi32, #tpu.memory_space<hbm>> -> memref<125x80xi32, #tpu.memory_space<hbm>>
      tpu.enqueue_dma source(%dma_start3A_93 : memref<125x80xi32, #tpu.memory_space<hbm>>) target(%arg5 : memref<125x80xi32, #tpu.memory_space<vmem>>) target_semaphore(%run_scoped3A_85 : memref<!tpu.dma_semaphore, #tpu.memory_space<semaphore_mem>>)
      %dma_wait3A_94 = arith.constant 0 : i32
      %dma_wait3A_95 = arith.constant 0 : i32
      %dma_wait3A_96 = tpu.memref_slice %arg2[%run_scoped3A, %add3A, %dma_wait3A_94, %dma_wait3A_95] : memref<2x32x125x80xi32, #tpu.memory_space<hbm>> -> memref<1x1x125x80xi32, #tpu.memory_space<hbm>>
      %dma_wait3A_97 = tpu.memref_squeeze %dma_wait3A_96 : memref<1x1x125x80xi32, #tpu.memory_space<hbm>> -> memref<125x80xi32, #tpu.memory_space<hbm>>
      %dma_wait3A_98 = arith.constant 0 : i32
      %dma_wait3A_99 = arith.constant 0 : i32
      %dma_wait3A_100 = tpu.memref_slice %arg2[%run_scoped3A, %add3A, %dma_wait3A_98, %dma_wait3A_99] : memref<2x32x125x80xi32, #tpu.memory_space<hbm>> -> memref<1x1x125x80xi32, #tpu.memory_space<hbm>>
      %dma_wait3A_101 = tpu.memref_squeeze %dma_wait3A_100 : memref<1x1x125x80xi32, #tpu.memory_space<hbm>> -> memref<125x80xi32, #tpu.memory_space<hbm>>
      tpu.wait_dma2 semaphore(%run_scoped3A_85 : memref<!tpu.dma_semaphore, #tpu.memory_space<semaphore_mem>>) src(%dma_wait3A_101 : memref<125x80xi32, #tpu.memory_space<hbm>>) dst(%arg5 : memref<125x80xi32, #tpu.memory_space<vmem>>)
      tpu.yield
    }) : () -> ()
    %run_scoped3A_1 = arith.constant 1 : i32
    "tpu.region"() ({
      %run_scoped3A_85 = tpu.sem_alloc : memref<!tpu.dma_semaphore, #tpu.memory_space<semaphore_mem>>
      %dma_start3A_86 = arith.constant 0 : i32
      %dma_start3A_87 = arith.constant 0 : i32
      %dma_start3A_88 = tpu.memref_slice %arg2[%run_scoped3A_1, %add3A, %dma_start3A_86, %dma_start3A_87] : memref<2x32x125x80xi32, #tpu.memory_space<hbm>> -> memref<1x1x125x80xi32, #tpu.memory_space<hbm>>
      %dma_start3A_89 = tpu.memref_squeeze %dma_start3A_88 : memref<1x1x125x80xi32, #tpu.memory_space<hbm>> -> memref<125x80xi32, #tpu.memory_space<hbm>>
      %dma_start3A_90 = arith.constant 0 : i32
      %dma_start3A_91 = arith.constant 0 : i32
      %dma_start3A_92 = tpu.memref_slice %arg2[%run_scoped3A_1, %add3A, %dma_start3A_90, %dma_start3A_91] : memref<2x32x125x80xi32, #tpu.memory_space<hbm>> -> memref<1x1x125x80xi32, #tpu.memory_space<hbm>>
      %dma_start3A_93 = tpu.memref_squeeze %dma_start3A_92 : memref<1x1x125x80xi32, #tpu.memory_space<hbm>> -> memref<125x80xi32, #tpu.memory_space<hbm>>
      tpu.enqueue_dma source(%dma_start3A_93 : memref<125x80xi32, #tpu.memory_space<hbm>>) target(%arg6 : memref<125x80xi32, #tpu.memory_space<vmem>>) target_semaphore(%run_scoped3A_85 : memref<!tpu.dma_semaphore, #tpu.memory_space<semaphore_mem>>)
      %dma_wait3A_94 = arith.constant 0 : i32
      %dma_wait3A_95 = arith.constant 0 : i32
      %dma_wait3A_96 = tpu.memref_slice %arg2[%run_scoped3A_1, %add3A, %dma_wait3A_94, %dma_wait3A_95] : memref<2x32x125x80xi32, #tpu.memory_space<hbm>> -> memref<1x1x125x80xi32, #tpu.memory_space<hbm>>
      %dma_wait3A_97 = tpu.memref_squeeze %dma_wait3A_96 : memref<1x1x125x80xi32, #tpu.memory_space<hbm>> -> memref<125x80xi32, #tpu.memory_space<hbm>>
      %dma_wait3A_98 = arith.constant 0 : i32
      %dma_wait3A_99 = arith.constant 0 : i32
      %dma_wait3A_100 = tpu.memref_slice %arg2[%run_scoped3A_1, %add3A, %dma_wait3A_98, %dma_wait3A_99] : memref<2x32x125x80xi32, #tpu.memory_space<hbm>> -> memref<1x1x125x80xi32, #tpu.memory_space<hbm>>
      %dma_wait3A_101 = tpu.memref_squeeze %dma_wait3A_100 : memref<1x1x125x80xi32, #tpu.memory_space<hbm>> -> memref<125x80xi32, #tpu.memory_space<hbm>>
      tpu.wait_dma2 semaphore(%run_scoped3A_85 : memref<!tpu.dma_semaphore, #tpu.memory_space<semaphore_mem>>) src(%dma_wait3A_101 : memref<125x80xi32, #tpu.memory_space<hbm>>) dst(%arg6 : memref<125x80xi32, #tpu.memory_space<vmem>>)
      tpu.yield
    }) : () -> ()
    %lt3A = arith.constant 10 : i32
    %lt3A_2 = arith.cmpi slt, %arg1, %lt3A : i32
    %convert_element_type3A = arith.extui %lt3A_2 : i1 to i32
    %cond3A = arith.constant 0 : i32
    %cond3A_3 = arith.cmpi ne, %convert_element_type3A, %cond3A : i32
    scf.if %cond3A_3 {
      %mul3A_85 = arith.constant 1000 : i32
      %mul3A_86 = arith.muli %arg1, %mul3A_85 : i32
      %mul3A_87 = arith.constant 1000 : i32
      %mul3A_88 = arith.muli %arg1, %mul3A_87 : i32
      "tpu.region"() ({
        %run_scoped3A_89 = tpu.sem_alloc : memref<!tpu.dma_semaphore, #tpu.memory_space<semaphore_mem>>
        %dma_start3A_90 = arith.constant 0 : i32
        %dma_start3A_91 = tpu.memref_slice %arg8[%mul3A_88, %dma_start3A_90] : memref<10000x128xf32, #tpu.memory_space<vmem_shared>> -> memref<1000x128xf32, #tpu.memory_space<vmem_shared>>
        %dma_start3A_92 = arith.constant 0 : i32
        %dma_start3A_93 = tpu.memref_slice %arg3[%mul3A_86, %dma_start3A_92] : memref<10000x128xf32, #tpu.memory_space<hbm>> -> memref<1000x128xf32, #tpu.memory_space<hbm>>
        tpu.enqueue_dma source(%dma_start3A_93 : memref<1000x128xf32, #tpu.memory_space<hbm>>) target(%dma_start3A_91 : memref<1000x128xf32, #tpu.memory_space<vmem_shared>>) target_semaphore(%run_scoped3A_89 : memref<!tpu.dma_semaphore, #tpu.memory_space<semaphore_mem>>)
        %dma_wait3A_94 = arith.constant 0 : i32
        %dma_wait3A_95 = tpu.memref_slice %arg8[%mul3A_88, %dma_wait3A_94] : memref<10000x128xf32, #tpu.memory_space<vmem_shared>> -> memref<1000x128xf32, #tpu.memory_space<vmem_shared>>
        %dma_wait3A_96 = arith.constant 0 : i32
        %dma_wait3A_97 = tpu.memref_slice %arg3[%mul3A_86, %dma_wait3A_96] : memref<10000x128xf32, #tpu.memory_space<hbm>> -> memref<1000x128xf32, #tpu.memory_space<hbm>>
        tpu.wait_dma2 semaphore(%run_scoped3A_89 : memref<!tpu.dma_semaphore, #tpu.memory_space<semaphore_mem>>) src(%dma_wait3A_97 : memref<1000x128xf32, #tpu.memory_space<hbm>>) dst(%dma_wait3A_95 : memref<1000x128xf32, #tpu.memory_space<vmem_shared>>)
        tpu.yield
      }) : () -> ()
    } else {
    }
    %barrier3A = arith.constant 0 : index
    tpu.barrier barrier_id(%barrier3A)
    %dma_start3A = arith.constant 0 : i32
    %dma_start3A_4 = arith.constant 0 : i32
    %dma_start3A_5 = arith.constant 0 : i32
    %dma_start3A_6 = arith.constant 0 : i32
    %dma_start3A_7 = tpu.memref_slice %arg7[%dma_start3A_4, %dma_start3A_5, %dma_start3A_6] : memref<2x80x128xf32, #tpu.memory_space<vmem>> -> memref<1x80x128xf32, #tpu.memory_space<vmem>>
    %dma_start3A_8 = tpu.memref_squeeze %dma_start3A_7 : memref<1x80x128xf32, #tpu.memory_space<vmem>> -> memref<80x128xf32, #tpu.memory_space<vmem>>
    %dma_start3A_9 = arith.constant 0 : i32
    %dma_start3A_10 = tpu.memref_slice %arg5[%dma_start3A, %dma_start3A_9] : memref<125x80xi32, #tpu.memory_space<vmem>> -> memref<1x80xi32, #tpu.memory_space<vmem>>
    %dma_start3A_11 = tpu.memref_squeeze %dma_start3A_10 : memref<1x80xi32, #tpu.memory_space<vmem>> -> memref<80xi32, #tpu.memory_space<vmem>>
    %dma_start3A_12 = arith.constant 0 : i32
    %dma_start3A_13 = arith.constant 0 : i32
    %dma_start3A_14 = tpu.memref_slice %arg3[%dma_start3A_12, %dma_start3A_13] : memref<10000x128xf32, #tpu.memory_space<hbm>> -> memref<10000x128xf32, #tpu.memory_space<hbm>>
    tpu.enqueue_indirect_dma source(%dma_start3A_14 : memref<10000x128xf32, #tpu.memory_space<hbm>>) target(%dma_start3A_8 : memref<80x128xf32, #tpu.memory_space<vmem>>) offsets(%dma_start3A_11 : memref<80xi32, #tpu.memory_space<vmem>>) semaphore(%arg9 : memref<!tpu.dma_semaphore, #tpu.memory_space<semaphore_mem>>)
    %scan3A = arith.constant 0 : i32
    %scan3A_15 = arith.constant 0 : i32
    %scan3A_16 = arith.constant 62 : i32
    %scan3A_17 = arith.addi %scan3A_15, %scan3A_16 : i32
    %scan3A_18 = arith.constant 1 : i32
    scf.for %scan3A_85 = %scan3A_15 to %scan3A_17 step %scan3A_18  : i32 {
      %mul3A_86 = arith.constant 2 : i32
      %mul3A_87 = arith.muli %mul3A_86, %scan3A_85 : i32
      %mul3A_88 = arith.constant 1 : i32
      %mul3A_89 = arith.muli %mul3A_87, %mul3A_88 : i32
      %add3A_90 = arith.constant 0 : i32
      %add3A_91 = arith.addi %mul3A_89, %add3A_90 : i32
      %dma_wait3A_92 = arith.constant 0 : i32
      %dma_wait3A_93 = arith.constant 0 : i32
      %dma_wait3A_94 = arith.constant 0 : i32
      %dma_wait3A_95 = tpu.memref_slice %arg7[%dma_wait3A_92, %dma_wait3A_93, %dma_wait3A_94] : memref<2x80x128xf32, #tpu.memory_space<vmem>> -> memref<1x80x128xf32, #tpu.memory_space<vmem>>
      %dma_wait3A_96 = tpu.memref_squeeze %dma_wait3A_95 : memref<1x80x128xf32, #tpu.memory_space<vmem>> -> memref<80x128xf32, #tpu.memory_space<vmem>>
      %dma_wait3A_97 = arith.constant 0 : i32
      %dma_wait3A_98 = tpu.memref_slice %arg5[%add3A_91, %dma_wait3A_97] : memref<125x80xi32, #tpu.memory_space<vmem>> -> memref<1x80xi32, #tpu.memory_space<vmem>>
      %dma_wait3A_99 = tpu.memref_squeeze %dma_wait3A_98 : memref<1x80xi32, #tpu.memory_space<vmem>> -> memref<80xi32, #tpu.memory_space<vmem>>
      %dma_wait3A_100 = arith.constant 0 : i32
      %dma_wait3A_101 = arith.constant 0 : i32
      %dma_wait3A_102 = tpu.memref_slice %arg3[%dma_wait3A_100, %dma_wait3A_101] : memref<10000x128xf32, #tpu.memory_space<hbm>> -> memref<10000x128xf32, #tpu.memory_space<hbm>>
      tpu.wait_indirect_dma semaphore(%arg9 : memref<!tpu.dma_semaphore, #tpu.memory_space<semaphore_mem>>) src(%dma_wait3A_102 : memref<10000x128xf32, #tpu.memory_space<hbm>>) dst(%dma_wait3A_96 : memref<80x128xf32, #tpu.memory_space<vmem>>)
      %add3A_103 = arith.constant 0 : i32
      %add3A_104 = arith.addi %mul3A_89, %add3A_103 : i32
      %dma_start3A_105 = arith.constant 0 : i32
      %dma_start3A_106 = arith.constant 0 : i32
      %dma_start3A_107 = arith.constant 0 : i32
      %dma_start3A_108 = tpu.memref_slice %arg7[%dma_start3A_105, %dma_start3A_106, %dma_start3A_107] : memref<2x80x128xf32, #tpu.memory_space<vmem>> -> memref<1x80x128xf32, #tpu.memory_space<vmem>>
      %dma_start3A_109 = tpu.memref_squeeze %dma_start3A_108 : memref<1x80x128xf32, #tpu.memory_space<vmem>> -> memref<80x128xf32, #tpu.memory_space<vmem>>
      %dma_start3A_110 = arith.constant 0 : i32
      %dma_start3A_111 = tpu.memref_slice %arg6[%add3A_104, %dma_start3A_110] : memref<125x80xi32, #tpu.memory_space<vmem>> -> memref<1x80xi32, #tpu.memory_space<vmem>>
      %dma_start3A_112 = tpu.memref_squeeze %dma_start3A_111 : memref<1x80xi32, #tpu.memory_space<vmem>> -> memref<80xi32, #tpu.memory_space<vmem>>
      %dma_start3A_113 = arith.constant 0 : i32
      %dma_start3A_114 = arith.constant 0 : i32
      %dma_start3A_115 = tpu.memref_slice %arg8[%dma_start3A_113, %dma_start3A_114] : memref<10000x128xf32, #tpu.memory_space<vmem_shared>> -> memref<10000x128xf32, #tpu.memory_space<vmem_shared>>
      tpu.enqueue_indirect_dma source(%dma_start3A_109 : memref<80x128xf32, #tpu.memory_space<vmem>>) target(%dma_start3A_115 : memref<10000x128xf32, #tpu.memory_space<vmem_shared>>) offsets(%dma_start3A_112 : memref<80xi32, #tpu.memory_space<vmem>>) semaphore(%arg10 : memref<!tpu.dma_semaphore, #tpu.memory_space<semaphore_mem>>) {add = true}
      %gt3A = arith.constant 0 : i32
      %gt3A_116 = arith.cmpi sgt, %scan3A_85, %gt3A : i32
      %convert_element_type3A_117 = arith.extui %gt3A_116 : i1 to i32
      %cond3A_118 = arith.constant 0 : i32
      %cond3A_119 = arith.cmpi ne, %convert_element_type3A_117, %cond3A_118 : i32
      scf.if %cond3A_119 {
        %sub3A = arith.constant 1 : i32
        %sub3A_183 = arith.subi %mul3A_89, %sub3A : i32
        %add3A_184 = arith.constant 0 : i32
        %add3A_185 = arith.addi %sub3A_183, %add3A_184 : i32
        %dma_wait3A_186 = arith.constant 1 : i32
        %dma_wait3A_187 = arith.constant 0 : i32
        %dma_wait3A_188 = arith.constant 0 : i32
        %dma_wait3A_189 = tpu.memref_slice %arg7[%dma_wait3A_186, %dma_wait3A_187, %dma_wait3A_188] : memref<2x80x128xf32, #tpu.memory_space<vmem>> -> memref<1x80x128xf32, #tpu.memory_space<vmem>>
        %dma_wait3A_190 = tpu.memref_squeeze %dma_wait3A_189 : memref<1x80x128xf32, #tpu.memory_space<vmem>> -> memref<80x128xf32, #tpu.memory_space<vmem>>
        %dma_wait3A_191 = arith.constant 0 : i32
        %dma_wait3A_192 = tpu.memref_slice %arg6[%add3A_185, %dma_wait3A_191] : memref<125x80xi32, #tpu.memory_space<vmem>> -> memref<1x80xi32, #tpu.memory_space<vmem>>
        %dma_wait3A_193 = tpu.memref_squeeze %dma_wait3A_192 : memref<1x80xi32, #tpu.memory_space<vmem>> -> memref<80xi32, #tpu.memory_space<vmem>>
        %dma_wait3A_194 = arith.constant 0 : i32
        %dma_wait3A_195 = arith.constant 0 : i32
        %dma_wait3A_196 = tpu.memref_slice %arg8[%dma_wait3A_194, %dma_wait3A_195] : memref<10000x128xf32, #tpu.memory_space<vmem_shared>> -> memref<10000x128xf32, #tpu.memory_space<vmem_shared>>
        tpu.wait_indirect_dma semaphore(%arg10 : memref<!tpu.dma_semaphore, #tpu.memory_space<semaphore_mem>>) src(%dma_wait3A_190 : memref<80x128xf32, #tpu.memory_space<vmem>>) dst(%dma_wait3A_196 : memref<10000x128xf32, #tpu.memory_space<vmem_shared>>)
      } else {
      }
      %add3A_120 = arith.constant 1 : i32
      %add3A_121 = arith.addi %mul3A_89, %add3A_120 : i32
      %add3A_122 = arith.constant 0 : i32
      %add3A_123 = arith.addi %add3A_121, %add3A_122 : i32
      %dma_start3A_124 = arith.constant 1 : i32
      %dma_start3A_125 = arith.constant 0 : i32
      %dma_start3A_126 = arith.constant 0 : i32
      %dma_start3A_127 = tpu.memref_slice %arg7[%dma_start3A_124, %dma_start3A_125, %dma_start3A_126] : memref<2x80x128xf32, #tpu.memory_space<vmem>> -> memref<1x80x128xf32, #tpu.memory_space<vmem>>
      %dma_start3A_128 = tpu.memref_squeeze %dma_start3A_127 : memref<1x80x128xf32, #tpu.memory_space<vmem>> -> memref<80x128xf32, #tpu.memory_space<vmem>>
      %dma_start3A_129 = arith.constant 0 : i32
      %dma_start3A_130 = tpu.memref_slice %arg5[%add3A_123, %dma_start3A_129] : memref<125x80xi32, #tpu.memory_space<vmem>> -> memref<1x80xi32, #tpu.memory_space<vmem>>
      %dma_start3A_131 = tpu.memref_squeeze %dma_start3A_130 : memref<1x80xi32, #tpu.memory_space<vmem>> -> memref<80xi32, #tpu.memory_space<vmem>>
      %dma_start3A_132 = arith.constant 0 : i32
      %dma_start3A_133 = arith.constant 0 : i32
      %dma_start3A_134 = tpu.memref_slice %arg3[%dma_start3A_132, %dma_start3A_133] : memref<10000x128xf32, #tpu.memory_space<hbm>> -> memref<10000x128xf32, #tpu.memory_space<hbm>>
      tpu.enqueue_indirect_dma source(%dma_start3A_134 : memref<10000x128xf32, #tpu.memory_space<hbm>>) target(%dma_start3A_128 : memref<80x128xf32, #tpu.memory_space<vmem>>) offsets(%dma_start3A_131 : memref<80xi32, #tpu.memory_space<vmem>>) semaphore(%arg9 : memref<!tpu.dma_semaphore, #tpu.memory_space<semaphore_mem>>)
      %add3A_135 = arith.constant 1 : i32
      %add3A_136 = arith.addi %mul3A_89, %add3A_135 : i32
      %add3A_137 = arith.constant 0 : i32
      %add3A_138 = arith.addi %add3A_136, %add3A_137 : i32
      %dma_wait3A_139 = arith.constant 1 : i32
      %dma_wait3A_140 = arith.constant 0 : i32
      %dma_wait3A_141 = arith.constant 0 : i32
      %dma_wait3A_142 = tpu.memref_slice %arg7[%dma_wait3A_139, %dma_wait3A_140, %dma_wait3A_141] : memref<2x80x128xf32, #tpu.memory_space<vmem>> -> memref<1x80x128xf32, #tpu.memory_space<vmem>>
      %dma_wait3A_143 = tpu.memref_squeeze %dma_wait3A_142 : memref<1x80x128xf32, #tpu.memory_space<vmem>> -> memref<80x128xf32, #tpu.memory_space<vmem>>
      %dma_wait3A_144 = arith.constant 0 : i32
      %dma_wait3A_145 = tpu.memref_slice %arg5[%add3A_138, %dma_wait3A_144] : memref<125x80xi32, #tpu.memory_space<vmem>> -> memref<1x80xi32, #tpu.memory_space<vmem>>
      %dma_wait3A_146 = tpu.memref_squeeze %dma_wait3A_145 : memref<1x80xi32, #tpu.memory_space<vmem>> -> memref<80xi32, #tpu.memory_space<vmem>>
      %dma_wait3A_147 = arith.constant 0 : i32
      %dma_wait3A_148 = arith.constant 0 : i32
      %dma_wait3A_149 = tpu.memref_slice %arg3[%dma_wait3A_147, %dma_wait3A_148] : memref<10000x128xf32, #tpu.memory_space<hbm>> -> memref<10000x128xf32, #tpu.memory_space<hbm>>
      tpu.wait_indirect_dma semaphore(%arg9 : memref<!tpu.dma_semaphore, #tpu.memory_space<semaphore_mem>>) src(%dma_wait3A_149 : memref<10000x128xf32, #tpu.memory_space<hbm>>) dst(%dma_wait3A_143 : memref<80x128xf32, #tpu.memory_space<vmem>>)
      %add3A_150 = arith.constant 1 : i32
      %add3A_151 = arith.addi %mul3A_89, %add3A_150 : i32
      %add3A_152 = arith.constant 0 : i32
      %add3A_153 = arith.addi %add3A_151, %add3A_152 : i32
      %dma_start3A_154 = arith.constant 1 : i32
      %dma_start3A_155 = arith.constant 0 : i32
      %dma_start3A_156 = arith.constant 0 : i32
      %dma_start3A_157 = tpu.memref_slice %arg7[%dma_start3A_154, %dma_start3A_155, %dma_start3A_156] : memref<2x80x128xf32, #tpu.memory_space<vmem>> -> memref<1x80x128xf32, #tpu.memory_space<vmem>>
      %dma_start3A_158 = tpu.memref_squeeze %dma_start3A_157 : memref<1x80x128xf32, #tpu.memory_space<vmem>> -> memref<80x128xf32, #tpu.memory_space<vmem>>
      %dma_start3A_159 = arith.constant 0 : i32
      %dma_start3A_160 = tpu.memref_slice %arg6[%add3A_153, %dma_start3A_159] : memref<125x80xi32, #tpu.memory_space<vmem>> -> memref<1x80xi32, #tpu.memory_space<vmem>>
      %dma_start3A_161 = tpu.memref_squeeze %dma_start3A_160 : memref<1x80xi32, #tpu.memory_space<vmem>> -> memref<80xi32, #tpu.memory_space<vmem>>
      %dma_start3A_162 = arith.constant 0 : i32
      %dma_start3A_163 = arith.constant 0 : i32
      %dma_start3A_164 = tpu.memref_slice %arg8[%dma_start3A_162, %dma_start3A_163] : memref<10000x128xf32, #tpu.memory_space<vmem_shared>> -> memref<10000x128xf32, #tpu.memory_space<vmem_shared>>
      tpu.enqueue_indirect_dma source(%dma_start3A_158 : memref<80x128xf32, #tpu.memory_space<vmem>>) target(%dma_start3A_164 : memref<10000x128xf32, #tpu.memory_space<vmem_shared>>) offsets(%dma_start3A_161 : memref<80xi32, #tpu.memory_space<vmem>>) semaphore(%arg10 : memref<!tpu.dma_semaphore, #tpu.memory_space<semaphore_mem>>) {add = true}
      %add3A_165 = arith.constant 0 : i32
      %add3A_166 = arith.addi %mul3A_89, %add3A_165 : i32
      %dma_wait3A_167 = arith.constant 0 : i32
      %dma_wait3A_168 = arith.constant 0 : i32
      %dma_wait3A_169 = arith.constant 0 : i32
      %dma_wait3A_170 = tpu.memref_slice %arg7[%dma_wait3A_167, %dma_wait3A_168, %dma_wait3A_169] : memref<2x80x128xf32, #tpu.memory_space<vmem>> -> memref<1x80x128xf32, #tpu.memory_space<vmem>>
      %dma_wait3A_171 = tpu.memref_squeeze %dma_wait3A_170 : memref<1x80x128xf32, #tpu.memory_space<vmem>> -> memref<80x128xf32, #tpu.memory_space<vmem>>
      %dma_wait3A_172 = arith.constant 0 : i32
      %dma_wait3A_173 = tpu.memref_slice %arg6[%add3A_166, %dma_wait3A_172] : memref<125x80xi32, #tpu.memory_space<vmem>> -> memref<1x80xi32, #tpu.memory_space<vmem>>
      %dma_wait3A_174 = tpu.memref_squeeze %dma_wait3A_173 : memref<1x80xi32, #tpu.memory_space<vmem>> -> memref<80xi32, #tpu.memory_space<vmem>>
      %dma_wait3A_175 = arith.constant 0 : i32
      %dma_wait3A_176 = arith.constant 0 : i32
      %dma_wait3A_177 = tpu.memref_slice %arg8[%dma_wait3A_175, %dma_wait3A_176] : memref<10000x128xf32, #tpu.memory_space<vmem_shared>> -> memref<10000x128xf32, #tpu.memory_space<vmem_shared>>
      tpu.wait_indirect_dma semaphore(%arg10 : memref<!tpu.dma_semaphore, #tpu.memory_space<semaphore_mem>>) src(%dma_wait3A_171 : memref<80x128xf32, #tpu.memory_space<vmem>>) dst(%dma_wait3A_177 : memref<10000x128xf32, #tpu.memory_space<vmem_shared>>)
      %lt3A_178 = arith.constant 61 : i32
      %lt3A_179 = arith.cmpi slt, %scan3A_85, %lt3A_178 : i32
      %convert_element_type3A_180 = arith.extui %lt3A_179 : i1 to i32
      %cond3A_181 = arith.constant 0 : i32
      %cond3A_182 = arith.cmpi ne, %convert_element_type3A_180, %cond3A_181 : i32
      scf.if %cond3A_182 {
        %add3A_183 = arith.constant 2 : i32
        %add3A_184 = arith.addi %mul3A_89, %add3A_183 : i32
        %add3A_185 = arith.constant 0 : i32
        %add3A_186 = arith.addi %add3A_184, %add3A_185 : i32
        %dma_start3A_187 = arith.constant 0 : i32
        %dma_start3A_188 = arith.constant 0 : i32
        %dma_start3A_189 = arith.constant 0 : i32
        %dma_start3A_190 = tpu.memref_slice %arg7[%dma_start3A_187, %dma_start3A_188, %dma_start3A_189] : memref<2x80x128xf32, #tpu.memory_space<vmem>> -> memref<1x80x128xf32, #tpu.memory_space<vmem>>
        %dma_start3A_191 = tpu.memref_squeeze %dma_start3A_190 : memref<1x80x128xf32, #tpu.memory_space<vmem>> -> memref<80x128xf32, #tpu.memory_space<vmem>>
        %dma_start3A_192 = arith.constant 0 : i32
        %dma_start3A_193 = tpu.memref_slice %arg5[%add3A_186, %dma_start3A_192] : memref<125x80xi32, #tpu.memory_space<vmem>> -> memref<1x80xi32, #tpu.memory_space<vmem>>
        %dma_start3A_194 = tpu.memref_squeeze %dma_start3A_193 : memref<1x80xi32, #tpu.memory_space<vmem>> -> memref<80xi32, #tpu.memory_space<vmem>>
        %dma_start3A_195 = arith.constant 0 : i32
        %dma_start3A_196 = arith.constant 0 : i32
        %dma_start3A_197 = tpu.memref_slice %arg3[%dma_start3A_195, %dma_start3A_196] : memref<10000x128xf32, #tpu.memory_space<hbm>> -> memref<10000x128xf32, #tpu.memory_space<hbm>>
        tpu.enqueue_indirect_dma source(%dma_start3A_197 : memref<10000x128xf32, #tpu.memory_space<hbm>>) target(%dma_start3A_191 : memref<80x128xf32, #tpu.memory_space<vmem>>) offsets(%dma_start3A_194 : memref<80xi32, #tpu.memory_space<vmem>>) semaphore(%arg9 : memref<!tpu.dma_semaphore, #tpu.memory_space<semaphore_mem>>)
      } else {
      }
    }
    %scan3A_19 = arith.constant 62 : i32
    %dma_wait3A = arith.constant 1 : i32
    %dma_wait3A_20 = arith.constant 123 : i32
    %dma_wait3A_21 = arith.constant 0 : i32
    %dma_wait3A_22 = arith.constant 0 : i32
    %dma_wait3A_23 = tpu.memref_slice %arg7[%dma_wait3A, %dma_wait3A_21, %dma_wait3A_22] : memref<2x80x128xf32, #tpu.memory_space<vmem>> -> memref<1x80x128xf32, #tpu.memory_space<vmem>>
    %dma_wait3A_24 = tpu.memref_squeeze %dma_wait3A_23 : memref<1x80x128xf32, #tpu.memory_space<vmem>> -> memref<80x128xf32, #tpu.memory_space<vmem>>
    %dma_wait3A_25 = arith.constant 0 : i32
    %dma_wait3A_26 = tpu.memref_slice %arg6[%dma_wait3A_20, %dma_wait3A_25] : memref<125x80xi32, #tpu.memory_space<vmem>> -> memref<1x80xi32, #tpu.memory_space<vmem>>
    %dma_wait3A_27 = tpu.memref_squeeze %dma_wait3A_26 : memref<1x80xi32, #tpu.memory_space<vmem>> -> memref<80xi32, #tpu.memory_space<vmem>>
    %dma_wait3A_28 = arith.constant 0 : i32
    %dma_wait3A_29 = arith.constant 0 : i32
    %dma_wait3A_30 = tpu.memref_slice %arg8[%dma_wait3A_28, %dma_wait3A_29] : memref<10000x128xf32, #tpu.memory_space<vmem_shared>> -> memref<10000x128xf32, #tpu.memory_space<vmem_shared>>
    tpu.wait_indirect_dma semaphore(%arg10 : memref<!tpu.dma_semaphore, #tpu.memory_space<semaphore_mem>>) src(%dma_wait3A_24 : memref<80x128xf32, #tpu.memory_space<vmem>>) dst(%dma_wait3A_30 : memref<10000x128xf32, #tpu.memory_space<vmem_shared>>)
    %dma_start3A_31 = arith.constant 124 : i32
    %dma_start3A_32 = arith.constant 0 : i32
    %dma_start3A_33 = arith.constant 0 : i32
    %dma_start3A_34 = arith.constant 0 : i32
    %dma_start3A_35 = tpu.memref_slice %arg7[%dma_start3A_32, %dma_start3A_33, %dma_start3A_34] : memref<2x80x128xf32, #tpu.memory_space<vmem>> -> memref<1x80x128xf32, #tpu.memory_space<vmem>>
    %dma_start3A_36 = tpu.memref_squeeze %dma_start3A_35 : memref<1x80x128xf32, #tpu.memory_space<vmem>> -> memref<80x128xf32, #tpu.memory_space<vmem>>
    %dma_start3A_37 = arith.constant 0 : i32
    %dma_start3A_38 = tpu.memref_slice %arg5[%dma_start3A_31, %dma_start3A_37] : memref<125x80xi32, #tpu.memory_space<vmem>> -> memref<1x80xi32, #tpu.memory_space<vmem>>
    %dma_start3A_39 = tpu.memref_squeeze %dma_start3A_38 : memref<1x80xi32, #tpu.memory_space<vmem>> -> memref<80xi32, #tpu.memory_space<vmem>>
    %dma_start3A_40 = arith.constant 0 : i32
    %dma_start3A_41 = arith.constant 0 : i32
    %dma_start3A_42 = tpu.memref_slice %arg3[%dma_start3A_40, %dma_start3A_41] : memref<10000x128xf32, #tpu.memory_space<hbm>> -> memref<10000x128xf32, #tpu.memory_space<hbm>>
    tpu.enqueue_indirect_dma source(%dma_start3A_42 : memref<10000x128xf32, #tpu.memory_space<hbm>>) target(%dma_start3A_36 : memref<80x128xf32, #tpu.memory_space<vmem>>) offsets(%dma_start3A_39 : memref<80xi32, #tpu.memory_space<vmem>>) semaphore(%arg9 : memref<!tpu.dma_semaphore, #tpu.memory_space<semaphore_mem>>)
    %dma_wait3A_43 = arith.constant 124 : i32
    %dma_wait3A_44 = arith.constant 0 : i32
    %dma_wait3A_45 = arith.constant 0 : i32
    %dma_wait3A_46 = arith.constant 0 : i32
    %dma_wait3A_47 = tpu.memref_slice %arg7[%dma_wait3A_44, %dma_wait3A_45, %dma_wait3A_46] : memref<2x80x128xf32, #tpu.memory_space<vmem>> -> memref<1x80x128xf32, #tpu.memory_space<vmem>>
    %dma_wait3A_48 = tpu.memref_squeeze %dma_wait3A_47 : memref<1x80x128xf32, #tpu.memory_space<vmem>> -> memref<80x128xf32, #tpu.memory_space<vmem>>
    %dma_wait3A_49 = arith.constant 0 : i32
    %dma_wait3A_50 = tpu.memref_slice %arg5[%dma_wait3A_43, %dma_wait3A_49] : memref<125x80xi32, #tpu.memory_space<vmem>> -> memref<1x80xi32, #tpu.memory_space<vmem>>
    %dma_wait3A_51 = tpu.memref_squeeze %dma_wait3A_50 : memref<1x80xi32, #tpu.memory_space<vmem>> -> memref<80xi32, #tpu.memory_space<vmem>>
    %dma_wait3A_52 = arith.constant 0 : i32
    %dma_wait3A_53 = arith.constant 0 : i32
    %dma_wait3A_54 = tpu.memref_slice %arg3[%dma_wait3A_52, %dma_wait3A_53] : memref<10000x128xf32, #tpu.memory_space<hbm>> -> memref<10000x128xf32, #tpu.memory_space<hbm>>
    tpu.wait_indirect_dma semaphore(%arg9 : memref<!tpu.dma_semaphore, #tpu.memory_space<semaphore_mem>>) src(%dma_wait3A_54 : memref<10000x128xf32, #tpu.memory_space<hbm>>) dst(%dma_wait3A_48 : memref<80x128xf32, #tpu.memory_space<vmem>>)
    %dma_start3A_55 = arith.constant 0 : i32
    %dma_start3A_56 = arith.constant 124 : i32
    %dma_start3A_57 = arith.constant 0 : i32
    %dma_start3A_58 = arith.constant 0 : i32
    %dma_start3A_59 = tpu.memref_slice %arg7[%dma_start3A_55, %dma_start3A_57, %dma_start3A_58] : memref<2x80x128xf32, #tpu.memory_space<vmem>> -> memref<1x80x128xf32, #tpu.memory_space<vmem>>
    %dma_start3A_60 = tpu.memref_squeeze %dma_start3A_59 : memref<1x80x128xf32, #tpu.memory_space<vmem>> -> memref<80x128xf32, #tpu.memory_space<vmem>>
    %dma_start3A_61 = arith.constant 0 : i32
    %dma_start3A_62 = tpu.memref_slice %arg6[%dma_start3A_56, %dma_start3A_61] : memref<125x80xi32, #tpu.memory_space<vmem>> -> memref<1x80xi32, #tpu.memory_space<vmem>>
    %dma_start3A_63 = tpu.memref_squeeze %dma_start3A_62 : memref<1x80xi32, #tpu.memory_space<vmem>> -> memref<80xi32, #tpu.memory_space<vmem>>
    %dma_start3A_64 = arith.constant 0 : i32
    %dma_start3A_65 = arith.constant 0 : i32
    %dma_start3A_66 = tpu.memref_slice %arg8[%dma_start3A_64, %dma_start3A_65] : memref<10000x128xf32, #tpu.memory_space<vmem_shared>> -> memref<10000x128xf32, #tpu.memory_space<vmem_shared>>
    tpu.enqueue_indirect_dma source(%dma_start3A_60 : memref<80x128xf32, #tpu.memory_space<vmem>>) target(%dma_start3A_66 : memref<10000x128xf32, #tpu.memory_space<vmem_shared>>) offsets(%dma_start3A_63 : memref<80xi32, #tpu.memory_space<vmem>>) semaphore(%arg10 : memref<!tpu.dma_semaphore, #tpu.memory_space<semaphore_mem>>) {add = true}
    %dma_wait3A_67 = arith.constant 0 : i32
    %dma_wait3A_68 = arith.constant 124 : i32
    %dma_wait3A_69 = arith.constant 0 : i32
    %dma_wait3A_70 = arith.constant 0 : i32
    %dma_wait3A_71 = tpu.memref_slice %arg7[%dma_wait3A_67, %dma_wait3A_69, %dma_wait3A_70] : memref<2x80x128xf32, #tpu.memory_space<vmem>> -> memref<1x80x128xf32, #tpu.memory_space<vmem>>
    %dma_wait3A_72 = tpu.memref_squeeze %dma_wait3A_71 : memref<1x80x128xf32, #tpu.memory_space<vmem>> -> memref<80x128xf32, #tpu.memory_space<vmem>>
    %dma_wait3A_73 = arith.constant 0 : i32
    %dma_wait3A_74 = tpu.memref_slice %arg6[%dma_wait3A_68, %dma_wait3A_73] : memref<125x80xi32, #tpu.memory_space<vmem>> -> memref<1x80xi32, #tpu.memory_space<vmem>>
    %dma_wait3A_75 = tpu.memref_squeeze %dma_wait3A_74 : memref<1x80xi32, #tpu.memory_space<vmem>> -> memref<80xi32, #tpu.memory_space<vmem>>
    %dma_wait3A_76 = arith.constant 0 : i32
    %dma_wait3A_77 = arith.constant 0 : i32
    %dma_wait3A_78 = tpu.memref_slice %arg8[%dma_wait3A_76, %dma_wait3A_77] : memref<10000x128xf32, #tpu.memory_space<vmem_shared>> -> memref<10000x128xf32, #tpu.memory_space<vmem_shared>>
    tpu.wait_indirect_dma semaphore(%arg10 : memref<!tpu.dma_semaphore, #tpu.memory_space<semaphore_mem>>) src(%dma_wait3A_72 : memref<80x128xf32, #tpu.memory_space<vmem>>) dst(%dma_wait3A_78 : memref<10000x128xf32, #tpu.memory_space<vmem_shared>>)
    %barrier3A_79 = arith.constant 0 : index
    tpu.barrier barrier_id(%barrier3A_79)
    %lt3A_80 = arith.constant 10 : i32
    %lt3A_81 = arith.cmpi slt, %arg1, %lt3A_80 : i32
    %convert_element_type3A_82 = arith.extui %lt3A_81 : i1 to i32
    %cond3A_83 = arith.constant 0 : i32
    %cond3A_84 = arith.cmpi ne, %convert_element_type3A_82, %cond3A_83 : i32
    scf.if %cond3A_84 {
      %mul3A_85 = arith.constant 1000 : i32
      %mul3A_86 = arith.muli %arg1, %mul3A_85 : i32
      %mul3A_87 = arith.constant 1000 : i32
      %mul3A_88 = arith.muli %arg1, %mul3A_87 : i32
      "tpu.region"() ({
        %run_scoped3A_89 = tpu.sem_alloc : memref<!tpu.dma_semaphore, #tpu.memory_space<semaphore_mem>>
        %dma_start3A_90 = arith.constant 0 : i32
        %dma_start3A_91 = tpu.memref_slice %arg4[%arg0, %mul3A_88, %dma_start3A_90] : memref<2x10000x128xf32, #tpu.memory_space<hbm>> -> memref<1x1000x128xf32, #tpu.memory_space<hbm>>
        %dma_start3A_92 = tpu.memref_squeeze %dma_start3A_91 : memref<1x1000x128xf32, #tpu.memory_space<hbm>> -> memref<1000x128xf32, #tpu.memory_space<hbm>>
        %dma_start3A_93 = arith.constant 0 : i32
        %dma_start3A_94 = tpu.memref_slice %arg8[%mul3A_86, %dma_start3A_93] : memref<10000x128xf32, #tpu.memory_space<vmem_shared>> -> memref<1000x128xf32, #tpu.memory_space<vmem_shared>>
        tpu.enqueue_dma source(%dma_start3A_94 : memref<1000x128xf32, #tpu.memory_space<vmem_shared>>) target(%dma_start3A_92 : memref<1000x128xf32, #tpu.memory_space<hbm>>) target_semaphore(%run_scoped3A_89 : memref<!tpu.dma_semaphore, #tpu.memory_space<semaphore_mem>>)
        %dma_wait3A_95 = arith.constant 0 : i32
        %dma_wait3A_96 = tpu.memref_slice %arg4[%arg0, %mul3A_88, %dma_wait3A_95] : memref<2x10000x128xf32, #tpu.memory_space<hbm>> -> memref<1x1000x128xf32, #tpu.memory_space<hbm>>
        %dma_wait3A_97 = tpu.memref_squeeze %dma_wait3A_96 : memref<1x1000x128xf32, #tpu.memory_space<hbm>> -> memref<1000x128xf32, #tpu.memory_space<hbm>>
        %dma_wait3A_98 = arith.constant 0 : i32
        %dma_wait3A_99 = tpu.memref_slice %arg8[%mul3A_86, %dma_wait3A_98] : memref<10000x128xf32, #tpu.memory_space<vmem_shared>> -> memref<1000x128xf32, #tpu.memory_space<vmem_shared>>
        tpu.wait_dma2 semaphore(%run_scoped3A_89 : memref<!tpu.dma_semaphore, #tpu.memory_space<semaphore_mem>>) src(%dma_wait3A_99 : memref<1000x128xf32, #tpu.memory_space<vmem_shared>>) dst(%dma_wait3A_97 : memref<1000x128xf32, #tpu.memory_space<hbm>>)
        tpu.yield
      }) : () -> ()
    } else {
    }
    return
  }
}

#map = affine_map<(d0, d1) -> (0, 0, 0, 0)>
#map1 = affine_map<(d0, d1) -> (0, 0)>
#map2 = affine_map<(d0, d1) -> (0, 0, 0)>
module attributes {stable_mosaic.version = 14 : i64} {
  func.func @_deg_sc(%arg0: i32, %arg1: i32, %arg2: memref<2x32x125x80xi32, #tpu.memory_space<hbm>>, %arg3: memref<10000x16xf32, #tpu.memory_space<hbm>>, %arg4: memref<80x16xf32, #tpu.memory_space<hbm>>, %arg5: memref<2x10000x16xf32, #tpu.memory_space<hbm>>, %arg6: memref<125x80xi32, #tpu.memory_space<vmem>>, %arg7: memref<80x16xf32, #tpu.memory_space<vmem>>, %arg8: memref<10000x16xf32, #tpu.memory_space<vmem_shared>>) attributes {dimension_semantics = [#tpu.dimension_semantics<core_parallel>, #tpu.dimension_semantics<subcore_parallel>], iteration_bounds = array<i64: 2, 16>, scalar_prefetch = 0 : i64, scratch_operands = 3 : i64, tpu.core_type = #tpu.core_type<sc_vector_subcore>, window_params = [{transform_indices = #map}, {transform_indices = #map1}, {transform_indices = #map1}, {transform_indices = #map2}]} {
    %mul3A = arith.constant 16 : i32
    %mul3A_0 = arith.muli %arg0, %mul3A : i32
    %add3A = arith.addi %mul3A_0, %arg1 : i32
    %run_scoped3A = arith.constant 1 : i32
    "tpu.region"() ({
      %run_scoped3A_14 = tpu.sem_alloc : memref<!tpu.dma_semaphore, #tpu.memory_space<semaphore_mem>>
      %dma_start3A = arith.constant 0 : i32
      %dma_start3A_15 = arith.constant 0 : i32
      %dma_start3A_16 = tpu.memref_slice %arg2[%run_scoped3A, %add3A, %dma_start3A, %dma_start3A_15] : memref<2x32x125x80xi32, #tpu.memory_space<hbm>> -> memref<1x1x125x80xi32, #tpu.memory_space<hbm>>
      %dma_start3A_17 = tpu.memref_squeeze %dma_start3A_16 : memref<1x1x125x80xi32, #tpu.memory_space<hbm>> -> memref<125x80xi32, #tpu.memory_space<hbm>>
      %dma_start3A_18 = arith.constant 0 : i32
      %dma_start3A_19 = arith.constant 0 : i32
      %dma_start3A_20 = tpu.memref_slice %arg2[%run_scoped3A, %add3A, %dma_start3A_18, %dma_start3A_19] : memref<2x32x125x80xi32, #tpu.memory_space<hbm>> -> memref<1x1x125x80xi32, #tpu.memory_space<hbm>>
      %dma_start3A_21 = tpu.memref_squeeze %dma_start3A_20 : memref<1x1x125x80xi32, #tpu.memory_space<hbm>> -> memref<125x80xi32, #tpu.memory_space<hbm>>
      tpu.enqueue_dma source(%dma_start3A_21 : memref<125x80xi32, #tpu.memory_space<hbm>>) target(%arg6 : memref<125x80xi32, #tpu.memory_space<vmem>>) target_semaphore(%run_scoped3A_14 : memref<!tpu.dma_semaphore, #tpu.memory_space<semaphore_mem>>)
      %dma_wait3A = arith.constant 0 : i32
      %dma_wait3A_22 = arith.constant 0 : i32
      %dma_wait3A_23 = tpu.memref_slice %arg2[%run_scoped3A, %add3A, %dma_wait3A, %dma_wait3A_22] : memref<2x32x125x80xi32, #tpu.memory_space<hbm>> -> memref<1x1x125x80xi32, #tpu.memory_space<hbm>>
      %dma_wait3A_24 = tpu.memref_squeeze %dma_wait3A_23 : memref<1x1x125x80xi32, #tpu.memory_space<hbm>> -> memref<125x80xi32, #tpu.memory_space<hbm>>
      %dma_wait3A_25 = arith.constant 0 : i32
      %dma_wait3A_26 = arith.constant 0 : i32
      %dma_wait3A_27 = tpu.memref_slice %arg2[%run_scoped3A, %add3A, %dma_wait3A_25, %dma_wait3A_26] : memref<2x32x125x80xi32, #tpu.memory_space<hbm>> -> memref<1x1x125x80xi32, #tpu.memory_space<hbm>>
      %dma_wait3A_28 = tpu.memref_squeeze %dma_wait3A_27 : memref<1x1x125x80xi32, #tpu.memory_space<hbm>> -> memref<125x80xi32, #tpu.memory_space<hbm>>
      tpu.wait_dma2 semaphore(%run_scoped3A_14 : memref<!tpu.dma_semaphore, #tpu.memory_space<semaphore_mem>>) src(%dma_wait3A_28 : memref<125x80xi32, #tpu.memory_space<hbm>>) dst(%arg6 : memref<125x80xi32, #tpu.memory_space<vmem>>)
      tpu.yield
    }) : () -> ()
    "tpu.region"() ({
      %run_scoped3A_14 = tpu.sem_alloc : memref<!tpu.dma_semaphore, #tpu.memory_space<semaphore_mem>>
      tpu.enqueue_dma source(%arg4 : memref<80x16xf32, #tpu.memory_space<hbm>>) target(%arg7 : memref<80x16xf32, #tpu.memory_space<vmem>>) target_semaphore(%run_scoped3A_14 : memref<!tpu.dma_semaphore, #tpu.memory_space<semaphore_mem>>)
      tpu.wait_dma2 semaphore(%run_scoped3A_14 : memref<!tpu.dma_semaphore, #tpu.memory_space<semaphore_mem>>) src(%arg4 : memref<80x16xf32, #tpu.memory_space<hbm>>) dst(%arg7 : memref<80x16xf32, #tpu.memory_space<vmem>>)
      tpu.yield
    }) : () -> ()
    %lt3A = arith.constant 10 : i32
    %lt3A_1 = arith.cmpi slt, %arg1, %lt3A : i32
    %convert_element_type3A = arith.extui %lt3A_1 : i1 to i32
    %cond3A = arith.constant 0 : i32
    %cond3A_2 = arith.cmpi ne, %convert_element_type3A, %cond3A : i32
    scf.if %cond3A_2 {
      %mul3A_14 = arith.constant 1000 : i32
      %mul3A_15 = arith.muli %arg1, %mul3A_14 : i32
      %mul3A_16 = arith.constant 1000 : i32
      %mul3A_17 = arith.muli %arg1, %mul3A_16 : i32
      "tpu.region"() ({
        %run_scoped3A_18 = tpu.sem_alloc : memref<!tpu.dma_semaphore, #tpu.memory_space<semaphore_mem>>
        %dma_start3A = arith.constant 0 : i32
        %dma_start3A_19 = tpu.memref_slice %arg8[%mul3A_17, %dma_start3A] : memref<10000x16xf32, #tpu.memory_space<vmem_shared>> -> memref<1000x16xf32, #tpu.memory_space<vmem_shared>>
        %dma_start3A_20 = arith.constant 0 : i32
        %dma_start3A_21 = tpu.memref_slice %arg3[%mul3A_15, %dma_start3A_20] : memref<10000x16xf32, #tpu.memory_space<hbm>> -> memref<1000x16xf32, #tpu.memory_space<hbm>>
        tpu.enqueue_dma source(%dma_start3A_21 : memref<1000x16xf32, #tpu.memory_space<hbm>>) target(%dma_start3A_19 : memref<1000x16xf32, #tpu.memory_space<vmem_shared>>) target_semaphore(%run_scoped3A_18 : memref<!tpu.dma_semaphore, #tpu.memory_space<semaphore_mem>>)
        %dma_wait3A = arith.constant 0 : i32
        %dma_wait3A_22 = tpu.memref_slice %arg8[%mul3A_17, %dma_wait3A] : memref<10000x16xf32, #tpu.memory_space<vmem_shared>> -> memref<1000x16xf32, #tpu.memory_space<vmem_shared>>
        %dma_wait3A_23 = arith.constant 0 : i32
        %dma_wait3A_24 = tpu.memref_slice %arg3[%mul3A_15, %dma_wait3A_23] : memref<10000x16xf32, #tpu.memory_space<hbm>> -> memref<1000x16xf32, #tpu.memory_space<hbm>>
        tpu.wait_dma2 semaphore(%run_scoped3A_18 : memref<!tpu.dma_semaphore, #tpu.memory_space<semaphore_mem>>) src(%dma_wait3A_24 : memref<1000x16xf32, #tpu.memory_space<hbm>>) dst(%dma_wait3A_22 : memref<1000x16xf32, #tpu.memory_space<vmem_shared>>)
        tpu.yield
      }) : () -> ()
    } else {
    }
    %barrier3A = arith.constant 0 : index
    tpu.barrier barrier_id(%barrier3A)
    %scan3A = arith.constant 0 : i32
    %scan3A_3 = arith.constant 0 : i32
    %scan3A_4 = arith.constant 125 : i32
    %scan3A_5 = arith.addi %scan3A_3, %scan3A_4 : i32
    %scan3A_6 = arith.constant 1 : i32
    scf.for %scan3A_14 = %scan3A_3 to %scan3A_5 step %scan3A_6  : i32 {
      "tpu.region"() ({
        %run_scoped3A_15 = tpu.sem_alloc : memref<!tpu.dma_semaphore, #tpu.memory_space<semaphore_mem>>
        %dma_start3A = arith.constant 0 : i32
        %dma_start3A_16 = tpu.memref_slice %arg6[%scan3A_14, %dma_start3A] : memref<125x80xi32, #tpu.memory_space<vmem>> -> memref<1x80xi32, #tpu.memory_space<vmem>>
        %dma_start3A_17 = tpu.memref_squeeze %dma_start3A_16 : memref<1x80xi32, #tpu.memory_space<vmem>> -> memref<80xi32, #tpu.memory_space<vmem>>
        %dma_start3A_18 = arith.constant 0 : i32
        %dma_start3A_19 = arith.constant 0 : i32
        %dma_start3A_20 = tpu.memref_slice %arg8[%dma_start3A_18, %dma_start3A_19] : memref<10000x16xf32, #tpu.memory_space<vmem_shared>> -> memref<10000x16xf32, #tpu.memory_space<vmem_shared>>
        tpu.enqueue_indirect_dma source(%arg7 : memref<80x16xf32, #tpu.memory_space<vmem>>) target(%dma_start3A_20 : memref<10000x16xf32, #tpu.memory_space<vmem_shared>>) offsets(%dma_start3A_17 : memref<80xi32, #tpu.memory_space<vmem>>) semaphore(%run_scoped3A_15 : memref<!tpu.dma_semaphore, #tpu.memory_space<semaphore_mem>>) {add = true}
        %dma_wait3A = arith.constant 0 : i32
        %dma_wait3A_21 = tpu.memref_slice %arg6[%scan3A_14, %dma_wait3A] : memref<125x80xi32, #tpu.memory_space<vmem>> -> memref<1x80xi32, #tpu.memory_space<vmem>>
        %dma_wait3A_22 = tpu.memref_squeeze %dma_wait3A_21 : memref<1x80xi32, #tpu.memory_space<vmem>> -> memref<80xi32, #tpu.memory_space<vmem>>
        %dma_wait3A_23 = arith.constant 0 : i32
        %dma_wait3A_24 = arith.constant 0 : i32
        %dma_wait3A_25 = tpu.memref_slice %arg8[%dma_wait3A_23, %dma_wait3A_24] : memref<10000x16xf32, #tpu.memory_space<vmem_shared>> -> memref<10000x16xf32, #tpu.memory_space<vmem_shared>>
        tpu.wait_indirect_dma semaphore(%run_scoped3A_15 : memref<!tpu.dma_semaphore, #tpu.memory_space<semaphore_mem>>) src(%arg7 : memref<80x16xf32, #tpu.memory_space<vmem>>) dst(%dma_wait3A_25 : memref<10000x16xf32, #tpu.memory_space<vmem_shared>>)
        tpu.yield
      }) : () -> ()
    }
    %scan3A_7 = arith.constant 125 : i32
    %barrier3A_8 = arith.constant 0 : index
    tpu.barrier barrier_id(%barrier3A_8)
    %lt3A_9 = arith.constant 10 : i32
    %lt3A_10 = arith.cmpi slt, %arg1, %lt3A_9 : i32
    %convert_element_type3A_11 = arith.extui %lt3A_10 : i1 to i32
    %cond3A_12 = arith.constant 0 : i32
    %cond3A_13 = arith.cmpi ne, %convert_element_type3A_11, %cond3A_12 : i32
    scf.if %cond3A_13 {
      %mul3A_14 = arith.constant 1000 : i32
      %mul3A_15 = arith.muli %arg1, %mul3A_14 : i32
      %mul3A_16 = arith.constant 1000 : i32
      %mul3A_17 = arith.muli %arg1, %mul3A_16 : i32
      "tpu.region"() ({
        %run_scoped3A_18 = tpu.sem_alloc : memref<!tpu.dma_semaphore, #tpu.memory_space<semaphore_mem>>
        %dma_start3A = arith.constant 0 : i32
        %dma_start3A_19 = tpu.memref_slice %arg5[%arg0, %mul3A_17, %dma_start3A] : memref<2x10000x16xf32, #tpu.memory_space<hbm>> -> memref<1x1000x16xf32, #tpu.memory_space<hbm>>
        %dma_start3A_20 = tpu.memref_squeeze %dma_start3A_19 : memref<1x1000x16xf32, #tpu.memory_space<hbm>> -> memref<1000x16xf32, #tpu.memory_space<hbm>>
        %dma_start3A_21 = arith.constant 0 : i32
        %dma_start3A_22 = tpu.memref_slice %arg8[%mul3A_15, %dma_start3A_21] : memref<10000x16xf32, #tpu.memory_space<vmem_shared>> -> memref<1000x16xf32, #tpu.memory_space<vmem_shared>>
        tpu.enqueue_dma source(%dma_start3A_22 : memref<1000x16xf32, #tpu.memory_space<vmem_shared>>) target(%dma_start3A_20 : memref<1000x16xf32, #tpu.memory_space<hbm>>) target_semaphore(%run_scoped3A_18 : memref<!tpu.dma_semaphore, #tpu.memory_space<semaphore_mem>>)
        %dma_wait3A = arith.constant 0 : i32
        %dma_wait3A_23 = tpu.memref_slice %arg5[%arg0, %mul3A_17, %dma_wait3A] : memref<2x10000x16xf32, #tpu.memory_space<hbm>> -> memref<1x1000x16xf32, #tpu.memory_space<hbm>>
        %dma_wait3A_24 = tpu.memref_squeeze %dma_wait3A_23 : memref<1x1000x16xf32, #tpu.memory_space<hbm>> -> memref<1000x16xf32, #tpu.memory_space<hbm>>
        %dma_wait3A_25 = arith.constant 0 : i32
        %dma_wait3A_26 = tpu.memref_slice %arg8[%mul3A_15, %dma_wait3A_25] : memref<10000x16xf32, #tpu.memory_space<vmem_shared>> -> memref<1000x16xf32, #tpu.memory_space<vmem_shared>>
        tpu.wait_dma2 semaphore(%run_scoped3A_18 : memref<!tpu.dma_semaphore, #tpu.memory_space<semaphore_mem>>) src(%dma_wait3A_26 : memref<1000x16xf32, #tpu.memory_space<vmem_shared>>) dst(%dma_wait3A_24 : memref<1000x16xf32, #tpu.memory_space<hbm>>)
        tpu.yield
      }) : () -> ()
    } else {
    }
    return
  }
}

#map = affine_map<(d0, d1) -> (0, 0, 0, 0)>
#map1 = affine_map<(d0, d1) -> (0, 0)>
#map2 = affine_map<(d0, d1) -> (0, 0, 0)>
module attributes {stable_mosaic.version = 14 : i64} {
  func.func @_agg(%arg0: i32, %arg1: i32, %arg2: memref<2x32x125x80xi32, #tpu.memory_space<hbm>>, %arg3: memref<10000x16xf32, #tpu.memory_space<hbm>>, %arg4: memref<2x10000x16xf32, #tpu.memory_space<hbm>>, %arg5: memref<125x80xi32, #tpu.memory_space<vmem>>, %arg6: memref<125x80xi32, #tpu.memory_space<vmem>>, %arg7: memref<10x80x16xf32, #tpu.memory_space<vmem>>, %arg8: memref<10000x16xf32, #tpu.memory_space<vmem_shared>>, %arg9: memref<!tpu.dma_semaphore, #tpu.memory_space<semaphore_mem>>, %arg10: memref<!tpu.dma_semaphore, #tpu.memory_space<semaphore_mem>>) attributes {dimension_semantics = [#tpu.dimension_semantics<core_parallel>, #tpu.dimension_semantics<subcore_parallel>], iteration_bounds = array<i64: 2, 16>, scalar_prefetch = 0 : i64, scratch_operands = 6 : i64, tpu.core_type = #tpu.core_type<sc_vector_subcore>, window_params = [{transform_indices = #map}, {transform_indices = #map1}, {transform_indices = #map2}]} {
    %mul3A = arith.constant 16 : i32
    %mul3A_0 = arith.muli %arg0, %mul3A : i32
    %add3A = arith.addi %mul3A_0, %arg1 : i32
    %run_scoped3A = arith.constant 0 : i32
    "tpu.region"() ({
      %run_scoped3A_373 = tpu.sem_alloc : memref<!tpu.dma_semaphore, #tpu.memory_space<semaphore_mem>>
      %dma_start3A_374 = arith.constant 0 : i32
      %dma_start3A_375 = arith.constant 0 : i32
      %dma_start3A_376 = tpu.memref_slice %arg2[%run_scoped3A, %add3A, %dma_start3A_374, %dma_start3A_375] : memref<2x32x125x80xi32, #tpu.memory_space<hbm>> -> memref<1x1x125x80xi32, #tpu.memory_space<hbm>>
      %dma_start3A_377 = tpu.memref_squeeze %dma_start3A_376 : memref<1x1x125x80xi32, #tpu.memory_space<hbm>> -> memref<125x80xi32, #tpu.memory_space<hbm>>
      %dma_start3A_378 = arith.constant 0 : i32
      %dma_start3A_379 = arith.constant 0 : i32
      %dma_start3A_380 = tpu.memref_slice %arg2[%run_scoped3A, %add3A, %dma_start3A_378, %dma_start3A_379] : memref<2x32x125x80xi32, #tpu.memory_space<hbm>> -> memref<1x1x125x80xi32, #tpu.memory_space<hbm>>
      %dma_start3A_381 = tpu.memref_squeeze %dma_start3A_380 : memref<1x1x125x80xi32, #tpu.memory_space<hbm>> -> memref<125x80xi32, #tpu.memory_space<hbm>>
      tpu.enqueue_dma source(%dma_start3A_381 : memref<125x80xi32, #tpu.memory_space<hbm>>) target(%arg5 : memref<125x80xi32, #tpu.memory_space<vmem>>) target_semaphore(%run_scoped3A_373 : memref<!tpu.dma_semaphore, #tpu.memory_space<semaphore_mem>>)
      %dma_wait3A_382 = arith.constant 0 : i32
      %dma_wait3A_383 = arith.constant 0 : i32
      %dma_wait3A_384 = tpu.memref_slice %arg2[%run_scoped3A, %add3A, %dma_wait3A_382, %dma_wait3A_383] : memref<2x32x125x80xi32, #tpu.memory_space<hbm>> -> memref<1x1x125x80xi32, #tpu.memory_space<hbm>>
      %dma_wait3A_385 = tpu.memref_squeeze %dma_wait3A_384 : memref<1x1x125x80xi32, #tpu.memory_space<hbm>> -> memref<125x80xi32, #tpu.memory_space<hbm>>
      %dma_wait3A_386 = arith.constant 0 : i32
      %dma_wait3A_387 = arith.constant 0 : i32
      %dma_wait3A_388 = tpu.memref_slice %arg2[%run_scoped3A, %add3A, %dma_wait3A_386, %dma_wait3A_387] : memref<2x32x125x80xi32, #tpu.memory_space<hbm>> -> memref<1x1x125x80xi32, #tpu.memory_space<hbm>>
      %dma_wait3A_389 = tpu.memref_squeeze %dma_wait3A_388 : memref<1x1x125x80xi32, #tpu.memory_space<hbm>> -> memref<125x80xi32, #tpu.memory_space<hbm>>
      tpu.wait_dma2 semaphore(%run_scoped3A_373 : memref<!tpu.dma_semaphore, #tpu.memory_space<semaphore_mem>>) src(%dma_wait3A_389 : memref<125x80xi32, #tpu.memory_space<hbm>>) dst(%arg5 : memref<125x80xi32, #tpu.memory_space<vmem>>)
      tpu.yield
    }) : () -> ()
    %run_scoped3A_1 = arith.constant 1 : i32
    "tpu.region"() ({
      %run_scoped3A_373 = tpu.sem_alloc : memref<!tpu.dma_semaphore, #tpu.memory_space<semaphore_mem>>
      %dma_start3A_374 = arith.constant 0 : i32
      %dma_start3A_375 = arith.constant 0 : i32
      %dma_start3A_376 = tpu.memref_slice %arg2[%run_scoped3A_1, %add3A, %dma_start3A_374, %dma_start3A_375] : memref<2x32x125x80xi32, #tpu.memory_space<hbm>> -> memref<1x1x125x80xi32, #tpu.memory_space<hbm>>
      %dma_start3A_377 = tpu.memref_squeeze %dma_start3A_376 : memref<1x1x125x80xi32, #tpu.memory_space<hbm>> -> memref<125x80xi32, #tpu.memory_space<hbm>>
      %dma_start3A_378 = arith.constant 0 : i32
      %dma_start3A_379 = arith.constant 0 : i32
      %dma_start3A_380 = tpu.memref_slice %arg2[%run_scoped3A_1, %add3A, %dma_start3A_378, %dma_start3A_379] : memref<2x32x125x80xi32, #tpu.memory_space<hbm>> -> memref<1x1x125x80xi32, #tpu.memory_space<hbm>>
      %dma_start3A_381 = tpu.memref_squeeze %dma_start3A_380 : memref<1x1x125x80xi32, #tpu.memory_space<hbm>> -> memref<125x80xi32, #tpu.memory_space<hbm>>
      tpu.enqueue_dma source(%dma_start3A_381 : memref<125x80xi32, #tpu.memory_space<hbm>>) target(%arg6 : memref<125x80xi32, #tpu.memory_space<vmem>>) target_semaphore(%run_scoped3A_373 : memref<!tpu.dma_semaphore, #tpu.memory_space<semaphore_mem>>)
      %dma_wait3A_382 = arith.constant 0 : i32
      %dma_wait3A_383 = arith.constant 0 : i32
      %dma_wait3A_384 = tpu.memref_slice %arg2[%run_scoped3A_1, %add3A, %dma_wait3A_382, %dma_wait3A_383] : memref<2x32x125x80xi32, #tpu.memory_space<hbm>> -> memref<1x1x125x80xi32, #tpu.memory_space<hbm>>
      %dma_wait3A_385 = tpu.memref_squeeze %dma_wait3A_384 : memref<1x1x125x80xi32, #tpu.memory_space<hbm>> -> memref<125x80xi32, #tpu.memory_space<hbm>>
      %dma_wait3A_386 = arith.constant 0 : i32
      %dma_wait3A_387 = arith.constant 0 : i32
      %dma_wait3A_388 = tpu.memref_slice %arg2[%run_scoped3A_1, %add3A, %dma_wait3A_386, %dma_wait3A_387] : memref<2x32x125x80xi32, #tpu.memory_space<hbm>> -> memref<1x1x125x80xi32, #tpu.memory_space<hbm>>
      %dma_wait3A_389 = tpu.memref_squeeze %dma_wait3A_388 : memref<1x1x125x80xi32, #tpu.memory_space<hbm>> -> memref<125x80xi32, #tpu.memory_space<hbm>>
      tpu.wait_dma2 semaphore(%run_scoped3A_373 : memref<!tpu.dma_semaphore, #tpu.memory_space<semaphore_mem>>) src(%dma_wait3A_389 : memref<125x80xi32, #tpu.memory_space<hbm>>) dst(%arg6 : memref<125x80xi32, #tpu.memory_space<vmem>>)
      tpu.yield
    }) : () -> ()
    %lt3A = arith.constant 10 : i32
    %lt3A_2 = arith.cmpi slt, %arg1, %lt3A : i32
    %convert_element_type3A = arith.extui %lt3A_2 : i1 to i32
    %cond3A = arith.constant 0 : i32
    %cond3A_3 = arith.cmpi ne, %convert_element_type3A, %cond3A : i32
    scf.if %cond3A_3 {
      %mul3A_373 = arith.constant 1000 : i32
      %mul3A_374 = arith.muli %arg1, %mul3A_373 : i32
      %mul3A_375 = arith.constant 1000 : i32
      %mul3A_376 = arith.muli %arg1, %mul3A_375 : i32
      "tpu.region"() ({
        %run_scoped3A_377 = tpu.sem_alloc : memref<!tpu.dma_semaphore, #tpu.memory_space<semaphore_mem>>
        %dma_start3A_378 = arith.constant 0 : i32
        %dma_start3A_379 = tpu.memref_slice %arg8[%mul3A_376, %dma_start3A_378] : memref<10000x16xf32, #tpu.memory_space<vmem_shared>> -> memref<1000x16xf32, #tpu.memory_space<vmem_shared>>
        %dma_start3A_380 = arith.constant 0 : i32
        %dma_start3A_381 = tpu.memref_slice %arg3[%mul3A_374, %dma_start3A_380] : memref<10000x16xf32, #tpu.memory_space<hbm>> -> memref<1000x16xf32, #tpu.memory_space<hbm>>
        tpu.enqueue_dma source(%dma_start3A_381 : memref<1000x16xf32, #tpu.memory_space<hbm>>) target(%dma_start3A_379 : memref<1000x16xf32, #tpu.memory_space<vmem_shared>>) target_semaphore(%run_scoped3A_377 : memref<!tpu.dma_semaphore, #tpu.memory_space<semaphore_mem>>)
        %dma_wait3A_382 = arith.constant 0 : i32
        %dma_wait3A_383 = tpu.memref_slice %arg8[%mul3A_376, %dma_wait3A_382] : memref<10000x16xf32, #tpu.memory_space<vmem_shared>> -> memref<1000x16xf32, #tpu.memory_space<vmem_shared>>
        %dma_wait3A_384 = arith.constant 0 : i32
        %dma_wait3A_385 = tpu.memref_slice %arg3[%mul3A_374, %dma_wait3A_384] : memref<10000x16xf32, #tpu.memory_space<hbm>> -> memref<1000x16xf32, #tpu.memory_space<hbm>>
        tpu.wait_dma2 semaphore(%run_scoped3A_377 : memref<!tpu.dma_semaphore, #tpu.memory_space<semaphore_mem>>) src(%dma_wait3A_385 : memref<1000x16xf32, #tpu.memory_space<hbm>>) dst(%dma_wait3A_383 : memref<1000x16xf32, #tpu.memory_space<vmem_shared>>)
        tpu.yield
      }) : () -> ()
    } else {
    }
    %barrier3A = arith.constant 0 : index
    tpu.barrier barrier_id(%barrier3A)
    %dma_start3A = arith.constant 0 : i32
    %dma_start3A_4 = arith.constant 0 : i32
    %dma_start3A_5 = arith.constant 0 : i32
    %dma_start3A_6 = arith.constant 0 : i32
    %dma_start3A_7 = tpu.memref_slice %arg7[%dma_start3A_4, %dma_start3A_5, %dma_start3A_6] : memref<10x80x16xf32, #tpu.memory_space<vmem>> -> memref<1x80x16xf32, #tpu.memory_space<vmem>>
    %dma_start3A_8 = tpu.memref_squeeze %dma_start3A_7 : memref<1x80x16xf32, #tpu.memory_space<vmem>> -> memref<80x16xf32, #tpu.memory_space<vmem>>
    %dma_start3A_9 = arith.constant 0 : i32
    %dma_start3A_10 = tpu.memref_slice %arg5[%dma_start3A, %dma_start3A_9] : memref<125x80xi32, #tpu.memory_space<vmem>> -> memref<1x80xi32, #tpu.memory_space<vmem>>
    %dma_start3A_11 = tpu.memref_squeeze %dma_start3A_10 : memref<1x80xi32, #tpu.memory_space<vmem>> -> memref<80xi32, #tpu.memory_space<vmem>>
    %dma_start3A_12 = arith.constant 0 : i32
    %dma_start3A_13 = arith.constant 0 : i32
    %dma_start3A_14 = tpu.memref_slice %arg3[%dma_start3A_12, %dma_start3A_13] : memref<10000x16xf32, #tpu.memory_space<hbm>> -> memref<10000x16xf32, #tpu.memory_space<hbm>>
    tpu.enqueue_indirect_dma source(%dma_start3A_14 : memref<10000x16xf32, #tpu.memory_space<hbm>>) target(%dma_start3A_8 : memref<80x16xf32, #tpu.memory_space<vmem>>) offsets(%dma_start3A_11 : memref<80xi32, #tpu.memory_space<vmem>>) semaphore(%arg9 : memref<!tpu.dma_semaphore, #tpu.memory_space<semaphore_mem>>)
    %dma_start3A_15 = arith.constant 1 : i32
    %dma_start3A_16 = arith.constant 1 : i32
    %dma_start3A_17 = arith.constant 0 : i32
    %dma_start3A_18 = arith.constant 0 : i32
    %dma_start3A_19 = tpu.memref_slice %arg7[%dma_start3A_16, %dma_start3A_17, %dma_start3A_18] : memref<10x80x16xf32, #tpu.memory_space<vmem>> -> memref<1x80x16xf32, #tpu.memory_space<vmem>>
    %dma_start3A_20 = tpu.memref_squeeze %dma_start3A_19 : memref<1x80x16xf32, #tpu.memory_space<vmem>> -> memref<80x16xf32, #tpu.memory_space<vmem>>
    %dma_start3A_21 = arith.constant 0 : i32
    %dma_start3A_22 = tpu.memref_slice %arg5[%dma_start3A_15, %dma_start3A_21] : memref<125x80xi32, #tpu.memory_space<vmem>> -> memref<1x80xi32, #tpu.memory_space<vmem>>
    %dma_start3A_23 = tpu.memref_squeeze %dma_start3A_22 : memref<1x80xi32, #tpu.memory_space<vmem>> -> memref<80xi32, #tpu.memory_space<vmem>>
    %dma_start3A_24 = arith.constant 0 : i32
    %dma_start3A_25 = arith.constant 0 : i32
    %dma_start3A_26 = tpu.memref_slice %arg3[%dma_start3A_24, %dma_start3A_25] : memref<10000x16xf32, #tpu.memory_space<hbm>> -> memref<10000x16xf32, #tpu.memory_space<hbm>>
    tpu.enqueue_indirect_dma source(%dma_start3A_26 : memref<10000x16xf32, #tpu.memory_space<hbm>>) target(%dma_start3A_20 : memref<80x16xf32, #tpu.memory_space<vmem>>) offsets(%dma_start3A_23 : memref<80xi32, #tpu.memory_space<vmem>>) semaphore(%arg9 : memref<!tpu.dma_semaphore, #tpu.memory_space<semaphore_mem>>)
    %dma_start3A_27 = arith.constant 2 : i32
    %dma_start3A_28 = arith.constant 2 : i32
    %dma_start3A_29 = arith.constant 0 : i32
    %dma_start3A_30 = arith.constant 0 : i32
    %dma_start3A_31 = tpu.memref_slice %arg7[%dma_start3A_28, %dma_start3A_29, %dma_start3A_30] : memref<10x80x16xf32, #tpu.memory_space<vmem>> -> memref<1x80x16xf32, #tpu.memory_space<vmem>>
    %dma_start3A_32 = tpu.memref_squeeze %dma_start3A_31 : memref<1x80x16xf32, #tpu.memory_space<vmem>> -> memref<80x16xf32, #tpu.memory_space<vmem>>
    %dma_start3A_33 = arith.constant 0 : i32
    %dma_start3A_34 = tpu.memref_slice %arg5[%dma_start3A_27, %dma_start3A_33] : memref<125x80xi32, #tpu.memory_space<vmem>> -> memref<1x80xi32, #tpu.memory_space<vmem>>
    %dma_start3A_35 = tpu.memref_squeeze %dma_start3A_34 : memref<1x80xi32, #tpu.memory_space<vmem>> -> memref<80xi32, #tpu.memory_space<vmem>>
    %dma_start3A_36 = arith.constant 0 : i32
    %dma_start3A_37 = arith.constant 0 : i32
    %dma_start3A_38 = tpu.memref_slice %arg3[%dma_start3A_36, %dma_start3A_37] : memref<10000x16xf32, #tpu.memory_space<hbm>> -> memref<10000x16xf32, #tpu.memory_space<hbm>>
    tpu.enqueue_indirect_dma source(%dma_start3A_38 : memref<10000x16xf32, #tpu.memory_space<hbm>>) target(%dma_start3A_32 : memref<80x16xf32, #tpu.memory_space<vmem>>) offsets(%dma_start3A_35 : memref<80xi32, #tpu.memory_space<vmem>>) semaphore(%arg9 : memref<!tpu.dma_semaphore, #tpu.memory_space<semaphore_mem>>)
    %dma_start3A_39 = arith.constant 3 : i32
    %dma_start3A_40 = arith.constant 3 : i32
    %dma_start3A_41 = arith.constant 0 : i32
    %dma_start3A_42 = arith.constant 0 : i32
    %dma_start3A_43 = tpu.memref_slice %arg7[%dma_start3A_40, %dma_start3A_41, %dma_start3A_42] : memref<10x80x16xf32, #tpu.memory_space<vmem>> -> memref<1x80x16xf32, #tpu.memory_space<vmem>>
    %dma_start3A_44 = tpu.memref_squeeze %dma_start3A_43 : memref<1x80x16xf32, #tpu.memory_space<vmem>> -> memref<80x16xf32, #tpu.memory_space<vmem>>
    %dma_start3A_45 = arith.constant 0 : i32
    %dma_start3A_46 = tpu.memref_slice %arg5[%dma_start3A_39, %dma_start3A_45] : memref<125x80xi32, #tpu.memory_space<vmem>> -> memref<1x80xi32, #tpu.memory_space<vmem>>
    %dma_start3A_47 = tpu.memref_squeeze %dma_start3A_46 : memref<1x80xi32, #tpu.memory_space<vmem>> -> memref<80xi32, #tpu.memory_space<vmem>>
    %dma_start3A_48 = arith.constant 0 : i32
    %dma_start3A_49 = arith.constant 0 : i32
    %dma_start3A_50 = tpu.memref_slice %arg3[%dma_start3A_48, %dma_start3A_49] : memref<10000x16xf32, #tpu.memory_space<hbm>> -> memref<10000x16xf32, #tpu.memory_space<hbm>>
    tpu.enqueue_indirect_dma source(%dma_start3A_50 : memref<10000x16xf32, #tpu.memory_space<hbm>>) target(%dma_start3A_44 : memref<80x16xf32, #tpu.memory_space<vmem>>) offsets(%dma_start3A_47 : memref<80xi32, #tpu.memory_space<vmem>>) semaphore(%arg9 : memref<!tpu.dma_semaphore, #tpu.memory_space<semaphore_mem>>)
    %dma_start3A_51 = arith.constant 4 : i32
    %dma_start3A_52 = arith.constant 4 : i32
    %dma_start3A_53 = arith.constant 0 : i32
    %dma_start3A_54 = arith.constant 0 : i32
    %dma_start3A_55 = tpu.memref_slice %arg7[%dma_start3A_52, %dma_start3A_53, %dma_start3A_54] : memref<10x80x16xf32, #tpu.memory_space<vmem>> -> memref<1x80x16xf32, #tpu.memory_space<vmem>>
    %dma_start3A_56 = tpu.memref_squeeze %dma_start3A_55 : memref<1x80x16xf32, #tpu.memory_space<vmem>> -> memref<80x16xf32, #tpu.memory_space<vmem>>
    %dma_start3A_57 = arith.constant 0 : i32
    %dma_start3A_58 = tpu.memref_slice %arg5[%dma_start3A_51, %dma_start3A_57] : memref<125x80xi32, #tpu.memory_space<vmem>> -> memref<1x80xi32, #tpu.memory_space<vmem>>
    %dma_start3A_59 = tpu.memref_squeeze %dma_start3A_58 : memref<1x80xi32, #tpu.memory_space<vmem>> -> memref<80xi32, #tpu.memory_space<vmem>>
    %dma_start3A_60 = arith.constant 0 : i32
    %dma_start3A_61 = arith.constant 0 : i32
    %dma_start3A_62 = tpu.memref_slice %arg3[%dma_start3A_60, %dma_start3A_61] : memref<10000x16xf32, #tpu.memory_space<hbm>> -> memref<10000x16xf32, #tpu.memory_space<hbm>>
    tpu.enqueue_indirect_dma source(%dma_start3A_62 : memref<10000x16xf32, #tpu.memory_space<hbm>>) target(%dma_start3A_56 : memref<80x16xf32, #tpu.memory_space<vmem>>) offsets(%dma_start3A_59 : memref<80xi32, #tpu.memory_space<vmem>>) semaphore(%arg9 : memref<!tpu.dma_semaphore, #tpu.memory_space<semaphore_mem>>)
    %scan3A = arith.constant 0 : i32
    %scan3A_63 = arith.constant 0 : i32
    %scan3A_64 = arith.constant 12 : i32
    %scan3A_65 = arith.addi %scan3A_63, %scan3A_64 : i32
    %scan3A_66 = arith.constant 1 : i32
    scf.for %scan3A_373 = %scan3A_63 to %scan3A_65 step %scan3A_66  : i32 {
      %mul3A_374 = arith.constant 2 : i32
      %mul3A_375 = arith.muli %mul3A_374, %scan3A_373 : i32
      %mul3A_376 = arith.constant 5 : i32
      %mul3A_377 = arith.muli %mul3A_375, %mul3A_376 : i32
      %add3A_378 = arith.constant 0 : i32
      %add3A_379 = arith.addi %mul3A_377, %add3A_378 : i32
      %dma_wait3A_380 = arith.constant 0 : i32
      %dma_wait3A_381 = arith.constant 0 : i32
      %dma_wait3A_382 = arith.constant 0 : i32
      %dma_wait3A_383 = tpu.memref_slice %arg7[%dma_wait3A_380, %dma_wait3A_381, %dma_wait3A_382] : memref<10x80x16xf32, #tpu.memory_space<vmem>> -> memref<1x80x16xf32, #tpu.memory_space<vmem>>
      %dma_wait3A_384 = tpu.memref_squeeze %dma_wait3A_383 : memref<1x80x16xf32, #tpu.memory_space<vmem>> -> memref<80x16xf32, #tpu.memory_space<vmem>>
      %dma_wait3A_385 = arith.constant 0 : i32
      %dma_wait3A_386 = tpu.memref_slice %arg5[%add3A_379, %dma_wait3A_385] : memref<125x80xi32, #tpu.memory_space<vmem>> -> memref<1x80xi32, #tpu.memory_space<vmem>>
      %dma_wait3A_387 = tpu.memref_squeeze %dma_wait3A_386 : memref<1x80xi32, #tpu.memory_space<vmem>> -> memref<80xi32, #tpu.memory_space<vmem>>
      %dma_wait3A_388 = arith.constant 0 : i32
      %dma_wait3A_389 = arith.constant 0 : i32
      %dma_wait3A_390 = tpu.memref_slice %arg3[%dma_wait3A_388, %dma_wait3A_389] : memref<10000x16xf32, #tpu.memory_space<hbm>> -> memref<10000x16xf32, #tpu.memory_space<hbm>>
      tpu.wait_indirect_dma semaphore(%arg9 : memref<!tpu.dma_semaphore, #tpu.memory_space<semaphore_mem>>) src(%dma_wait3A_390 : memref<10000x16xf32, #tpu.memory_space<hbm>>) dst(%dma_wait3A_384 : memref<80x16xf32, #tpu.memory_space<vmem>>)
      %add3A_391 = arith.constant 1 : i32
      %add3A_392 = arith.addi %mul3A_377, %add3A_391 : i32
      %dma_wait3A_393 = arith.constant 1 : i32
      %dma_wait3A_394 = arith.constant 0 : i32
      %dma_wait3A_395 = arith.constant 0 : i32
      %dma_wait3A_396 = tpu.memref_slice %arg7[%dma_wait3A_393, %dma_wait3A_394, %dma_wait3A_395] : memref<10x80x16xf32, #tpu.memory_space<vmem>> -> memref<1x80x16xf32, #tpu.memory_space<vmem>>
      %dma_wait3A_397 = tpu.memref_squeeze %dma_wait3A_396 : memref<1x80x16xf32, #tpu.memory_space<vmem>> -> memref<80x16xf32, #tpu.memory_space<vmem>>
      %dma_wait3A_398 = arith.constant 0 : i32
      %dma_wait3A_399 = tpu.memref_slice %arg5[%add3A_392, %dma_wait3A_398] : memref<125x80xi32, #tpu.memory_space<vmem>> -> memref<1x80xi32, #tpu.memory_space<vmem>>
      %dma_wait3A_400 = tpu.memref_squeeze %dma_wait3A_399 : memref<1x80xi32, #tpu.memory_space<vmem>> -> memref<80xi32, #tpu.memory_space<vmem>>
      %dma_wait3A_401 = arith.constant 0 : i32
      %dma_wait3A_402 = arith.constant 0 : i32
      %dma_wait3A_403 = tpu.memref_slice %arg3[%dma_wait3A_401, %dma_wait3A_402] : memref<10000x16xf32, #tpu.memory_space<hbm>> -> memref<10000x16xf32, #tpu.memory_space<hbm>>
      tpu.wait_indirect_dma semaphore(%arg9 : memref<!tpu.dma_semaphore, #tpu.memory_space<semaphore_mem>>) src(%dma_wait3A_403 : memref<10000x16xf32, #tpu.memory_space<hbm>>) dst(%dma_wait3A_397 : memref<80x16xf32, #tpu.memory_space<vmem>>)
      %add3A_404 = arith.constant 2 : i32
      %add3A_405 = arith.addi %mul3A_377, %add3A_404 : i32
      %dma_wait3A_406 = arith.constant 2 : i32
      %dma_wait3A_407 = arith.constant 0 : i32
      %dma_wait3A_408 = arith.constant 0 : i32
      %dma_wait3A_409 = tpu.memref_slice %arg7[%dma_wait3A_406, %dma_wait3A_407, %dma_wait3A_408] : memref<10x80x16xf32, #tpu.memory_space<vmem>> -> memref<1x80x16xf32, #tpu.memory_space<vmem>>
      %dma_wait3A_410 = tpu.memref_squeeze %dma_wait3A_409 : memref<1x80x16xf32, #tpu.memory_space<vmem>> -> memref<80x16xf32, #tpu.memory_space<vmem>>
      %dma_wait3A_411 = arith.constant 0 : i32
      %dma_wait3A_412 = tpu.memref_slice %arg5[%add3A_405, %dma_wait3A_411] : memref<125x80xi32, #tpu.memory_space<vmem>> -> memref<1x80xi32, #tpu.memory_space<vmem>>
      %dma_wait3A_413 = tpu.memref_squeeze %dma_wait3A_412 : memref<1x80xi32, #tpu.memory_space<vmem>> -> memref<80xi32, #tpu.memory_space<vmem>>
      %dma_wait3A_414 = arith.constant 0 : i32
      %dma_wait3A_415 = arith.constant 0 : i32
      %dma_wait3A_416 = tpu.memref_slice %arg3[%dma_wait3A_414, %dma_wait3A_415] : memref<10000x16xf32, #tpu.memory_space<hbm>> -> memref<10000x16xf32, #tpu.memory_space<hbm>>
      tpu.wait_indirect_dma semaphore(%arg9 : memref<!tpu.dma_semaphore, #tpu.memory_space<semaphore_mem>>) src(%dma_wait3A_416 : memref<10000x16xf32, #tpu.memory_space<hbm>>) dst(%dma_wait3A_410 : memref<80x16xf32, #tpu.memory_space<vmem>>)
      %add3A_417 = arith.constant 3 : i32
      %add3A_418 = arith.addi %mul3A_377, %add3A_417 : i32
      %dma_wait3A_419 = arith.constant 3 : i32
      %dma_wait3A_420 = arith.constant 0 : i32
      %dma_wait3A_421 = arith.constant 0 : i32
      %dma_wait3A_422 = tpu.memref_slice %arg7[%dma_wait3A_419, %dma_wait3A_420, %dma_wait3A_421] : memref<10x80x16xf32, #tpu.memory_space<vmem>> -> memref<1x80x16xf32, #tpu.memory_space<vmem>>
      %dma_wait3A_423 = tpu.memref_squeeze %dma_wait3A_422 : memref<1x80x16xf32, #tpu.memory_space<vmem>> -> memref<80x16xf32, #tpu.memory_space<vmem>>
      %dma_wait3A_424 = arith.constant 0 : i32
      %dma_wait3A_425 = tpu.memref_slice %arg5[%add3A_418, %dma_wait3A_424] : memref<125x80xi32, #tpu.memory_space<vmem>> -> memref<1x80xi32, #tpu.memory_space<vmem>>
      %dma_wait3A_426 = tpu.memref_squeeze %dma_wait3A_425 : memref<1x80xi32, #tpu.memory_space<vmem>> -> memref<80xi32, #tpu.memory_space<vmem>>
      %dma_wait3A_427 = arith.constant 0 : i32
      %dma_wait3A_428 = arith.constant 0 : i32
      %dma_wait3A_429 = tpu.memref_slice %arg3[%dma_wait3A_427, %dma_wait3A_428] : memref<10000x16xf32, #tpu.memory_space<hbm>> -> memref<10000x16xf32, #tpu.memory_space<hbm>>
      tpu.wait_indirect_dma semaphore(%arg9 : memref<!tpu.dma_semaphore, #tpu.memory_space<semaphore_mem>>) src(%dma_wait3A_429 : memref<10000x16xf32, #tpu.memory_space<hbm>>) dst(%dma_wait3A_423 : memref<80x16xf32, #tpu.memory_space<vmem>>)
      %add3A_430 = arith.constant 4 : i32
      %add3A_431 = arith.addi %mul3A_377, %add3A_430 : i32
      %dma_wait3A_432 = arith.constant 4 : i32
      %dma_wait3A_433 = arith.constant 0 : i32
      %dma_wait3A_434 = arith.constant 0 : i32
      %dma_wait3A_435 = tpu.memref_slice %arg7[%dma_wait3A_432, %dma_wait3A_433, %dma_wait3A_434] : memref<10x80x16xf32, #tpu.memory_space<vmem>> -> memref<1x80x16xf32, #tpu.memory_space<vmem>>
      %dma_wait3A_436 = tpu.memref_squeeze %dma_wait3A_435 : memref<1x80x16xf32, #tpu.memory_space<vmem>> -> memref<80x16xf32, #tpu.memory_space<vmem>>
      %dma_wait3A_437 = arith.constant 0 : i32
      %dma_wait3A_438 = tpu.memref_slice %arg5[%add3A_431, %dma_wait3A_437] : memref<125x80xi32, #tpu.memory_space<vmem>> -> memref<1x80xi32, #tpu.memory_space<vmem>>
      %dma_wait3A_439 = tpu.memref_squeeze %dma_wait3A_438 : memref<1x80xi32, #tpu.memory_space<vmem>> -> memref<80xi32, #tpu.memory_space<vmem>>
      %dma_wait3A_440 = arith.constant 0 : i32
      %dma_wait3A_441 = arith.constant 0 : i32
      %dma_wait3A_442 = tpu.memref_slice %arg3[%dma_wait3A_440, %dma_wait3A_441] : memref<10000x16xf32, #tpu.memory_space<hbm>> -> memref<10000x16xf32, #tpu.memory_space<hbm>>
      tpu.wait_indirect_dma semaphore(%arg9 : memref<!tpu.dma_semaphore, #tpu.memory_space<semaphore_mem>>) src(%dma_wait3A_442 : memref<10000x16xf32, #tpu.memory_space<hbm>>) dst(%dma_wait3A_436 : memref<80x16xf32, #tpu.memory_space<vmem>>)
      %add3A_443 = arith.constant 0 : i32
      %add3A_444 = arith.addi %mul3A_377, %add3A_443 : i32
      %dma_start3A_445 = arith.constant 0 : i32
      %dma_start3A_446 = arith.constant 0 : i32
      %dma_start3A_447 = arith.constant 0 : i32
      %dma_start3A_448 = tpu.memref_slice %arg7[%dma_start3A_445, %dma_start3A_446, %dma_start3A_447] : memref<10x80x16xf32, #tpu.memory_space<vmem>> -> memref<1x80x16xf32, #tpu.memory_space<vmem>>
      %dma_start3A_449 = tpu.memref_squeeze %dma_start3A_448 : memref<1x80x16xf32, #tpu.memory_space<vmem>> -> memref<80x16xf32, #tpu.memory_space<vmem>>
      %dma_start3A_450 = arith.constant 0 : i32
      %dma_start3A_451 = tpu.memref_slice %arg6[%add3A_444, %dma_start3A_450] : memref<125x80xi32, #tpu.memory_space<vmem>> -> memref<1x80xi32, #tpu.memory_space<vmem>>
      %dma_start3A_452 = tpu.memref_squeeze %dma_start3A_451 : memref<1x80xi32, #tpu.memory_space<vmem>> -> memref<80xi32, #tpu.memory_space<vmem>>
      %dma_start3A_453 = arith.constant 0 : i32
      %dma_start3A_454 = arith.constant 0 : i32
      %dma_start3A_455 = tpu.memref_slice %arg8[%dma_start3A_453, %dma_start3A_454] : memref<10000x16xf32, #tpu.memory_space<vmem_shared>> -> memref<10000x16xf32, #tpu.memory_space<vmem_shared>>
      tpu.enqueue_indirect_dma source(%dma_start3A_449 : memref<80x16xf32, #tpu.memory_space<vmem>>) target(%dma_start3A_455 : memref<10000x16xf32, #tpu.memory_space<vmem_shared>>) offsets(%dma_start3A_452 : memref<80xi32, #tpu.memory_space<vmem>>) semaphore(%arg10 : memref<!tpu.dma_semaphore, #tpu.memory_space<semaphore_mem>>) {add = true}
      %add3A_456 = arith.constant 1 : i32
      %add3A_457 = arith.addi %mul3A_377, %add3A_456 : i32
      %dma_start3A_458 = arith.constant 1 : i32
      %dma_start3A_459 = arith.constant 0 : i32
      %dma_start3A_460 = arith.constant 0 : i32
      %dma_start3A_461 = tpu.memref_slice %arg7[%dma_start3A_458, %dma_start3A_459, %dma_start3A_460] : memref<10x80x16xf32, #tpu.memory_space<vmem>> -> memref<1x80x16xf32, #tpu.memory_space<vmem>>
      %dma_start3A_462 = tpu.memref_squeeze %dma_start3A_461 : memref<1x80x16xf32, #tpu.memory_space<vmem>> -> memref<80x16xf32, #tpu.memory_space<vmem>>
      %dma_start3A_463 = arith.constant 0 : i32
      %dma_start3A_464 = tpu.memref_slice %arg6[%add3A_457, %dma_start3A_463] : memref<125x80xi32, #tpu.memory_space<vmem>> -> memref<1x80xi32, #tpu.memory_space<vmem>>
      %dma_start3A_465 = tpu.memref_squeeze %dma_start3A_464 : memref<1x80xi32, #tpu.memory_space<vmem>> -> memref<80xi32, #tpu.memory_space<vmem>>
      %dma_start3A_466 = arith.constant 0 : i32
      %dma_start3A_467 = arith.constant 0 : i32
      %dma_start3A_468 = tpu.memref_slice %arg8[%dma_start3A_466, %dma_start3A_467] : memref<10000x16xf32, #tpu.memory_space<vmem_shared>> -> memref<10000x16xf32, #tpu.memory_space<vmem_shared>>
      tpu.enqueue_indirect_dma source(%dma_start3A_462 : memref<80x16xf32, #tpu.memory_space<vmem>>) target(%dma_start3A_468 : memref<10000x16xf32, #tpu.memory_space<vmem_shared>>) offsets(%dma_start3A_465 : memref<80xi32, #tpu.memory_space<vmem>>) semaphore(%arg10 : memref<!tpu.dma_semaphore, #tpu.memory_space<semaphore_mem>>) {add = true}
      %add3A_469 = arith.constant 2 : i32
      %add3A_470 = arith.addi %mul3A_377, %add3A_469 : i32
      %dma_start3A_471 = arith.constant 2 : i32
      %dma_start3A_472 = arith.constant 0 : i32
      %dma_start3A_473 = arith.constant 0 : i32
      %dma_start3A_474 = tpu.memref_slice %arg7[%dma_start3A_471, %dma_start3A_472, %dma_start3A_473] : memref<10x80x16xf32, #tpu.memory_space<vmem>> -> memref<1x80x16xf32, #tpu.memory_space<vmem>>
      %dma_start3A_475 = tpu.memref_squeeze %dma_start3A_474 : memref<1x80x16xf32, #tpu.memory_space<vmem>> -> memref<80x16xf32, #tpu.memory_space<vmem>>
      %dma_start3A_476 = arith.constant 0 : i32
      %dma_start3A_477 = tpu.memref_slice %arg6[%add3A_470, %dma_start3A_476] : memref<125x80xi32, #tpu.memory_space<vmem>> -> memref<1x80xi32, #tpu.memory_space<vmem>>
      %dma_start3A_478 = tpu.memref_squeeze %dma_start3A_477 : memref<1x80xi32, #tpu.memory_space<vmem>> -> memref<80xi32, #tpu.memory_space<vmem>>
      %dma_start3A_479 = arith.constant 0 : i32
      %dma_start3A_480 = arith.constant 0 : i32
      %dma_start3A_481 = tpu.memref_slice %arg8[%dma_start3A_479, %dma_start3A_480] : memref<10000x16xf32, #tpu.memory_space<vmem_shared>> -> memref<10000x16xf32, #tpu.memory_space<vmem_shared>>
      tpu.enqueue_indirect_dma source(%dma_start3A_475 : memref<80x16xf32, #tpu.memory_space<vmem>>) target(%dma_start3A_481 : memref<10000x16xf32, #tpu.memory_space<vmem_shared>>) offsets(%dma_start3A_478 : memref<80xi32, #tpu.memory_space<vmem>>) semaphore(%arg10 : memref<!tpu.dma_semaphore, #tpu.memory_space<semaphore_mem>>) {add = true}
      %add3A_482 = arith.constant 3 : i32
      %add3A_483 = arith.addi %mul3A_377, %add3A_482 : i32
      %dma_start3A_484 = arith.constant 3 : i32
      %dma_start3A_485 = arith.constant 0 : i32
      %dma_start3A_486 = arith.constant 0 : i32
      %dma_start3A_487 = tpu.memref_slice %arg7[%dma_start3A_484, %dma_start3A_485, %dma_start3A_486] : memref<10x80x16xf32, #tpu.memory_space<vmem>> -> memref<1x80x16xf32, #tpu.memory_space<vmem>>
      %dma_start3A_488 = tpu.memref_squeeze %dma_start3A_487 : memref<1x80x16xf32, #tpu.memory_space<vmem>> -> memref<80x16xf32, #tpu.memory_space<vmem>>
      %dma_start3A_489 = arith.constant 0 : i32
      %dma_start3A_490 = tpu.memref_slice %arg6[%add3A_483, %dma_start3A_489] : memref<125x80xi32, #tpu.memory_space<vmem>> -> memref<1x80xi32, #tpu.memory_space<vmem>>
      %dma_start3A_491 = tpu.memref_squeeze %dma_start3A_490 : memref<1x80xi32, #tpu.memory_space<vmem>> -> memref<80xi32, #tpu.memory_space<vmem>>
      %dma_start3A_492 = arith.constant 0 : i32
      %dma_start3A_493 = arith.constant 0 : i32
      %dma_start3A_494 = tpu.memref_slice %arg8[%dma_start3A_492, %dma_start3A_493] : memref<10000x16xf32, #tpu.memory_space<vmem_shared>> -> memref<10000x16xf32, #tpu.memory_space<vmem_shared>>
      tpu.enqueue_indirect_dma source(%dma_start3A_488 : memref<80x16xf32, #tpu.memory_space<vmem>>) target(%dma_start3A_494 : memref<10000x16xf32, #tpu.memory_space<vmem_shared>>) offsets(%dma_start3A_491 : memref<80xi32, #tpu.memory_space<vmem>>) semaphore(%arg10 : memref<!tpu.dma_semaphore, #tpu.memory_space<semaphore_mem>>) {add = true}
      %add3A_495 = arith.constant 4 : i32
      %add3A_496 = arith.addi %mul3A_377, %add3A_495 : i32
      %dma_start3A_497 = arith.constant 4 : i32
      %dma_start3A_498 = arith.constant 0 : i32
      %dma_start3A_499 = arith.constant 0 : i32
      %dma_start3A_500 = tpu.memref_slice %arg7[%dma_start3A_497, %dma_start3A_498, %dma_start3A_499] : memref<10x80x16xf32, #tpu.memory_space<vmem>> -> memref<1x80x16xf32, #tpu.memory_space<vmem>>
      %dma_start3A_501 = tpu.memref_squeeze %dma_start3A_500 : memref<1x80x16xf32, #tpu.memory_space<vmem>> -> memref<80x16xf32, #tpu.memory_space<vmem>>
      %dma_start3A_502 = arith.constant 0 : i32
      %dma_start3A_503 = tpu.memref_slice %arg6[%add3A_496, %dma_start3A_502] : memref<125x80xi32, #tpu.memory_space<vmem>> -> memref<1x80xi32, #tpu.memory_space<vmem>>
      %dma_start3A_504 = tpu.memref_squeeze %dma_start3A_503 : memref<1x80xi32, #tpu.memory_space<vmem>> -> memref<80xi32, #tpu.memory_space<vmem>>
      %dma_start3A_505 = arith.constant 0 : i32
      %dma_start3A_506 = arith.constant 0 : i32
      %dma_start3A_507 = tpu.memref_slice %arg8[%dma_start3A_505, %dma_start3A_506] : memref<10000x16xf32, #tpu.memory_space<vmem_shared>> -> memref<10000x16xf32, #tpu.memory_space<vmem_shared>>
      tpu.enqueue_indirect_dma source(%dma_start3A_501 : memref<80x16xf32, #tpu.memory_space<vmem>>) target(%dma_start3A_507 : memref<10000x16xf32, #tpu.memory_space<vmem_shared>>) offsets(%dma_start3A_504 : memref<80xi32, #tpu.memory_space<vmem>>) semaphore(%arg10 : memref<!tpu.dma_semaphore, #tpu.memory_space<semaphore_mem>>) {add = true}
      %gt3A = arith.constant 0 : i32
      %gt3A_508 = arith.cmpi sgt, %scan3A_373, %gt3A : i32
      %convert_element_type3A_509 = arith.extui %gt3A_508 : i1 to i32
      %cond3A_510 = arith.constant 0 : i32
      %cond3A_511 = arith.cmpi ne, %convert_element_type3A_509, %cond3A_510 : i32
      scf.if %cond3A_511 {
        %sub3A = arith.constant 5 : i32
        %sub3A_783 = arith.subi %mul3A_377, %sub3A : i32
        %add3A_784 = arith.constant 0 : i32
        %add3A_785 = arith.addi %sub3A_783, %add3A_784 : i32
        %dma_wait3A_786 = arith.constant 5 : i32
        %dma_wait3A_787 = arith.constant 0 : i32
        %dma_wait3A_788 = arith.constant 0 : i32
        %dma_wait3A_789 = tpu.memref_slice %arg7[%dma_wait3A_786, %dma_wait3A_787, %dma_wait3A_788] : memref<10x80x16xf32, #tpu.memory_space<vmem>> -> memref<1x80x16xf32, #tpu.memory_space<vmem>>
        %dma_wait3A_790 = tpu.memref_squeeze %dma_wait3A_789 : memref<1x80x16xf32, #tpu.memory_space<vmem>> -> memref<80x16xf32, #tpu.memory_space<vmem>>
        %dma_wait3A_791 = arith.constant 0 : i32
        %dma_wait3A_792 = tpu.memref_slice %arg6[%add3A_785, %dma_wait3A_791] : memref<125x80xi32, #tpu.memory_space<vmem>> -> memref<1x80xi32, #tpu.memory_space<vmem>>
        %dma_wait3A_793 = tpu.memref_squeeze %dma_wait3A_792 : memref<1x80xi32, #tpu.memory_space<vmem>> -> memref<80xi32, #tpu.memory_space<vmem>>
        %dma_wait3A_794 = arith.constant 0 : i32
        %dma_wait3A_795 = arith.constant 0 : i32
        %dma_wait3A_796 = tpu.memref_slice %arg8[%dma_wait3A_794, %dma_wait3A_795] : memref<10000x16xf32, #tpu.memory_space<vmem_shared>> -> memref<10000x16xf32, #tpu.memory_space<vmem_shared>>
        tpu.wait_indirect_dma semaphore(%arg10 : memref<!tpu.dma_semaphore, #tpu.memory_space<semaphore_mem>>) src(%dma_wait3A_790 : memref<80x16xf32, #tpu.memory_space<vmem>>) dst(%dma_wait3A_796 : memref<10000x16xf32, #tpu.memory_space<vmem_shared>>)
        %add3A_797 = arith.constant 1 : i32
        %add3A_798 = arith.addi %sub3A_783, %add3A_797 : i32
        %dma_wait3A_799 = arith.constant 6 : i32
        %dma_wait3A_800 = arith.constant 0 : i32
        %dma_wait3A_801 = arith.constant 0 : i32
        %dma_wait3A_802 = tpu.memref_slice %arg7[%dma_wait3A_799, %dma_wait3A_800, %dma_wait3A_801] : memref<10x80x16xf32, #tpu.memory_space<vmem>> -> memref<1x80x16xf32, #tpu.memory_space<vmem>>
        %dma_wait3A_803 = tpu.memref_squeeze %dma_wait3A_802 : memref<1x80x16xf32, #tpu.memory_space<vmem>> -> memref<80x16xf32, #tpu.memory_space<vmem>>
        %dma_wait3A_804 = arith.constant 0 : i32
        %dma_wait3A_805 = tpu.memref_slice %arg6[%add3A_798, %dma_wait3A_804] : memref<125x80xi32, #tpu.memory_space<vmem>> -> memref<1x80xi32, #tpu.memory_space<vmem>>
        %dma_wait3A_806 = tpu.memref_squeeze %dma_wait3A_805 : memref<1x80xi32, #tpu.memory_space<vmem>> -> memref<80xi32, #tpu.memory_space<vmem>>
        %dma_wait3A_807 = arith.constant 0 : i32
        %dma_wait3A_808 = arith.constant 0 : i32
        %dma_wait3A_809 = tpu.memref_slice %arg8[%dma_wait3A_807, %dma_wait3A_808] : memref<10000x16xf32, #tpu.memory_space<vmem_shared>> -> memref<10000x16xf32, #tpu.memory_space<vmem_shared>>
        tpu.wait_indirect_dma semaphore(%arg10 : memref<!tpu.dma_semaphore, #tpu.memory_space<semaphore_mem>>) src(%dma_wait3A_803 : memref<80x16xf32, #tpu.memory_space<vmem>>) dst(%dma_wait3A_809 : memref<10000x16xf32, #tpu.memory_space<vmem_shared>>)
        %add3A_810 = arith.constant 2 : i32
        %add3A_811 = arith.addi %sub3A_783, %add3A_810 : i32
        %dma_wait3A_812 = arith.constant 7 : i32
        %dma_wait3A_813 = arith.constant 0 : i32
        %dma_wait3A_814 = arith.constant 0 : i32
        %dma_wait3A_815 = tpu.memref_slice %arg7[%dma_wait3A_812, %dma_wait3A_813, %dma_wait3A_814] : memref<10x80x16xf32, #tpu.memory_space<vmem>> -> memref<1x80x16xf32, #tpu.memory_space<vmem>>
        %dma_wait3A_816 = tpu.memref_squeeze %dma_wait3A_815 : memref<1x80x16xf32, #tpu.memory_space<vmem>> -> memref<80x16xf32, #tpu.memory_space<vmem>>
        %dma_wait3A_817 = arith.constant 0 : i32
        %dma_wait3A_818 = tpu.memref_slice %arg6[%add3A_811, %dma_wait3A_817] : memref<125x80xi32, #tpu.memory_space<vmem>> -> memref<1x80xi32, #tpu.memory_space<vmem>>
        %dma_wait3A_819 = tpu.memref_squeeze %dma_wait3A_818 : memref<1x80xi32, #tpu.memory_space<vmem>> -> memref<80xi32, #tpu.memory_space<vmem>>
        %dma_wait3A_820 = arith.constant 0 : i32
        %dma_wait3A_821 = arith.constant 0 : i32
        %dma_wait3A_822 = tpu.memref_slice %arg8[%dma_wait3A_820, %dma_wait3A_821] : memref<10000x16xf32, #tpu.memory_space<vmem_shared>> -> memref<10000x16xf32, #tpu.memory_space<vmem_shared>>
        tpu.wait_indirect_dma semaphore(%arg10 : memref<!tpu.dma_semaphore, #tpu.memory_space<semaphore_mem>>) src(%dma_wait3A_816 : memref<80x16xf32, #tpu.memory_space<vmem>>) dst(%dma_wait3A_822 : memref<10000x16xf32, #tpu.memory_space<vmem_shared>>)
        %add3A_823 = arith.constant 3 : i32
        %add3A_824 = arith.addi %sub3A_783, %add3A_823 : i32
        %dma_wait3A_825 = arith.constant 8 : i32
        %dma_wait3A_826 = arith.constant 0 : i32
        %dma_wait3A_827 = arith.constant 0 : i32
        %dma_wait3A_828 = tpu.memref_slice %arg7[%dma_wait3A_825, %dma_wait3A_826, %dma_wait3A_827] : memref<10x80x16xf32, #tpu.memory_space<vmem>> -> memref<1x80x16xf32, #tpu.memory_space<vmem>>
        %dma_wait3A_829 = tpu.memref_squeeze %dma_wait3A_828 : memref<1x80x16xf32, #tpu.memory_space<vmem>> -> memref<80x16xf32, #tpu.memory_space<vmem>>
        %dma_wait3A_830 = arith.constant 0 : i32
        %dma_wait3A_831 = tpu.memref_slice %arg6[%add3A_824, %dma_wait3A_830] : memref<125x80xi32, #tpu.memory_space<vmem>> -> memref<1x80xi32, #tpu.memory_space<vmem>>
        %dma_wait3A_832 = tpu.memref_squeeze %dma_wait3A_831 : memref<1x80xi32, #tpu.memory_space<vmem>> -> memref<80xi32, #tpu.memory_space<vmem>>
        %dma_wait3A_833 = arith.constant 0 : i32
        %dma_wait3A_834 = arith.constant 0 : i32
        %dma_wait3A_835 = tpu.memref_slice %arg8[%dma_wait3A_833, %dma_wait3A_834] : memref<10000x16xf32, #tpu.memory_space<vmem_shared>> -> memref<10000x16xf32, #tpu.memory_space<vmem_shared>>
        tpu.wait_indirect_dma semaphore(%arg10 : memref<!tpu.dma_semaphore, #tpu.memory_space<semaphore_mem>>) src(%dma_wait3A_829 : memref<80x16xf32, #tpu.memory_space<vmem>>) dst(%dma_wait3A_835 : memref<10000x16xf32, #tpu.memory_space<vmem_shared>>)
        %add3A_836 = arith.constant 4 : i32
        %add3A_837 = arith.addi %sub3A_783, %add3A_836 : i32
        %dma_wait3A_838 = arith.constant 9 : i32
        %dma_wait3A_839 = arith.constant 0 : i32
        %dma_wait3A_840 = arith.constant 0 : i32
        %dma_wait3A_841 = tpu.memref_slice %arg7[%dma_wait3A_838, %dma_wait3A_839, %dma_wait3A_840] : memref<10x80x16xf32, #tpu.memory_space<vmem>> -> memref<1x80x16xf32, #tpu.memory_space<vmem>>
        %dma_wait3A_842 = tpu.memref_squeeze %dma_wait3A_841 : memref<1x80x16xf32, #tpu.memory_space<vmem>> -> memref<80x16xf32, #tpu.memory_space<vmem>>
        %dma_wait3A_843 = arith.constant 0 : i32
        %dma_wait3A_844 = tpu.memref_slice %arg6[%add3A_837, %dma_wait3A_843] : memref<125x80xi32, #tpu.memory_space<vmem>> -> memref<1x80xi32, #tpu.memory_space<vmem>>
        %dma_wait3A_845 = tpu.memref_squeeze %dma_wait3A_844 : memref<1x80xi32, #tpu.memory_space<vmem>> -> memref<80xi32, #tpu.memory_space<vmem>>
        %dma_wait3A_846 = arith.constant 0 : i32
        %dma_wait3A_847 = arith.constant 0 : i32
        %dma_wait3A_848 = tpu.memref_slice %arg8[%dma_wait3A_846, %dma_wait3A_847] : memref<10000x16xf32, #tpu.memory_space<vmem_shared>> -> memref<10000x16xf32, #tpu.memory_space<vmem_shared>>
        tpu.wait_indirect_dma semaphore(%arg10 : memref<!tpu.dma_semaphore, #tpu.memory_space<semaphore_mem>>) src(%dma_wait3A_842 : memref<80x16xf32, #tpu.memory_space<vmem>>) dst(%dma_wait3A_848 : memref<10000x16xf32, #tpu.memory_space<vmem_shared>>)
      } else {
      }
      %add3A_512 = arith.constant 5 : i32
      %add3A_513 = arith.addi %mul3A_377, %add3A_512 : i32
      %add3A_514 = arith.constant 0 : i32
      %add3A_515 = arith.addi %add3A_513, %add3A_514 : i32
      %dma_start3A_516 = arith.constant 5 : i32
      %dma_start3A_517 = arith.constant 0 : i32
      %dma_start3A_518 = arith.constant 0 : i32
      %dma_start3A_519 = tpu.memref_slice %arg7[%dma_start3A_516, %dma_start3A_517, %dma_start3A_518] : memref<10x80x16xf32, #tpu.memory_space<vmem>> -> memref<1x80x16xf32, #tpu.memory_space<vmem>>
      %dma_start3A_520 = tpu.memref_squeeze %dma_start3A_519 : memref<1x80x16xf32, #tpu.memory_space<vmem>> -> memref<80x16xf32, #tpu.memory_space<vmem>>
      %dma_start3A_521 = arith.constant 0 : i32
      %dma_start3A_522 = tpu.memref_slice %arg5[%add3A_515, %dma_start3A_521] : memref<125x80xi32, #tpu.memory_space<vmem>> -> memref<1x80xi32, #tpu.memory_space<vmem>>
      %dma_start3A_523 = tpu.memref_squeeze %dma_start3A_522 : memref<1x80xi32, #tpu.memory_space<vmem>> -> memref<80xi32, #tpu.memory_space<vmem>>
      %dma_start3A_524 = arith.constant 0 : i32
      %dma_start3A_525 = arith.constant 0 : i32
      %dma_start3A_526 = tpu.memref_slice %arg3[%dma_start3A_524, %dma_start3A_525] : memref<10000x16xf32, #tpu.memory_space<hbm>> -> memref<10000x16xf32, #tpu.memory_space<hbm>>
      tpu.enqueue_indirect_dma source(%dma_start3A_526 : memref<10000x16xf32, #tpu.memory_space<hbm>>) target(%dma_start3A_520 : memref<80x16xf32, #tpu.memory_space<vmem>>) offsets(%dma_start3A_523 : memref<80xi32, #tpu.memory_space<vmem>>) semaphore(%arg9 : memref<!tpu.dma_semaphore, #tpu.memory_space<semaphore_mem>>)
      %add3A_527 = arith.constant 1 : i32
      %add3A_528 = arith.addi %add3A_513, %add3A_527 : i32
      %dma_start3A_529 = arith.constant 6 : i32
      %dma_start3A_530 = arith.constant 0 : i32
      %dma_start3A_531 = arith.constant 0 : i32
      %dma_start3A_532 = tpu.memref_slice %arg7[%dma_start3A_529, %dma_start3A_530, %dma_start3A_531] : memref<10x80x16xf32, #tpu.memory_space<vmem>> -> memref<1x80x16xf32, #tpu.memory_space<vmem>>
      %dma_start3A_533 = tpu.memref_squeeze %dma_start3A_532 : memref<1x80x16xf32, #tpu.memory_space<vmem>> -> memref<80x16xf32, #tpu.memory_space<vmem>>
      %dma_start3A_534 = arith.constant 0 : i32
      %dma_start3A_535 = tpu.memref_slice %arg5[%add3A_528, %dma_start3A_534] : memref<125x80xi32, #tpu.memory_space<vmem>> -> memref<1x80xi32, #tpu.memory_space<vmem>>
      %dma_start3A_536 = tpu.memref_squeeze %dma_start3A_535 : memref<1x80xi32, #tpu.memory_space<vmem>> -> memref<80xi32, #tpu.memory_space<vmem>>
      %dma_start3A_537 = arith.constant 0 : i32
      %dma_start3A_538 = arith.constant 0 : i32
      %dma_start3A_539 = tpu.memref_slice %arg3[%dma_start3A_537, %dma_start3A_538] : memref<10000x16xf32, #tpu.memory_space<hbm>> -> memref<10000x16xf32, #tpu.memory_space<hbm>>
      tpu.enqueue_indirect_dma source(%dma_start3A_539 : memref<10000x16xf32, #tpu.memory_space<hbm>>) target(%dma_start3A_533 : memref<80x16xf32, #tpu.memory_space<vmem>>) offsets(%dma_start3A_536 : memref<80xi32, #tpu.memory_space<vmem>>) semaphore(%arg9 : memref<!tpu.dma_semaphore, #tpu.memory_space<semaphore_mem>>)
      %add3A_540 = arith.constant 2 : i32
      %add3A_541 = arith.addi %add3A_513, %add3A_540 : i32
      %dma_start3A_542 = arith.constant 7 : i32
      %dma_start3A_543 = arith.constant 0 : i32
      %dma_start3A_544 = arith.constant 0 : i32
      %dma_start3A_545 = tpu.memref_slice %arg7[%dma_start3A_542, %dma_start3A_543, %dma_start3A_544] : memref<10x80x16xf32, #tpu.memory_space<vmem>> -> memref<1x80x16xf32, #tpu.memory_space<vmem>>
      %dma_start3A_546 = tpu.memref_squeeze %dma_start3A_545 : memref<1x80x16xf32, #tpu.memory_space<vmem>> -> memref<80x16xf32, #tpu.memory_space<vmem>>
      %dma_start3A_547 = arith.constant 0 : i32
      %dma_start3A_548 = tpu.memref_slice %arg5[%add3A_541, %dma_start3A_547] : memref<125x80xi32, #tpu.memory_space<vmem>> -> memref<1x80xi32, #tpu.memory_space<vmem>>
      %dma_start3A_549 = tpu.memref_squeeze %dma_start3A_548 : memref<1x80xi32, #tpu.memory_space<vmem>> -> memref<80xi32, #tpu.memory_space<vmem>>
      %dma_start3A_550 = arith.constant 0 : i32
      %dma_start3A_551 = arith.constant 0 : i32
      %dma_start3A_552 = tpu.memref_slice %arg3[%dma_start3A_550, %dma_start3A_551] : memref<10000x16xf32, #tpu.memory_space<hbm>> -> memref<10000x16xf32, #tpu.memory_space<hbm>>
      tpu.enqueue_indirect_dma source(%dma_start3A_552 : memref<10000x16xf32, #tpu.memory_space<hbm>>) target(%dma_start3A_546 : memref<80x16xf32, #tpu.memory_space<vmem>>) offsets(%dma_start3A_549 : memref<80xi32, #tpu.memory_space<vmem>>) semaphore(%arg9 : memref<!tpu.dma_semaphore, #tpu.memory_space<semaphore_mem>>)
      %add3A_553 = arith.constant 3 : i32
      %add3A_554 = arith.addi %add3A_513, %add3A_553 : i32
      %dma_start3A_555 = arith.constant 8 : i32
      %dma_start3A_556 = arith.constant 0 : i32
      %dma_start3A_557 = arith.constant 0 : i32
      %dma_start3A_558 = tpu.memref_slice %arg7[%dma_start3A_555, %dma_start3A_556, %dma_start3A_557] : memref<10x80x16xf32, #tpu.memory_space<vmem>> -> memref<1x80x16xf32, #tpu.memory_space<vmem>>
      %dma_start3A_559 = tpu.memref_squeeze %dma_start3A_558 : memref<1x80x16xf32, #tpu.memory_space<vmem>> -> memref<80x16xf32, #tpu.memory_space<vmem>>
      %dma_start3A_560 = arith.constant 0 : i32
      %dma_start3A_561 = tpu.memref_slice %arg5[%add3A_554, %dma_start3A_560] : memref<125x80xi32, #tpu.memory_space<vmem>> -> memref<1x80xi32, #tpu.memory_space<vmem>>
      %dma_start3A_562 = tpu.memref_squeeze %dma_start3A_561 : memref<1x80xi32, #tpu.memory_space<vmem>> -> memref<80xi32, #tpu.memory_space<vmem>>
      %dma_start3A_563 = arith.constant 0 : i32
      %dma_start3A_564 = arith.constant 0 : i32
      %dma_start3A_565 = tpu.memref_slice %arg3[%dma_start3A_563, %dma_start3A_564] : memref<10000x16xf32, #tpu.memory_space<hbm>> -> memref<10000x16xf32, #tpu.memory_space<hbm>>
      tpu.enqueue_indirect_dma source(%dma_start3A_565 : memref<10000x16xf32, #tpu.memory_space<hbm>>) target(%dma_start3A_559 : memref<80x16xf32, #tpu.memory_space<vmem>>) offsets(%dma_start3A_562 : memref<80xi32, #tpu.memory_space<vmem>>) semaphore(%arg9 : memref<!tpu.dma_semaphore, #tpu.memory_space<semaphore_mem>>)
      %add3A_566 = arith.constant 4 : i32
      %add3A_567 = arith.addi %add3A_513, %add3A_566 : i32
      %dma_start3A_568 = arith.constant 9 : i32
      %dma_start3A_569 = arith.constant 0 : i32
      %dma_start3A_570 = arith.constant 0 : i32
      %dma_start3A_571 = tpu.memref_slice %arg7[%dma_start3A_568, %dma_start3A_569, %dma_start3A_570] : memref<10x80x16xf32, #tpu.memory_space<vmem>> -> memref<1x80x16xf32, #tpu.memory_space<vmem>>
      %dma_start3A_572 = tpu.memref_squeeze %dma_start3A_571 : memref<1x80x16xf32, #tpu.memory_space<vmem>> -> memref<80x16xf32, #tpu.memory_space<vmem>>
      %dma_start3A_573 = arith.constant 0 : i32
      %dma_start3A_574 = tpu.memref_slice %arg5[%add3A_567, %dma_start3A_573] : memref<125x80xi32, #tpu.memory_space<vmem>> -> memref<1x80xi32, #tpu.memory_space<vmem>>
      %dma_start3A_575 = tpu.memref_squeeze %dma_start3A_574 : memref<1x80xi32, #tpu.memory_space<vmem>> -> memref<80xi32, #tpu.memory_space<vmem>>
      %dma_start3A_576 = arith.constant 0 : i32
      %dma_start3A_577 = arith.constant 0 : i32
      %dma_start3A_578 = tpu.memref_slice %arg3[%dma_start3A_576, %dma_start3A_577] : memref<10000x16xf32, #tpu.memory_space<hbm>> -> memref<10000x16xf32, #tpu.memory_space<hbm>>
      tpu.enqueue_indirect_dma source(%dma_start3A_578 : memref<10000x16xf32, #tpu.memory_space<hbm>>) target(%dma_start3A_572 : memref<80x16xf32, #tpu.memory_space<vmem>>) offsets(%dma_start3A_575 : memref<80xi32, #tpu.memory_space<vmem>>) semaphore(%arg9 : memref<!tpu.dma_semaphore, #tpu.memory_space<semaphore_mem>>)
      %add3A_579 = arith.constant 5 : i32
      %add3A_580 = arith.addi %mul3A_377, %add3A_579 : i32
      %add3A_581 = arith.constant 0 : i32
      %add3A_582 = arith.addi %add3A_580, %add3A_581 : i32
      %dma_wait3A_583 = arith.constant 5 : i32
      %dma_wait3A_584 = arith.constant 0 : i32
      %dma_wait3A_585 = arith.constant 0 : i32
      %dma_wait3A_586 = tpu.memref_slice %arg7[%dma_wait3A_583, %dma_wait3A_584, %dma_wait3A_585] : memref<10x80x16xf32, #tpu.memory_space<vmem>> -> memref<1x80x16xf32, #tpu.memory_space<vmem>>
      %dma_wait3A_587 = tpu.memref_squeeze %dma_wait3A_586 : memref<1x80x16xf32, #tpu.memory_space<vmem>> -> memref<80x16xf32, #tpu.memory_space<vmem>>
      %dma_wait3A_588 = arith.constant 0 : i32
      %dma_wait3A_589 = tpu.memref_slice %arg5[%add3A_582, %dma_wait3A_588] : memref<125x80xi32, #tpu.memory_space<vmem>> -> memref<1x80xi32, #tpu.memory_space<vmem>>
      %dma_wait3A_590 = tpu.memref_squeeze %dma_wait3A_589 : memref<1x80xi32, #tpu.memory_space<vmem>> -> memref<80xi32, #tpu.memory_space<vmem>>
      %dma_wait3A_591 = arith.constant 0 : i32
      %dma_wait3A_592 = arith.constant 0 : i32
      %dma_wait3A_593 = tpu.memref_slice %arg3[%dma_wait3A_591, %dma_wait3A_592] : memref<10000x16xf32, #tpu.memory_space<hbm>> -> memref<10000x16xf32, #tpu.memory_space<hbm>>
      tpu.wait_indirect_dma semaphore(%arg9 : memref<!tpu.dma_semaphore, #tpu.memory_space<semaphore_mem>>) src(%dma_wait3A_593 : memref<10000x16xf32, #tpu.memory_space<hbm>>) dst(%dma_wait3A_587 : memref<80x16xf32, #tpu.memory_space<vmem>>)
      %add3A_594 = arith.constant 1 : i32
      %add3A_595 = arith.addi %add3A_580, %add3A_594 : i32
      %dma_wait3A_596 = arith.constant 6 : i32
      %dma_wait3A_597 = arith.constant 0 : i32
      %dma_wait3A_598 = arith.constant 0 : i32
      %dma_wait3A_599 = tpu.memref_slice %arg7[%dma_wait3A_596, %dma_wait3A_597, %dma_wait3A_598] : memref<10x80x16xf32, #tpu.memory_space<vmem>> -> memref<1x80x16xf32, #tpu.memory_space<vmem>>
      %dma_wait3A_600 = tpu.memref_squeeze %dma_wait3A_599 : memref<1x80x16xf32, #tpu.memory_space<vmem>> -> memref<80x16xf32, #tpu.memory_space<vmem>>
      %dma_wait3A_601 = arith.constant 0 : i32
      %dma_wait3A_602 = tpu.memref_slice %arg5[%add3A_595, %dma_wait3A_601] : memref<125x80xi32, #tpu.memory_space<vmem>> -> memref<1x80xi32, #tpu.memory_space<vmem>>
      %dma_wait3A_603 = tpu.memref_squeeze %dma_wait3A_602 : memref<1x80xi32, #tpu.memory_space<vmem>> -> memref<80xi32, #tpu.memory_space<vmem>>
      %dma_wait3A_604 = arith.constant 0 : i32
      %dma_wait3A_605 = arith.constant 0 : i32
      %dma_wait3A_606 = tpu.memref_slice %arg3[%dma_wait3A_604, %dma_wait3A_605] : memref<10000x16xf32, #tpu.memory_space<hbm>> -> memref<10000x16xf32, #tpu.memory_space<hbm>>
      tpu.wait_indirect_dma semaphore(%arg9 : memref<!tpu.dma_semaphore, #tpu.memory_space<semaphore_mem>>) src(%dma_wait3A_606 : memref<10000x16xf32, #tpu.memory_space<hbm>>) dst(%dma_wait3A_600 : memref<80x16xf32, #tpu.memory_space<vmem>>)
      %add3A_607 = arith.constant 2 : i32
      %add3A_608 = arith.addi %add3A_580, %add3A_607 : i32
      %dma_wait3A_609 = arith.constant 7 : i32
      %dma_wait3A_610 = arith.constant 0 : i32
      %dma_wait3A_611 = arith.constant 0 : i32
      %dma_wait3A_612 = tpu.memref_slice %arg7[%dma_wait3A_609, %dma_wait3A_610, %dma_wait3A_611] : memref<10x80x16xf32, #tpu.memory_space<vmem>> -> memref<1x80x16xf32, #tpu.memory_space<vmem>>
      %dma_wait3A_613 = tpu.memref_squeeze %dma_wait3A_612 : memref<1x80x16xf32, #tpu.memory_space<vmem>> -> memref<80x16xf32, #tpu.memory_space<vmem>>
      %dma_wait3A_614 = arith.constant 0 : i32
      %dma_wait3A_615 = tpu.memref_slice %arg5[%add3A_608, %dma_wait3A_614] : memref<125x80xi32, #tpu.memory_space<vmem>> -> memref<1x80xi32, #tpu.memory_space<vmem>>
      %dma_wait3A_616 = tpu.memref_squeeze %dma_wait3A_615 : memref<1x80xi32, #tpu.memory_space<vmem>> -> memref<80xi32, #tpu.memory_space<vmem>>
      %dma_wait3A_617 = arith.constant 0 : i32
      %dma_wait3A_618 = arith.constant 0 : i32
      %dma_wait3A_619 = tpu.memref_slice %arg3[%dma_wait3A_617, %dma_wait3A_618] : memref<10000x16xf32, #tpu.memory_space<hbm>> -> memref<10000x16xf32, #tpu.memory_space<hbm>>
      tpu.wait_indirect_dma semaphore(%arg9 : memref<!tpu.dma_semaphore, #tpu.memory_space<semaphore_mem>>) src(%dma_wait3A_619 : memref<10000x16xf32, #tpu.memory_space<hbm>>) dst(%dma_wait3A_613 : memref<80x16xf32, #tpu.memory_space<vmem>>)
      %add3A_620 = arith.constant 3 : i32
      %add3A_621 = arith.addi %add3A_580, %add3A_620 : i32
      %dma_wait3A_622 = arith.constant 8 : i32
      %dma_wait3A_623 = arith.constant 0 : i32
      %dma_wait3A_624 = arith.constant 0 : i32
      %dma_wait3A_625 = tpu.memref_slice %arg7[%dma_wait3A_622, %dma_wait3A_623, %dma_wait3A_624] : memref<10x80x16xf32, #tpu.memory_space<vmem>> -> memref<1x80x16xf32, #tpu.memory_space<vmem>>
      %dma_wait3A_626 = tpu.memref_squeeze %dma_wait3A_625 : memref<1x80x16xf32, #tpu.memory_space<vmem>> -> memref<80x16xf32, #tpu.memory_space<vmem>>
      %dma_wait3A_627 = arith.constant 0 : i32
      %dma_wait3A_628 = tpu.memref_slice %arg5[%add3A_621, %dma_wait3A_627] : memref<125x80xi32, #tpu.memory_space<vmem>> -> memref<1x80xi32, #tpu.memory_space<vmem>>
      %dma_wait3A_629 = tpu.memref_squeeze %dma_wait3A_628 : memref<1x80xi32, #tpu.memory_space<vmem>> -> memref<80xi32, #tpu.memory_space<vmem>>
      %dma_wait3A_630 = arith.constant 0 : i32
      %dma_wait3A_631 = arith.constant 0 : i32
      %dma_wait3A_632 = tpu.memref_slice %arg3[%dma_wait3A_630, %dma_wait3A_631] : memref<10000x16xf32, #tpu.memory_space<hbm>> -> memref<10000x16xf32, #tpu.memory_space<hbm>>
      tpu.wait_indirect_dma semaphore(%arg9 : memref<!tpu.dma_semaphore, #tpu.memory_space<semaphore_mem>>) src(%dma_wait3A_632 : memref<10000x16xf32, #tpu.memory_space<hbm>>) dst(%dma_wait3A_626 : memref<80x16xf32, #tpu.memory_space<vmem>>)
      %add3A_633 = arith.constant 4 : i32
      %add3A_634 = arith.addi %add3A_580, %add3A_633 : i32
      %dma_wait3A_635 = arith.constant 9 : i32
      %dma_wait3A_636 = arith.constant 0 : i32
      %dma_wait3A_637 = arith.constant 0 : i32
      %dma_wait3A_638 = tpu.memref_slice %arg7[%dma_wait3A_635, %dma_wait3A_636, %dma_wait3A_637] : memref<10x80x16xf32, #tpu.memory_space<vmem>> -> memref<1x80x16xf32, #tpu.memory_space<vmem>>
      %dma_wait3A_639 = tpu.memref_squeeze %dma_wait3A_638 : memref<1x80x16xf32, #tpu.memory_space<vmem>> -> memref<80x16xf32, #tpu.memory_space<vmem>>
      %dma_wait3A_640 = arith.constant 0 : i32
      %dma_wait3A_641 = tpu.memref_slice %arg5[%add3A_634, %dma_wait3A_640] : memref<125x80xi32, #tpu.memory_space<vmem>> -> memref<1x80xi32, #tpu.memory_space<vmem>>
      %dma_wait3A_642 = tpu.memref_squeeze %dma_wait3A_641 : memref<1x80xi32, #tpu.memory_space<vmem>> -> memref<80xi32, #tpu.memory_space<vmem>>
      %dma_wait3A_643 = arith.constant 0 : i32
      %dma_wait3A_644 = arith.constant 0 : i32
      %dma_wait3A_645 = tpu.memref_slice %arg3[%dma_wait3A_643, %dma_wait3A_644] : memref<10000x16xf32, #tpu.memory_space<hbm>> -> memref<10000x16xf32, #tpu.memory_space<hbm>>
      tpu.wait_indirect_dma semaphore(%arg9 : memref<!tpu.dma_semaphore, #tpu.memory_space<semaphore_mem>>) src(%dma_wait3A_645 : memref<10000x16xf32, #tpu.memory_space<hbm>>) dst(%dma_wait3A_639 : memref<80x16xf32, #tpu.memory_space<vmem>>)
      %add3A_646 = arith.constant 5 : i32
      %add3A_647 = arith.addi %mul3A_377, %add3A_646 : i32
      %add3A_648 = arith.constant 0 : i32
      %add3A_649 = arith.addi %add3A_647, %add3A_648 : i32
      %dma_start3A_650 = arith.constant 5 : i32
      %dma_start3A_651 = arith.constant 0 : i32
      %dma_start3A_652 = arith.constant 0 : i32
      %dma_start3A_653 = tpu.memref_slice %arg7[%dma_start3A_650, %dma_start3A_651, %dma_start3A_652] : memref<10x80x16xf32, #tpu.memory_space<vmem>> -> memref<1x80x16xf32, #tpu.memory_space<vmem>>
      %dma_start3A_654 = tpu.memref_squeeze %dma_start3A_653 : memref<1x80x16xf32, #tpu.memory_space<vmem>> -> memref<80x16xf32, #tpu.memory_space<vmem>>
      %dma_start3A_655 = arith.constant 0 : i32
      %dma_start3A_656 = tpu.memref_slice %arg6[%add3A_649, %dma_start3A_655] : memref<125x80xi32, #tpu.memory_space<vmem>> -> memref<1x80xi32, #tpu.memory_space<vmem>>
      %dma_start3A_657 = tpu.memref_squeeze %dma_start3A_656 : memref<1x80xi32, #tpu.memory_space<vmem>> -> memref<80xi32, #tpu.memory_space<vmem>>
      %dma_start3A_658 = arith.constant 0 : i32
      %dma_start3A_659 = arith.constant 0 : i32
      %dma_start3A_660 = tpu.memref_slice %arg8[%dma_start3A_658, %dma_start3A_659] : memref<10000x16xf32, #tpu.memory_space<vmem_shared>> -> memref<10000x16xf32, #tpu.memory_space<vmem_shared>>
      tpu.enqueue_indirect_dma source(%dma_start3A_654 : memref<80x16xf32, #tpu.memory_space<vmem>>) target(%dma_start3A_660 : memref<10000x16xf32, #tpu.memory_space<vmem_shared>>) offsets(%dma_start3A_657 : memref<80xi32, #tpu.memory_space<vmem>>) semaphore(%arg10 : memref<!tpu.dma_semaphore, #tpu.memory_space<semaphore_mem>>) {add = true}
      %add3A_661 = arith.constant 1 : i32
      %add3A_662 = arith.addi %add3A_647, %add3A_661 : i32
      %dma_start3A_663 = arith.constant 6 : i32
      %dma_start3A_664 = arith.constant 0 : i32
      %dma_start3A_665 = arith.constant 0 : i32
      %dma_start3A_666 = tpu.memref_slice %arg7[%dma_start3A_663, %dma_start3A_664, %dma_start3A_665] : memref<10x80x16xf32, #tpu.memory_space<vmem>> -> memref<1x80x16xf32, #tpu.memory_space<vmem>>
      %dma_start3A_667 = tpu.memref_squeeze %dma_start3A_666 : memref<1x80x16xf32, #tpu.memory_space<vmem>> -> memref<80x16xf32, #tpu.memory_space<vmem>>
      %dma_start3A_668 = arith.constant 0 : i32
      %dma_start3A_669 = tpu.memref_slice %arg6[%add3A_662, %dma_start3A_668] : memref<125x80xi32, #tpu.memory_space<vmem>> -> memref<1x80xi32, #tpu.memory_space<vmem>>
      %dma_start3A_670 = tpu.memref_squeeze %dma_start3A_669 : memref<1x80xi32, #tpu.memory_space<vmem>> -> memref<80xi32, #tpu.memory_space<vmem>>
      %dma_start3A_671 = arith.constant 0 : i32
      %dma_start3A_672 = arith.constant 0 : i32
      %dma_start3A_673 = tpu.memref_slice %arg8[%dma_start3A_671, %dma_start3A_672] : memref<10000x16xf32, #tpu.memory_space<vmem_shared>> -> memref<10000x16xf32, #tpu.memory_space<vmem_shared>>
      tpu.enqueue_indirect_dma source(%dma_start3A_667 : memref<80x16xf32, #tpu.memory_space<vmem>>) target(%dma_start3A_673 : memref<10000x16xf32, #tpu.memory_space<vmem_shared>>) offsets(%dma_start3A_670 : memref<80xi32, #tpu.memory_space<vmem>>) semaphore(%arg10 : memref<!tpu.dma_semaphore, #tpu.memory_space<semaphore_mem>>) {add = true}
      %add3A_674 = arith.constant 2 : i32
      %add3A_675 = arith.addi %add3A_647, %add3A_674 : i32
      %dma_start3A_676 = arith.constant 7 : i32
      %dma_start3A_677 = arith.constant 0 : i32
      %dma_start3A_678 = arith.constant 0 : i32
      %dma_start3A_679 = tpu.memref_slice %arg7[%dma_start3A_676, %dma_start3A_677, %dma_start3A_678] : memref<10x80x16xf32, #tpu.memory_space<vmem>> -> memref<1x80x16xf32, #tpu.memory_space<vmem>>
      %dma_start3A_680 = tpu.memref_squeeze %dma_start3A_679 : memref<1x80x16xf32, #tpu.memory_space<vmem>> -> memref<80x16xf32, #tpu.memory_space<vmem>>
      %dma_start3A_681 = arith.constant 0 : i32
      %dma_start3A_682 = tpu.memref_slice %arg6[%add3A_675, %dma_start3A_681] : memref<125x80xi32, #tpu.memory_space<vmem>> -> memref<1x80xi32, #tpu.memory_space<vmem>>
      %dma_start3A_683 = tpu.memref_squeeze %dma_start3A_682 : memref<1x80xi32, #tpu.memory_space<vmem>> -> memref<80xi32, #tpu.memory_space<vmem>>
      %dma_start3A_684 = arith.constant 0 : i32
      %dma_start3A_685 = arith.constant 0 : i32
      %dma_start3A_686 = tpu.memref_slice %arg8[%dma_start3A_684, %dma_start3A_685] : memref<10000x16xf32, #tpu.memory_space<vmem_shared>> -> memref<10000x16xf32, #tpu.memory_space<vmem_shared>>
      tpu.enqueue_indirect_dma source(%dma_start3A_680 : memref<80x16xf32, #tpu.memory_space<vmem>>) target(%dma_start3A_686 : memref<10000x16xf32, #tpu.memory_space<vmem_shared>>) offsets(%dma_start3A_683 : memref<80xi32, #tpu.memory_space<vmem>>) semaphore(%arg10 : memref<!tpu.dma_semaphore, #tpu.memory_space<semaphore_mem>>) {add = true}
      %add3A_687 = arith.constant 3 : i32
      %add3A_688 = arith.addi %add3A_647, %add3A_687 : i32
      %dma_start3A_689 = arith.constant 8 : i32
      %dma_start3A_690 = arith.constant 0 : i32
      %dma_start3A_691 = arith.constant 0 : i32
      %dma_start3A_692 = tpu.memref_slice %arg7[%dma_start3A_689, %dma_start3A_690, %dma_start3A_691] : memref<10x80x16xf32, #tpu.memory_space<vmem>> -> memref<1x80x16xf32, #tpu.memory_space<vmem>>
      %dma_start3A_693 = tpu.memref_squeeze %dma_start3A_692 : memref<1x80x16xf32, #tpu.memory_space<vmem>> -> memref<80x16xf32, #tpu.memory_space<vmem>>
      %dma_start3A_694 = arith.constant 0 : i32
      %dma_start3A_695 = tpu.memref_slice %arg6[%add3A_688, %dma_start3A_694] : memref<125x80xi32, #tpu.memory_space<vmem>> -> memref<1x80xi32, #tpu.memory_space<vmem>>
      %dma_start3A_696 = tpu.memref_squeeze %dma_start3A_695 : memref<1x80xi32, #tpu.memory_space<vmem>> -> memref<80xi32, #tpu.memory_space<vmem>>
      %dma_start3A_697 = arith.constant 0 : i32
      %dma_start3A_698 = arith.constant 0 : i32
      %dma_start3A_699 = tpu.memref_slice %arg8[%dma_start3A_697, %dma_start3A_698] : memref<10000x16xf32, #tpu.memory_space<vmem_shared>> -> memref<10000x16xf32, #tpu.memory_space<vmem_shared>>
      tpu.enqueue_indirect_dma source(%dma_start3A_693 : memref<80x16xf32, #tpu.memory_space<vmem>>) target(%dma_start3A_699 : memref<10000x16xf32, #tpu.memory_space<vmem_shared>>) offsets(%dma_start3A_696 : memref<80xi32, #tpu.memory_space<vmem>>) semaphore(%arg10 : memref<!tpu.dma_semaphore, #tpu.memory_space<semaphore_mem>>) {add = true}
      %add3A_700 = arith.constant 4 : i32
      %add3A_701 = arith.addi %add3A_647, %add3A_700 : i32
      %dma_start3A_702 = arith.constant 9 : i32
      %dma_start3A_703 = arith.constant 0 : i32
      %dma_start3A_704 = arith.constant 0 : i32
      %dma_start3A_705 = tpu.memref_slice %arg7[%dma_start3A_702, %dma_start3A_703, %dma_start3A_704] : memref<10x80x16xf32, #tpu.memory_space<vmem>> -> memref<1x80x16xf32, #tpu.memory_space<vmem>>
      %dma_start3A_706 = tpu.memref_squeeze %dma_start3A_705 : memref<1x80x16xf32, #tpu.memory_space<vmem>> -> memref<80x16xf32, #tpu.memory_space<vmem>>
      %dma_start3A_707 = arith.constant 0 : i32
      %dma_start3A_708 = tpu.memref_slice %arg6[%add3A_701, %dma_start3A_707] : memref<125x80xi32, #tpu.memory_space<vmem>> -> memref<1x80xi32, #tpu.memory_space<vmem>>
      %dma_start3A_709 = tpu.memref_squeeze %dma_start3A_708 : memref<1x80xi32, #tpu.memory_space<vmem>> -> memref<80xi32, #tpu.memory_space<vmem>>
      %dma_start3A_710 = arith.constant 0 : i32
      %dma_start3A_711 = arith.constant 0 : i32
      %dma_start3A_712 = tpu.memref_slice %arg8[%dma_start3A_710, %dma_start3A_711] : memref<10000x16xf32, #tpu.memory_space<vmem_shared>> -> memref<10000x16xf32, #tpu.memory_space<vmem_shared>>
      tpu.enqueue_indirect_dma source(%dma_start3A_706 : memref<80x16xf32, #tpu.memory_space<vmem>>) target(%dma_start3A_712 : memref<10000x16xf32, #tpu.memory_space<vmem_shared>>) offsets(%dma_start3A_709 : memref<80xi32, #tpu.memory_space<vmem>>) semaphore(%arg10 : memref<!tpu.dma_semaphore, #tpu.memory_space<semaphore_mem>>) {add = true}
      %add3A_713 = arith.constant 0 : i32
      %add3A_714 = arith.addi %mul3A_377, %add3A_713 : i32
      %dma_wait3A_715 = arith.constant 0 : i32
      %dma_wait3A_716 = arith.constant 0 : i32
      %dma_wait3A_717 = arith.constant 0 : i32
      %dma_wait3A_718 = tpu.memref_slice %arg7[%dma_wait3A_715, %dma_wait3A_716, %dma_wait3A_717] : memref<10x80x16xf32, #tpu.memory_space<vmem>> -> memref<1x80x16xf32, #tpu.memory_space<vmem>>
      %dma_wait3A_719 = tpu.memref_squeeze %dma_wait3A_718 : memref<1x80x16xf32, #tpu.memory_space<vmem>> -> memref<80x16xf32, #tpu.memory_space<vmem>>
      %dma_wait3A_720 = arith.constant 0 : i32
      %dma_wait3A_721 = tpu.memref_slice %arg6[%add3A_714, %dma_wait3A_720] : memref<125x80xi32, #tpu.memory_space<vmem>> -> memref<1x80xi32, #tpu.memory_space<vmem>>
      %dma_wait3A_722 = tpu.memref_squeeze %dma_wait3A_721 : memref<1x80xi32, #tpu.memory_space<vmem>> -> memref<80xi32, #tpu.memory_space<vmem>>
      %dma_wait3A_723 = arith.constant 0 : i32
      %dma_wait3A_724 = arith.constant 0 : i32
      %dma_wait3A_725 = tpu.memref_slice %arg8[%dma_wait3A_723, %dma_wait3A_724] : memref<10000x16xf32, #tpu.memory_space<vmem_shared>> -> memref<10000x16xf32, #tpu.memory_space<vmem_shared>>
      tpu.wait_indirect_dma semaphore(%arg10 : memref<!tpu.dma_semaphore, #tpu.memory_space<semaphore_mem>>) src(%dma_wait3A_719 : memref<80x16xf32, #tpu.memory_space<vmem>>) dst(%dma_wait3A_725 : memref<10000x16xf32, #tpu.memory_space<vmem_shared>>)
      %add3A_726 = arith.constant 1 : i32
      %add3A_727 = arith.addi %mul3A_377, %add3A_726 : i32
      %dma_wait3A_728 = arith.constant 1 : i32
      %dma_wait3A_729 = arith.constant 0 : i32
      %dma_wait3A_730 = arith.constant 0 : i32
      %dma_wait3A_731 = tpu.memref_slice %arg7[%dma_wait3A_728, %dma_wait3A_729, %dma_wait3A_730] : memref<10x80x16xf32, #tpu.memory_space<vmem>> -> memref<1x80x16xf32, #tpu.memory_space<vmem>>
      %dma_wait3A_732 = tpu.memref_squeeze %dma_wait3A_731 : memref<1x80x16xf32, #tpu.memory_space<vmem>> -> memref<80x16xf32, #tpu.memory_space<vmem>>
      %dma_wait3A_733 = arith.constant 0 : i32
      %dma_wait3A_734 = tpu.memref_slice %arg6[%add3A_727, %dma_wait3A_733] : memref<125x80xi32, #tpu.memory_space<vmem>> -> memref<1x80xi32, #tpu.memory_space<vmem>>
      %dma_wait3A_735 = tpu.memref_squeeze %dma_wait3A_734 : memref<1x80xi32, #tpu.memory_space<vmem>> -> memref<80xi32, #tpu.memory_space<vmem>>
      %dma_wait3A_736 = arith.constant 0 : i32
      %dma_wait3A_737 = arith.constant 0 : i32
      %dma_wait3A_738 = tpu.memref_slice %arg8[%dma_wait3A_736, %dma_wait3A_737] : memref<10000x16xf32, #tpu.memory_space<vmem_shared>> -> memref<10000x16xf32, #tpu.memory_space<vmem_shared>>
      tpu.wait_indirect_dma semaphore(%arg10 : memref<!tpu.dma_semaphore, #tpu.memory_space<semaphore_mem>>) src(%dma_wait3A_732 : memref<80x16xf32, #tpu.memory_space<vmem>>) dst(%dma_wait3A_738 : memref<10000x16xf32, #tpu.memory_space<vmem_shared>>)
      %add3A_739 = arith.constant 2 : i32
      %add3A_740 = arith.addi %mul3A_377, %add3A_739 : i32
      %dma_wait3A_741 = arith.constant 2 : i32
      %dma_wait3A_742 = arith.constant 0 : i32
      %dma_wait3A_743 = arith.constant 0 : i32
      %dma_wait3A_744 = tpu.memref_slice %arg7[%dma_wait3A_741, %dma_wait3A_742, %dma_wait3A_743] : memref<10x80x16xf32, #tpu.memory_space<vmem>> -> memref<1x80x16xf32, #tpu.memory_space<vmem>>
      %dma_wait3A_745 = tpu.memref_squeeze %dma_wait3A_744 : memref<1x80x16xf32, #tpu.memory_space<vmem>> -> memref<80x16xf32, #tpu.memory_space<vmem>>
      %dma_wait3A_746 = arith.constant 0 : i32
      %dma_wait3A_747 = tpu.memref_slice %arg6[%add3A_740, %dma_wait3A_746] : memref<125x80xi32, #tpu.memory_space<vmem>> -> memref<1x80xi32, #tpu.memory_space<vmem>>
      %dma_wait3A_748 = tpu.memref_squeeze %dma_wait3A_747 : memref<1x80xi32, #tpu.memory_space<vmem>> -> memref<80xi32, #tpu.memory_space<vmem>>
      %dma_wait3A_749 = arith.constant 0 : i32
      %dma_wait3A_750 = arith.constant 0 : i32
      %dma_wait3A_751 = tpu.memref_slice %arg8[%dma_wait3A_749, %dma_wait3A_750] : memref<10000x16xf32, #tpu.memory_space<vmem_shared>> -> memref<10000x16xf32, #tpu.memory_space<vmem_shared>>
      tpu.wait_indirect_dma semaphore(%arg10 : memref<!tpu.dma_semaphore, #tpu.memory_space<semaphore_mem>>) src(%dma_wait3A_745 : memref<80x16xf32, #tpu.memory_space<vmem>>) dst(%dma_wait3A_751 : memref<10000x16xf32, #tpu.memory_space<vmem_shared>>)
      %add3A_752 = arith.constant 3 : i32
      %add3A_753 = arith.addi %mul3A_377, %add3A_752 : i32
      %dma_wait3A_754 = arith.constant 3 : i32
      %dma_wait3A_755 = arith.constant 0 : i32
      %dma_wait3A_756 = arith.constant 0 : i32
      %dma_wait3A_757 = tpu.memref_slice %arg7[%dma_wait3A_754, %dma_wait3A_755, %dma_wait3A_756] : memref<10x80x16xf32, #tpu.memory_space<vmem>> -> memref<1x80x16xf32, #tpu.memory_space<vmem>>
      %dma_wait3A_758 = tpu.memref_squeeze %dma_wait3A_757 : memref<1x80x16xf32, #tpu.memory_space<vmem>> -> memref<80x16xf32, #tpu.memory_space<vmem>>
      %dma_wait3A_759 = arith.constant 0 : i32
      %dma_wait3A_760 = tpu.memref_slice %arg6[%add3A_753, %dma_wait3A_759] : memref<125x80xi32, #tpu.memory_space<vmem>> -> memref<1x80xi32, #tpu.memory_space<vmem>>
      %dma_wait3A_761 = tpu.memref_squeeze %dma_wait3A_760 : memref<1x80xi32, #tpu.memory_space<vmem>> -> memref<80xi32, #tpu.memory_space<vmem>>
      %dma_wait3A_762 = arith.constant 0 : i32
      %dma_wait3A_763 = arith.constant 0 : i32
      %dma_wait3A_764 = tpu.memref_slice %arg8[%dma_wait3A_762, %dma_wait3A_763] : memref<10000x16xf32, #tpu.memory_space<vmem_shared>> -> memref<10000x16xf32, #tpu.memory_space<vmem_shared>>
      tpu.wait_indirect_dma semaphore(%arg10 : memref<!tpu.dma_semaphore, #tpu.memory_space<semaphore_mem>>) src(%dma_wait3A_758 : memref<80x16xf32, #tpu.memory_space<vmem>>) dst(%dma_wait3A_764 : memref<10000x16xf32, #tpu.memory_space<vmem_shared>>)
      %add3A_765 = arith.constant 4 : i32
      %add3A_766 = arith.addi %mul3A_377, %add3A_765 : i32
      %dma_wait3A_767 = arith.constant 4 : i32
      %dma_wait3A_768 = arith.constant 0 : i32
      %dma_wait3A_769 = arith.constant 0 : i32
      %dma_wait3A_770 = tpu.memref_slice %arg7[%dma_wait3A_767, %dma_wait3A_768, %dma_wait3A_769] : memref<10x80x16xf32, #tpu.memory_space<vmem>> -> memref<1x80x16xf32, #tpu.memory_space<vmem>>
      %dma_wait3A_771 = tpu.memref_squeeze %dma_wait3A_770 : memref<1x80x16xf32, #tpu.memory_space<vmem>> -> memref<80x16xf32, #tpu.memory_space<vmem>>
      %dma_wait3A_772 = arith.constant 0 : i32
      %dma_wait3A_773 = tpu.memref_slice %arg6[%add3A_766, %dma_wait3A_772] : memref<125x80xi32, #tpu.memory_space<vmem>> -> memref<1x80xi32, #tpu.memory_space<vmem>>
      %dma_wait3A_774 = tpu.memref_squeeze %dma_wait3A_773 : memref<1x80xi32, #tpu.memory_space<vmem>> -> memref<80xi32, #tpu.memory_space<vmem>>
      %dma_wait3A_775 = arith.constant 0 : i32
      %dma_wait3A_776 = arith.constant 0 : i32
      %dma_wait3A_777 = tpu.memref_slice %arg8[%dma_wait3A_775, %dma_wait3A_776] : memref<10000x16xf32, #tpu.memory_space<vmem_shared>> -> memref<10000x16xf32, #tpu.memory_space<vmem_shared>>
      tpu.wait_indirect_dma semaphore(%arg10 : memref<!tpu.dma_semaphore, #tpu.memory_space<semaphore_mem>>) src(%dma_wait3A_771 : memref<80x16xf32, #tpu.memory_space<vmem>>) dst(%dma_wait3A_777 : memref<10000x16xf32, #tpu.memory_space<vmem_shared>>)
      %lt3A_778 = arith.constant 11 : i32
      %lt3A_779 = arith.cmpi slt, %scan3A_373, %lt3A_778 : i32
      %convert_element_type3A_780 = arith.extui %lt3A_779 : i1 to i32
      %cond3A_781 = arith.constant 0 : i32
      %cond3A_782 = arith.cmpi ne, %convert_element_type3A_780, %cond3A_781 : i32
      scf.if %cond3A_782 {
        %add3A_783 = arith.constant 10 : i32
        %add3A_784 = arith.addi %mul3A_377, %add3A_783 : i32
        %add3A_785 = arith.constant 0 : i32
        %add3A_786 = arith.addi %add3A_784, %add3A_785 : i32
        %dma_start3A_787 = arith.constant 0 : i32
        %dma_start3A_788 = arith.constant 0 : i32
        %dma_start3A_789 = arith.constant 0 : i32
        %dma_start3A_790 = tpu.memref_slice %arg7[%dma_start3A_787, %dma_start3A_788, %dma_start3A_789] : memref<10x80x16xf32, #tpu.memory_space<vmem>> -> memref<1x80x16xf32, #tpu.memory_space<vmem>>
        %dma_start3A_791 = tpu.memref_squeeze %dma_start3A_790 : memref<1x80x16xf32, #tpu.memory_space<vmem>> -> memref<80x16xf32, #tpu.memory_space<vmem>>
        %dma_start3A_792 = arith.constant 0 : i32
        %dma_start3A_793 = tpu.memref_slice %arg5[%add3A_786, %dma_start3A_792] : memref<125x80xi32, #tpu.memory_space<vmem>> -> memref<1x80xi32, #tpu.memory_space<vmem>>
        %dma_start3A_794 = tpu.memref_squeeze %dma_start3A_793 : memref<1x80xi32, #tpu.memory_space<vmem>> -> memref<80xi32, #tpu.memory_space<vmem>>
        %dma_start3A_795 = arith.constant 0 : i32
        %dma_start3A_796 = arith.constant 0 : i32
        %dma_start3A_797 = tpu.memref_slice %arg3[%dma_start3A_795, %dma_start3A_796] : memref<10000x16xf32, #tpu.memory_space<hbm>> -> memref<10000x16xf32, #tpu.memory_space<hbm>>
        tpu.enqueue_indirect_dma source(%dma_start3A_797 : memref<10000x16xf32, #tpu.memory_space<hbm>>) target(%dma_start3A_791 : memref<80x16xf32, #tpu.memory_space<vmem>>) offsets(%dma_start3A_794 : memref<80xi32, #tpu.memory_space<vmem>>) semaphore(%arg9 : memref<!tpu.dma_semaphore, #tpu.memory_space<semaphore_mem>>)
        %add3A_798 = arith.constant 1 : i32
        %add3A_799 = arith.addi %add3A_784, %add3A_798 : i32
        %dma_start3A_800 = arith.constant 1 : i32
        %dma_start3A_801 = arith.constant 0 : i32
        %dma_start3A_802 = arith.constant 0 : i32
        %dma_start3A_803 = tpu.memref_slice %arg7[%dma_start3A_800, %dma_start3A_801, %dma_start3A_802] : memref<10x80x16xf32, #tpu.memory_space<vmem>> -> memref<1x80x16xf32, #tpu.memory_space<vmem>>
        %dma_start3A_804 = tpu.memref_squeeze %dma_start3A_803 : memref<1x80x16xf32, #tpu.memory_space<vmem>> -> memref<80x16xf32, #tpu.memory_space<vmem>>
        %dma_start3A_805 = arith.constant 0 : i32
        %dma_start3A_806 = tpu.memref_slice %arg5[%add3A_799, %dma_start3A_805] : memref<125x80xi32, #tpu.memory_space<vmem>> -> memref<1x80xi32, #tpu.memory_space<vmem>>
        %dma_start3A_807 = tpu.memref_squeeze %dma_start3A_806 : memref<1x80xi32, #tpu.memory_space<vmem>> -> memref<80xi32, #tpu.memory_space<vmem>>
        %dma_start3A_808 = arith.constant 0 : i32
        %dma_start3A_809 = arith.constant 0 : i32
        %dma_start3A_810 = tpu.memref_slice %arg3[%dma_start3A_808, %dma_start3A_809] : memref<10000x16xf32, #tpu.memory_space<hbm>> -> memref<10000x16xf32, #tpu.memory_space<hbm>>
        tpu.enqueue_indirect_dma source(%dma_start3A_810 : memref<10000x16xf32, #tpu.memory_space<hbm>>) target(%dma_start3A_804 : memref<80x16xf32, #tpu.memory_space<vmem>>) offsets(%dma_start3A_807 : memref<80xi32, #tpu.memory_space<vmem>>) semaphore(%arg9 : memref<!tpu.dma_semaphore, #tpu.memory_space<semaphore_mem>>)
        %add3A_811 = arith.constant 2 : i32
        %add3A_812 = arith.addi %add3A_784, %add3A_811 : i32
        %dma_start3A_813 = arith.constant 2 : i32
        %dma_start3A_814 = arith.constant 0 : i32
        %dma_start3A_815 = arith.constant 0 : i32
        %dma_start3A_816 = tpu.memref_slice %arg7[%dma_start3A_813, %dma_start3A_814, %dma_start3A_815] : memref<10x80x16xf32, #tpu.memory_space<vmem>> -> memref<1x80x16xf32, #tpu.memory_space<vmem>>
        %dma_start3A_817 = tpu.memref_squeeze %dma_start3A_816 : memref<1x80x16xf32, #tpu.memory_space<vmem>> -> memref<80x16xf32, #tpu.memory_space<vmem>>
        %dma_start3A_818 = arith.constant 0 : i32
        %dma_start3A_819 = tpu.memref_slice %arg5[%add3A_812, %dma_start3A_818] : memref<125x80xi32, #tpu.memory_space<vmem>> -> memref<1x80xi32, #tpu.memory_space<vmem>>
        %dma_start3A_820 = tpu.memref_squeeze %dma_start3A_819 : memref<1x80xi32, #tpu.memory_space<vmem>> -> memref<80xi32, #tpu.memory_space<vmem>>
        %dma_start3A_821 = arith.constant 0 : i32
        %dma_start3A_822 = arith.constant 0 : i32
        %dma_start3A_823 = tpu.memref_slice %arg3[%dma_start3A_821, %dma_start3A_822] : memref<10000x16xf32, #tpu.memory_space<hbm>> -> memref<10000x16xf32, #tpu.memory_space<hbm>>
        tpu.enqueue_indirect_dma source(%dma_start3A_823 : memref<10000x16xf32, #tpu.memory_space<hbm>>) target(%dma_start3A_817 : memref<80x16xf32, #tpu.memory_space<vmem>>) offsets(%dma_start3A_820 : memref<80xi32, #tpu.memory_space<vmem>>) semaphore(%arg9 : memref<!tpu.dma_semaphore, #tpu.memory_space<semaphore_mem>>)
        %add3A_824 = arith.constant 3 : i32
        %add3A_825 = arith.addi %add3A_784, %add3A_824 : i32
        %dma_start3A_826 = arith.constant 3 : i32
        %dma_start3A_827 = arith.constant 0 : i32
        %dma_start3A_828 = arith.constant 0 : i32
        %dma_start3A_829 = tpu.memref_slice %arg7[%dma_start3A_826, %dma_start3A_827, %dma_start3A_828] : memref<10x80x16xf32, #tpu.memory_space<vmem>> -> memref<1x80x16xf32, #tpu.memory_space<vmem>>
        %dma_start3A_830 = tpu.memref_squeeze %dma_start3A_829 : memref<1x80x16xf32, #tpu.memory_space<vmem>> -> memref<80x16xf32, #tpu.memory_space<vmem>>
        %dma_start3A_831 = arith.constant 0 : i32
        %dma_start3A_832 = tpu.memref_slice %arg5[%add3A_825, %dma_start3A_831] : memref<125x80xi32, #tpu.memory_space<vmem>> -> memref<1x80xi32, #tpu.memory_space<vmem>>
        %dma_start3A_833 = tpu.memref_squeeze %dma_start3A_832 : memref<1x80xi32, #tpu.memory_space<vmem>> -> memref<80xi32, #tpu.memory_space<vmem>>
        %dma_start3A_834 = arith.constant 0 : i32
        %dma_start3A_835 = arith.constant 0 : i32
        %dma_start3A_836 = tpu.memref_slice %arg3[%dma_start3A_834, %dma_start3A_835] : memref<10000x16xf32, #tpu.memory_space<hbm>> -> memref<10000x16xf32, #tpu.memory_space<hbm>>
        tpu.enqueue_indirect_dma source(%dma_start3A_836 : memref<10000x16xf32, #tpu.memory_space<hbm>>) target(%dma_start3A_830 : memref<80x16xf32, #tpu.memory_space<vmem>>) offsets(%dma_start3A_833 : memref<80xi32, #tpu.memory_space<vmem>>) semaphore(%arg9 : memref<!tpu.dma_semaphore, #tpu.memory_space<semaphore_mem>>)
        %add3A_837 = arith.constant 4 : i32
        %add3A_838 = arith.addi %add3A_784, %add3A_837 : i32
        %dma_start3A_839 = arith.constant 4 : i32
        %dma_start3A_840 = arith.constant 0 : i32
        %dma_start3A_841 = arith.constant 0 : i32
        %dma_start3A_842 = tpu.memref_slice %arg7[%dma_start3A_839, %dma_start3A_840, %dma_start3A_841] : memref<10x80x16xf32, #tpu.memory_space<vmem>> -> memref<1x80x16xf32, #tpu.memory_space<vmem>>
        %dma_start3A_843 = tpu.memref_squeeze %dma_start3A_842 : memref<1x80x16xf32, #tpu.memory_space<vmem>> -> memref<80x16xf32, #tpu.memory_space<vmem>>
        %dma_start3A_844 = arith.constant 0 : i32
        %dma_start3A_845 = tpu.memref_slice %arg5[%add3A_838, %dma_start3A_844] : memref<125x80xi32, #tpu.memory_space<vmem>> -> memref<1x80xi32, #tpu.memory_space<vmem>>
        %dma_start3A_846 = tpu.memref_squeeze %dma_start3A_845 : memref<1x80xi32, #tpu.memory_space<vmem>> -> memref<80xi32, #tpu.memory_space<vmem>>
        %dma_start3A_847 = arith.constant 0 : i32
        %dma_start3A_848 = arith.constant 0 : i32
        %dma_start3A_849 = tpu.memref_slice %arg3[%dma_start3A_847, %dma_start3A_848] : memref<10000x16xf32, #tpu.memory_space<hbm>> -> memref<10000x16xf32, #tpu.memory_space<hbm>>
        tpu.enqueue_indirect_dma source(%dma_start3A_849 : memref<10000x16xf32, #tpu.memory_space<hbm>>) target(%dma_start3A_843 : memref<80x16xf32, #tpu.memory_space<vmem>>) offsets(%dma_start3A_846 : memref<80xi32, #tpu.memory_space<vmem>>) semaphore(%arg9 : memref<!tpu.dma_semaphore, #tpu.memory_space<semaphore_mem>>)
      } else {
      }
    }
    %scan3A_67 = arith.constant 12 : i32
    %dma_wait3A = arith.constant 5 : i32
    %dma_wait3A_68 = arith.constant 115 : i32
    %dma_wait3A_69 = arith.constant 0 : i32
    %dma_wait3A_70 = arith.constant 0 : i32
    %dma_wait3A_71 = tpu.memref_slice %arg7[%dma_wait3A, %dma_wait3A_69, %dma_wait3A_70] : memref<10x80x16xf32, #tpu.memory_space<vmem>> -> memref<1x80x16xf32, #tpu.memory_space<vmem>>
    %dma_wait3A_72 = tpu.memref_squeeze %dma_wait3A_71 : memref<1x80x16xf32, #tpu.memory_space<vmem>> -> memref<80x16xf32, #tpu.memory_space<vmem>>
    %dma_wait3A_73 = arith.constant 0 : i32
    %dma_wait3A_74 = tpu.memref_slice %arg6[%dma_wait3A_68, %dma_wait3A_73] : memref<125x80xi32, #tpu.memory_space<vmem>> -> memref<1x80xi32, #tpu.memory_space<vmem>>
    %dma_wait3A_75 = tpu.memref_squeeze %dma_wait3A_74 : memref<1x80xi32, #tpu.memory_space<vmem>> -> memref<80xi32, #tpu.memory_space<vmem>>
    %dma_wait3A_76 = arith.constant 0 : i32
    %dma_wait3A_77 = arith.constant 0 : i32
    %dma_wait3A_78 = tpu.memref_slice %arg8[%dma_wait3A_76, %dma_wait3A_77] : memref<10000x16xf32, #tpu.memory_space<vmem_shared>> -> memref<10000x16xf32, #tpu.memory_space<vmem_shared>>
    tpu.wait_indirect_dma semaphore(%arg10 : memref<!tpu.dma_semaphore, #tpu.memory_space<semaphore_mem>>) src(%dma_wait3A_72 : memref<80x16xf32, #tpu.memory_space<vmem>>) dst(%dma_wait3A_78 : memref<10000x16xf32, #tpu.memory_space<vmem_shared>>)
    %dma_wait3A_79 = arith.constant 6 : i32
    %dma_wait3A_80 = arith.constant 116 : i32
    %dma_wait3A_81 = arith.constant 0 : i32
    %dma_wait3A_82 = arith.constant 0 : i32
    %dma_wait3A_83 = tpu.memref_slice %arg7[%dma_wait3A_79, %dma_wait3A_81, %dma_wait3A_82] : memref<10x80x16xf32, #tpu.memory_space<vmem>> -> memref<1x80x16xf32, #tpu.memory_space<vmem>>
    %dma_wait3A_84 = tpu.memref_squeeze %dma_wait3A_83 : memref<1x80x16xf32, #tpu.memory_space<vmem>> -> memref<80x16xf32, #tpu.memory_space<vmem>>
    %dma_wait3A_85 = arith.constant 0 : i32
    %dma_wait3A_86 = tpu.memref_slice %arg6[%dma_wait3A_80, %dma_wait3A_85] : memref<125x80xi32, #tpu.memory_space<vmem>> -> memref<1x80xi32, #tpu.memory_space<vmem>>
    %dma_wait3A_87 = tpu.memref_squeeze %dma_wait3A_86 : memref<1x80xi32, #tpu.memory_space<vmem>> -> memref<80xi32, #tpu.memory_space<vmem>>
    %dma_wait3A_88 = arith.constant 0 : i32
    %dma_wait3A_89 = arith.constant 0 : i32
    %dma_wait3A_90 = tpu.memref_slice %arg8[%dma_wait3A_88, %dma_wait3A_89] : memref<10000x16xf32, #tpu.memory_space<vmem_shared>> -> memref<10000x16xf32, #tpu.memory_space<vmem_shared>>
    tpu.wait_indirect_dma semaphore(%arg10 : memref<!tpu.dma_semaphore, #tpu.memory_space<semaphore_mem>>) src(%dma_wait3A_84 : memref<80x16xf32, #tpu.memory_space<vmem>>) dst(%dma_wait3A_90 : memref<10000x16xf32, #tpu.memory_space<vmem_shared>>)
    %dma_wait3A_91 = arith.constant 7 : i32
    %dma_wait3A_92 = arith.constant 117 : i32
    %dma_wait3A_93 = arith.constant 0 : i32
    %dma_wait3A_94 = arith.constant 0 : i32
    %dma_wait3A_95 = tpu.memref_slice %arg7[%dma_wait3A_91, %dma_wait3A_93, %dma_wait3A_94] : memref<10x80x16xf32, #tpu.memory_space<vmem>> -> memref<1x80x16xf32, #tpu.memory_space<vmem>>
    %dma_wait3A_96 = tpu.memref_squeeze %dma_wait3A_95 : memref<1x80x16xf32, #tpu.memory_space<vmem>> -> memref<80x16xf32, #tpu.memory_space<vmem>>
    %dma_wait3A_97 = arith.constant 0 : i32
    %dma_wait3A_98 = tpu.memref_slice %arg6[%dma_wait3A_92, %dma_wait3A_97] : memref<125x80xi32, #tpu.memory_space<vmem>> -> memref<1x80xi32, #tpu.memory_space<vmem>>
    %dma_wait3A_99 = tpu.memref_squeeze %dma_wait3A_98 : memref<1x80xi32, #tpu.memory_space<vmem>> -> memref<80xi32, #tpu.memory_space<vmem>>
    %dma_wait3A_100 = arith.constant 0 : i32
    %dma_wait3A_101 = arith.constant 0 : i32
    %dma_wait3A_102 = tpu.memref_slice %arg8[%dma_wait3A_100, %dma_wait3A_101] : memref<10000x16xf32, #tpu.memory_space<vmem_shared>> -> memref<10000x16xf32, #tpu.memory_space<vmem_shared>>
    tpu.wait_indirect_dma semaphore(%arg10 : memref<!tpu.dma_semaphore, #tpu.memory_space<semaphore_mem>>) src(%dma_wait3A_96 : memref<80x16xf32, #tpu.memory_space<vmem>>) dst(%dma_wait3A_102 : memref<10000x16xf32, #tpu.memory_space<vmem_shared>>)
    %dma_wait3A_103 = arith.constant 8 : i32
    %dma_wait3A_104 = arith.constant 118 : i32
    %dma_wait3A_105 = arith.constant 0 : i32
    %dma_wait3A_106 = arith.constant 0 : i32
    %dma_wait3A_107 = tpu.memref_slice %arg7[%dma_wait3A_103, %dma_wait3A_105, %dma_wait3A_106] : memref<10x80x16xf32, #tpu.memory_space<vmem>> -> memref<1x80x16xf32, #tpu.memory_space<vmem>>
    %dma_wait3A_108 = tpu.memref_squeeze %dma_wait3A_107 : memref<1x80x16xf32, #tpu.memory_space<vmem>> -> memref<80x16xf32, #tpu.memory_space<vmem>>
    %dma_wait3A_109 = arith.constant 0 : i32
    %dma_wait3A_110 = tpu.memref_slice %arg6[%dma_wait3A_104, %dma_wait3A_109] : memref<125x80xi32, #tpu.memory_space<vmem>> -> memref<1x80xi32, #tpu.memory_space<vmem>>
    %dma_wait3A_111 = tpu.memref_squeeze %dma_wait3A_110 : memref<1x80xi32, #tpu.memory_space<vmem>> -> memref<80xi32, #tpu.memory_space<vmem>>
    %dma_wait3A_112 = arith.constant 0 : i32
    %dma_wait3A_113 = arith.constant 0 : i32
    %dma_wait3A_114 = tpu.memref_slice %arg8[%dma_wait3A_112, %dma_wait3A_113] : memref<10000x16xf32, #tpu.memory_space<vmem_shared>> -> memref<10000x16xf32, #tpu.memory_space<vmem_shared>>
    tpu.wait_indirect_dma semaphore(%arg10 : memref<!tpu.dma_semaphore, #tpu.memory_space<semaphore_mem>>) src(%dma_wait3A_108 : memref<80x16xf32, #tpu.memory_space<vmem>>) dst(%dma_wait3A_114 : memref<10000x16xf32, #tpu.memory_space<vmem_shared>>)
    %dma_wait3A_115 = arith.constant 9 : i32
    %dma_wait3A_116 = arith.constant 119 : i32
    %dma_wait3A_117 = arith.constant 0 : i32
    %dma_wait3A_118 = arith.constant 0 : i32
    %dma_wait3A_119 = tpu.memref_slice %arg7[%dma_wait3A_115, %dma_wait3A_117, %dma_wait3A_118] : memref<10x80x16xf32, #tpu.memory_space<vmem>> -> memref<1x80x16xf32, #tpu.memory_space<vmem>>
    %dma_wait3A_120 = tpu.memref_squeeze %dma_wait3A_119 : memref<1x80x16xf32, #tpu.memory_space<vmem>> -> memref<80x16xf32, #tpu.memory_space<vmem>>
    %dma_wait3A_121 = arith.constant 0 : i32
    %dma_wait3A_122 = tpu.memref_slice %arg6[%dma_wait3A_116, %dma_wait3A_121] : memref<125x80xi32, #tpu.memory_space<vmem>> -> memref<1x80xi32, #tpu.memory_space<vmem>>
    %dma_wait3A_123 = tpu.memref_squeeze %dma_wait3A_122 : memref<1x80xi32, #tpu.memory_space<vmem>> -> memref<80xi32, #tpu.memory_space<vmem>>
    %dma_wait3A_124 = arith.constant 0 : i32
    %dma_wait3A_125 = arith.constant 0 : i32
    %dma_wait3A_126 = tpu.memref_slice %arg8[%dma_wait3A_124, %dma_wait3A_125] : memref<10000x16xf32, #tpu.memory_space<vmem_shared>> -> memref<10000x16xf32, #tpu.memory_space<vmem_shared>>
    tpu.wait_indirect_dma semaphore(%arg10 : memref<!tpu.dma_semaphore, #tpu.memory_space<semaphore_mem>>) src(%dma_wait3A_120 : memref<80x16xf32, #tpu.memory_space<vmem>>) dst(%dma_wait3A_126 : memref<10000x16xf32, #tpu.memory_space<vmem_shared>>)
    %dma_start3A_127 = arith.constant 120 : i32
    %dma_start3A_128 = arith.constant 0 : i32
    %dma_start3A_129 = arith.constant 0 : i32
    %dma_start3A_130 = arith.constant 0 : i32
    %dma_start3A_131 = tpu.memref_slice %arg7[%dma_start3A_128, %dma_start3A_129, %dma_start3A_130] : memref<10x80x16xf32, #tpu.memory_space<vmem>> -> memref<1x80x16xf32, #tpu.memory_space<vmem>>
    %dma_start3A_132 = tpu.memref_squeeze %dma_start3A_131 : memref<1x80x16xf32, #tpu.memory_space<vmem>> -> memref<80x16xf32, #tpu.memory_space<vmem>>
    %dma_start3A_133 = arith.constant 0 : i32
    %dma_start3A_134 = tpu.memref_slice %arg5[%dma_start3A_127, %dma_start3A_133] : memref<125x80xi32, #tpu.memory_space<vmem>> -> memref<1x80xi32, #tpu.memory_space<vmem>>
    %dma_start3A_135 = tpu.memref_squeeze %dma_start3A_134 : memref<1x80xi32, #tpu.memory_space<vmem>> -> memref<80xi32, #tpu.memory_space<vmem>>
    %dma_start3A_136 = arith.constant 0 : i32
    %dma_start3A_137 = arith.constant 0 : i32
    %dma_start3A_138 = tpu.memref_slice %arg3[%dma_start3A_136, %dma_start3A_137] : memref<10000x16xf32, #tpu.memory_space<hbm>> -> memref<10000x16xf32, #tpu.memory_space<hbm>>
    tpu.enqueue_indirect_dma source(%dma_start3A_138 : memref<10000x16xf32, #tpu.memory_space<hbm>>) target(%dma_start3A_132 : memref<80x16xf32, #tpu.memory_space<vmem>>) offsets(%dma_start3A_135 : memref<80xi32, #tpu.memory_space<vmem>>) semaphore(%arg9 : memref<!tpu.dma_semaphore, #tpu.memory_space<semaphore_mem>>)
    %dma_start3A_139 = arith.constant 121 : i32
    %dma_start3A_140 = arith.constant 1 : i32
    %dma_start3A_141 = arith.constant 0 : i32
    %dma_start3A_142 = arith.constant 0 : i32
    %dma_start3A_143 = tpu.memref_slice %arg7[%dma_start3A_140, %dma_start3A_141, %dma_start3A_142] : memref<10x80x16xf32, #tpu.memory_space<vmem>> -> memref<1x80x16xf32, #tpu.memory_space<vmem>>
    %dma_start3A_144 = tpu.memref_squeeze %dma_start3A_143 : memref<1x80x16xf32, #tpu.memory_space<vmem>> -> memref<80x16xf32, #tpu.memory_space<vmem>>
    %dma_start3A_145 = arith.constant 0 : i32
    %dma_start3A_146 = tpu.memref_slice %arg5[%dma_start3A_139, %dma_start3A_145] : memref<125x80xi32, #tpu.memory_space<vmem>> -> memref<1x80xi32, #tpu.memory_space<vmem>>
    %dma_start3A_147 = tpu.memref_squeeze %dma_start3A_146 : memref<1x80xi32, #tpu.memory_space<vmem>> -> memref<80xi32, #tpu.memory_space<vmem>>
    %dma_start3A_148 = arith.constant 0 : i32
    %dma_start3A_149 = arith.constant 0 : i32
    %dma_start3A_150 = tpu.memref_slice %arg3[%dma_start3A_148, %dma_start3A_149] : memref<10000x16xf32, #tpu.memory_space<hbm>> -> memref<10000x16xf32, #tpu.memory_space<hbm>>
    tpu.enqueue_indirect_dma source(%dma_start3A_150 : memref<10000x16xf32, #tpu.memory_space<hbm>>) target(%dma_start3A_144 : memref<80x16xf32, #tpu.memory_space<vmem>>) offsets(%dma_start3A_147 : memref<80xi32, #tpu.memory_space<vmem>>) semaphore(%arg9 : memref<!tpu.dma_semaphore, #tpu.memory_space<semaphore_mem>>)
    %dma_start3A_151 = arith.constant 122 : i32
    %dma_start3A_152 = arith.constant 2 : i32
    %dma_start3A_153 = arith.constant 0 : i32
    %dma_start3A_154 = arith.constant 0 : i32
    %dma_start3A_155 = tpu.memref_slice %arg7[%dma_start3A_152, %dma_start3A_153, %dma_start3A_154] : memref<10x80x16xf32, #tpu.memory_space<vmem>> -> memref<1x80x16xf32, #tpu.memory_space<vmem>>
    %dma_start3A_156 = tpu.memref_squeeze %dma_start3A_155 : memref<1x80x16xf32, #tpu.memory_space<vmem>> -> memref<80x16xf32, #tpu.memory_space<vmem>>
    %dma_start3A_157 = arith.constant 0 : i32
    %dma_start3A_158 = tpu.memref_slice %arg5[%dma_start3A_151, %dma_start3A_157] : memref<125x80xi32, #tpu.memory_space<vmem>> -> memref<1x80xi32, #tpu.memory_space<vmem>>
    %dma_start3A_159 = tpu.memref_squeeze %dma_start3A_158 : memref<1x80xi32, #tpu.memory_space<vmem>> -> memref<80xi32, #tpu.memory_space<vmem>>
    %dma_start3A_160 = arith.constant 0 : i32
    %dma_start3A_161 = arith.constant 0 : i32
    %dma_start3A_162 = tpu.memref_slice %arg3[%dma_start3A_160, %dma_start3A_161] : memref<10000x16xf32, #tpu.memory_space<hbm>> -> memref<10000x16xf32, #tpu.memory_space<hbm>>
    tpu.enqueue_indirect_dma source(%dma_start3A_162 : memref<10000x16xf32, #tpu.memory_space<hbm>>) target(%dma_start3A_156 : memref<80x16xf32, #tpu.memory_space<vmem>>) offsets(%dma_start3A_159 : memref<80xi32, #tpu.memory_space<vmem>>) semaphore(%arg9 : memref<!tpu.dma_semaphore, #tpu.memory_space<semaphore_mem>>)
    %dma_start3A_163 = arith.constant 123 : i32
    %dma_start3A_164 = arith.constant 3 : i32
    %dma_start3A_165 = arith.constant 0 : i32
    %dma_start3A_166 = arith.constant 0 : i32
    %dma_start3A_167 = tpu.memref_slice %arg7[%dma_start3A_164, %dma_start3A_165, %dma_start3A_166] : memref<10x80x16xf32, #tpu.memory_space<vmem>> -> memref<1x80x16xf32, #tpu.memory_space<vmem>>
    %dma_start3A_168 = tpu.memref_squeeze %dma_start3A_167 : memref<1x80x16xf32, #tpu.memory_space<vmem>> -> memref<80x16xf32, #tpu.memory_space<vmem>>
    %dma_start3A_169 = arith.constant 0 : i32
    %dma_start3A_170 = tpu.memref_slice %arg5[%dma_start3A_163, %dma_start3A_169] : memref<125x80xi32, #tpu.memory_space<vmem>> -> memref<1x80xi32, #tpu.memory_space<vmem>>
    %dma_start3A_171 = tpu.memref_squeeze %dma_start3A_170 : memref<1x80xi32, #tpu.memory_space<vmem>> -> memref<80xi32, #tpu.memory_space<vmem>>
    %dma_start3A_172 = arith.constant 0 : i32
    %dma_start3A_173 = arith.constant 0 : i32
    %dma_start3A_174 = tpu.memref_slice %arg3[%dma_start3A_172, %dma_start3A_173] : memref<10000x16xf32, #tpu.memory_space<hbm>> -> memref<10000x16xf32, #tpu.memory_space<hbm>>
    tpu.enqueue_indirect_dma source(%dma_start3A_174 : memref<10000x16xf32, #tpu.memory_space<hbm>>) target(%dma_start3A_168 : memref<80x16xf32, #tpu.memory_space<vmem>>) offsets(%dma_start3A_171 : memref<80xi32, #tpu.memory_space<vmem>>) semaphore(%arg9 : memref<!tpu.dma_semaphore, #tpu.memory_space<semaphore_mem>>)
    %dma_start3A_175 = arith.constant 124 : i32
    %dma_start3A_176 = arith.constant 4 : i32
    %dma_start3A_177 = arith.constant 0 : i32
    %dma_start3A_178 = arith.constant 0 : i32
    %dma_start3A_179 = tpu.memref_slice %arg7[%dma_start3A_176, %dma_start3A_177, %dma_start3A_178] : memref<10x80x16xf32, #tpu.memory_space<vmem>> -> memref<1x80x16xf32, #tpu.memory_space<vmem>>
    %dma_start3A_180 = tpu.memref_squeeze %dma_start3A_179 : memref<1x80x16xf32, #tpu.memory_space<vmem>> -> memref<80x16xf32, #tpu.memory_space<vmem>>
    %dma_start3A_181 = arith.constant 0 : i32
    %dma_start3A_182 = tpu.memref_slice %arg5[%dma_start3A_175, %dma_start3A_181] : memref<125x80xi32, #tpu.memory_space<vmem>> -> memref<1x80xi32, #tpu.memory_space<vmem>>
    %dma_start3A_183 = tpu.memref_squeeze %dma_start3A_182 : memref<1x80xi32, #tpu.memory_space<vmem>> -> memref<80xi32, #tpu.memory_space<vmem>>
    %dma_start3A_184 = arith.constant 0 : i32
    %dma_start3A_185 = arith.constant 0 : i32
    %dma_start3A_186 = tpu.memref_slice %arg3[%dma_start3A_184, %dma_start3A_185] : memref<10000x16xf32, #tpu.memory_space<hbm>> -> memref<10000x16xf32, #tpu.memory_space<hbm>>
    tpu.enqueue_indirect_dma source(%dma_start3A_186 : memref<10000x16xf32, #tpu.memory_space<hbm>>) target(%dma_start3A_180 : memref<80x16xf32, #tpu.memory_space<vmem>>) offsets(%dma_start3A_183 : memref<80xi32, #tpu.memory_space<vmem>>) semaphore(%arg9 : memref<!tpu.dma_semaphore, #tpu.memory_space<semaphore_mem>>)
    %dma_wait3A_187 = arith.constant 120 : i32
    %dma_wait3A_188 = arith.constant 0 : i32
    %dma_wait3A_189 = arith.constant 0 : i32
    %dma_wait3A_190 = arith.constant 0 : i32
    %dma_wait3A_191 = tpu.memref_slice %arg7[%dma_wait3A_188, %dma_wait3A_189, %dma_wait3A_190] : memref<10x80x16xf32, #tpu.memory_space<vmem>> -> memref<1x80x16xf32, #tpu.memory_space<vmem>>
    %dma_wait3A_192 = tpu.memref_squeeze %dma_wait3A_191 : memref<1x80x16xf32, #tpu.memory_space<vmem>> -> memref<80x16xf32, #tpu.memory_space<vmem>>
    %dma_wait3A_193 = arith.constant 0 : i32
    %dma_wait3A_194 = tpu.memref_slice %arg5[%dma_wait3A_187, %dma_wait3A_193] : memref<125x80xi32, #tpu.memory_space<vmem>> -> memref<1x80xi32, #tpu.memory_space<vmem>>
    %dma_wait3A_195 = tpu.memref_squeeze %dma_wait3A_194 : memref<1x80xi32, #tpu.memory_space<vmem>> -> memref<80xi32, #tpu.memory_space<vmem>>
    %dma_wait3A_196 = arith.constant 0 : i32
    %dma_wait3A_197 = arith.constant 0 : i32
    %dma_wait3A_198 = tpu.memref_slice %arg3[%dma_wait3A_196, %dma_wait3A_197] : memref<10000x16xf32, #tpu.memory_space<hbm>> -> memref<10000x16xf32, #tpu.memory_space<hbm>>
    tpu.wait_indirect_dma semaphore(%arg9 : memref<!tpu.dma_semaphore, #tpu.memory_space<semaphore_mem>>) src(%dma_wait3A_198 : memref<10000x16xf32, #tpu.memory_space<hbm>>) dst(%dma_wait3A_192 : memref<80x16xf32, #tpu.memory_space<vmem>>)
    %dma_wait3A_199 = arith.constant 121 : i32
    %dma_wait3A_200 = arith.constant 1 : i32
    %dma_wait3A_201 = arith.constant 0 : i32
    %dma_wait3A_202 = arith.constant 0 : i32
    %dma_wait3A_203 = tpu.memref_slice %arg7[%dma_wait3A_200, %dma_wait3A_201, %dma_wait3A_202] : memref<10x80x16xf32, #tpu.memory_space<vmem>> -> memref<1x80x16xf32, #tpu.memory_space<vmem>>
    %dma_wait3A_204 = tpu.memref_squeeze %dma_wait3A_203 : memref<1x80x16xf32, #tpu.memory_space<vmem>> -> memref<80x16xf32, #tpu.memory_space<vmem>>
    %dma_wait3A_205 = arith.constant 0 : i32
    %dma_wait3A_206 = tpu.memref_slice %arg5[%dma_wait3A_199, %dma_wait3A_205] : memref<125x80xi32, #tpu.memory_space<vmem>> -> memref<1x80xi32, #tpu.memory_space<vmem>>
    %dma_wait3A_207 = tpu.memref_squeeze %dma_wait3A_206 : memref<1x80xi32, #tpu.memory_space<vmem>> -> memref<80xi32, #tpu.memory_space<vmem>>
    %dma_wait3A_208 = arith.constant 0 : i32
    %dma_wait3A_209 = arith.constant 0 : i32
    %dma_wait3A_210 = tpu.memref_slice %arg3[%dma_wait3A_208, %dma_wait3A_209] : memref<10000x16xf32, #tpu.memory_space<hbm>> -> memref<10000x16xf32, #tpu.memory_space<hbm>>
    tpu.wait_indirect_dma semaphore(%arg9 : memref<!tpu.dma_semaphore, #tpu.memory_space<semaphore_mem>>) src(%dma_wait3A_210 : memref<10000x16xf32, #tpu.memory_space<hbm>>) dst(%dma_wait3A_204 : memref<80x16xf32, #tpu.memory_space<vmem>>)
    %dma_wait3A_211 = arith.constant 122 : i32
    %dma_wait3A_212 = arith.constant 2 : i32
    %dma_wait3A_213 = arith.constant 0 : i32
    %dma_wait3A_214 = arith.constant 0 : i32
    %dma_wait3A_215 = tpu.memref_slice %arg7[%dma_wait3A_212, %dma_wait3A_213, %dma_wait3A_214] : memref<10x80x16xf32, #tpu.memory_space<vmem>> -> memref<1x80x16xf32, #tpu.memory_space<vmem>>
    %dma_wait3A_216 = tpu.memref_squeeze %dma_wait3A_215 : memref<1x80x16xf32, #tpu.memory_space<vmem>> -> memref<80x16xf32, #tpu.memory_space<vmem>>
    %dma_wait3A_217 = arith.constant 0 : i32
    %dma_wait3A_218 = tpu.memref_slice %arg5[%dma_wait3A_211, %dma_wait3A_217] : memref<125x80xi32, #tpu.memory_space<vmem>> -> memref<1x80xi32, #tpu.memory_space<vmem>>
    %dma_wait3A_219 = tpu.memref_squeeze %dma_wait3A_218 : memref<1x80xi32, #tpu.memory_space<vmem>> -> memref<80xi32, #tpu.memory_space<vmem>>
    %dma_wait3A_220 = arith.constant 0 : i32
    %dma_wait3A_221 = arith.constant 0 : i32
    %dma_wait3A_222 = tpu.memref_slice %arg3[%dma_wait3A_220, %dma_wait3A_221] : memref<10000x16xf32, #tpu.memory_space<hbm>> -> memref<10000x16xf32, #tpu.memory_space<hbm>>
    tpu.wait_indirect_dma semaphore(%arg9 : memref<!tpu.dma_semaphore, #tpu.memory_space<semaphore_mem>>) src(%dma_wait3A_222 : memref<10000x16xf32, #tpu.memory_space<hbm>>) dst(%dma_wait3A_216 : memref<80x16xf32, #tpu.memory_space<vmem>>)
    %dma_wait3A_223 = arith.constant 123 : i32
    %dma_wait3A_224 = arith.constant 3 : i32
    %dma_wait3A_225 = arith.constant 0 : i32
    %dma_wait3A_226 = arith.constant 0 : i32
    %dma_wait3A_227 = tpu.memref_slice %arg7[%dma_wait3A_224, %dma_wait3A_225, %dma_wait3A_226] : memref<10x80x16xf32, #tpu.memory_space<vmem>> -> memref<1x80x16xf32, #tpu.memory_space<vmem>>
    %dma_wait3A_228 = tpu.memref_squeeze %dma_wait3A_227 : memref<1x80x16xf32, #tpu.memory_space<vmem>> -> memref<80x16xf32, #tpu.memory_space<vmem>>
    %dma_wait3A_229 = arith.constant 0 : i32
    %dma_wait3A_230 = tpu.memref_slice %arg5[%dma_wait3A_223, %dma_wait3A_229] : memref<125x80xi32, #tpu.memory_space<vmem>> -> memref<1x80xi32, #tpu.memory_space<vmem>>
    %dma_wait3A_231 = tpu.memref_squeeze %dma_wait3A_230 : memref<1x80xi32, #tpu.memory_space<vmem>> -> memref<80xi32, #tpu.memory_space<vmem>>
    %dma_wait3A_232 = arith.constant 0 : i32
    %dma_wait3A_233 = arith.constant 0 : i32
    %dma_wait3A_234 = tpu.memref_slice %arg3[%dma_wait3A_232, %dma_wait3A_233] : memref<10000x16xf32, #tpu.memory_space<hbm>> -> memref<10000x16xf32, #tpu.memory_space<hbm>>
    tpu.wait_indirect_dma semaphore(%arg9 : memref<!tpu.dma_semaphore, #tpu.memory_space<semaphore_mem>>) src(%dma_wait3A_234 : memref<10000x16xf32, #tpu.memory_space<hbm>>) dst(%dma_wait3A_228 : memref<80x16xf32, #tpu.memory_space<vmem>>)
    %dma_wait3A_235 = arith.constant 124 : i32
    %dma_wait3A_236 = arith.constant 4 : i32
    %dma_wait3A_237 = arith.constant 0 : i32
    %dma_wait3A_238 = arith.constant 0 : i32
    %dma_wait3A_239 = tpu.memref_slice %arg7[%dma_wait3A_236, %dma_wait3A_237, %dma_wait3A_238] : memref<10x80x16xf32, #tpu.memory_space<vmem>> -> memref<1x80x16xf32, #tpu.memory_space<vmem>>
    %dma_wait3A_240 = tpu.memref_squeeze %dma_wait3A_239 : memref<1x80x16xf32, #tpu.memory_space<vmem>> -> memref<80x16xf32, #tpu.memory_space<vmem>>
    %dma_wait3A_241 = arith.constant 0 : i32
    %dma_wait3A_242 = tpu.memref_slice %arg5[%dma_wait3A_235, %dma_wait3A_241] : memref<125x80xi32, #tpu.memory_space<vmem>> -> memref<1x80xi32, #tpu.memory_space<vmem>>
    %dma_wait3A_243 = tpu.memref_squeeze %dma_wait3A_242 : memref<1x80xi32, #tpu.memory_space<vmem>> -> memref<80xi32, #tpu.memory_space<vmem>>
    %dma_wait3A_244 = arith.constant 0 : i32
    %dma_wait3A_245 = arith.constant 0 : i32
    %dma_wait3A_246 = tpu.memref_slice %arg3[%dma_wait3A_244, %dma_wait3A_245] : memref<10000x16xf32, #tpu.memory_space<hbm>> -> memref<10000x16xf32, #tpu.memory_space<hbm>>
    tpu.wait_indirect_dma semaphore(%arg9 : memref<!tpu.dma_semaphore, #tpu.memory_space<semaphore_mem>>) src(%dma_wait3A_246 : memref<10000x16xf32, #tpu.memory_space<hbm>>) dst(%dma_wait3A_240 : memref<80x16xf32, #tpu.memory_space<vmem>>)
    %dma_start3A_247 = arith.constant 0 : i32
    %dma_start3A_248 = arith.constant 120 : i32
    %dma_start3A_249 = arith.constant 0 : i32
    %dma_start3A_250 = arith.constant 0 : i32
    %dma_start3A_251 = tpu.memref_slice %arg7[%dma_start3A_247, %dma_start3A_249, %dma_start3A_250] : memref<10x80x16xf32, #tpu.memory_space<vmem>> -> memref<1x80x16xf32, #tpu.memory_space<vmem>>
    %dma_start3A_252 = tpu.memref_squeeze %dma_start3A_251 : memref<1x80x16xf32, #tpu.memory_space<vmem>> -> memref<80x16xf32, #tpu.memory_space<vmem>>
    %dma_start3A_253 = arith.constant 0 : i32
    %dma_start3A_254 = tpu.memref_slice %arg6[%dma_start3A_248, %dma_start3A_253] : memref<125x80xi32, #tpu.memory_space<vmem>> -> memref<1x80xi32, #tpu.memory_space<vmem>>
    %dma_start3A_255 = tpu.memref_squeeze %dma_start3A_254 : memref<1x80xi32, #tpu.memory_space<vmem>> -> memref<80xi32, #tpu.memory_space<vmem>>
    %dma_start3A_256 = arith.constant 0 : i32
    %dma_start3A_257 = arith.constant 0 : i32
    %dma_start3A_258 = tpu.memref_slice %arg8[%dma_start3A_256, %dma_start3A_257] : memref<10000x16xf32, #tpu.memory_space<vmem_shared>> -> memref<10000x16xf32, #tpu.memory_space<vmem_shared>>
    tpu.enqueue_indirect_dma source(%dma_start3A_252 : memref<80x16xf32, #tpu.memory_space<vmem>>) target(%dma_start3A_258 : memref<10000x16xf32, #tpu.memory_space<vmem_shared>>) offsets(%dma_start3A_255 : memref<80xi32, #tpu.memory_space<vmem>>) semaphore(%arg10 : memref<!tpu.dma_semaphore, #tpu.memory_space<semaphore_mem>>) {add = true}
    %dma_start3A_259 = arith.constant 1 : i32
    %dma_start3A_260 = arith.constant 121 : i32
    %dma_start3A_261 = arith.constant 0 : i32
    %dma_start3A_262 = arith.constant 0 : i32
    %dma_start3A_263 = tpu.memref_slice %arg7[%dma_start3A_259, %dma_start3A_261, %dma_start3A_262] : memref<10x80x16xf32, #tpu.memory_space<vmem>> -> memref<1x80x16xf32, #tpu.memory_space<vmem>>
    %dma_start3A_264 = tpu.memref_squeeze %dma_start3A_263 : memref<1x80x16xf32, #tpu.memory_space<vmem>> -> memref<80x16xf32, #tpu.memory_space<vmem>>
    %dma_start3A_265 = arith.constant 0 : i32
    %dma_start3A_266 = tpu.memref_slice %arg6[%dma_start3A_260, %dma_start3A_265] : memref<125x80xi32, #tpu.memory_space<vmem>> -> memref<1x80xi32, #tpu.memory_space<vmem>>
    %dma_start3A_267 = tpu.memref_squeeze %dma_start3A_266 : memref<1x80xi32, #tpu.memory_space<vmem>> -> memref<80xi32, #tpu.memory_space<vmem>>
    %dma_start3A_268 = arith.constant 0 : i32
    %dma_start3A_269 = arith.constant 0 : i32
    %dma_start3A_270 = tpu.memref_slice %arg8[%dma_start3A_268, %dma_start3A_269] : memref<10000x16xf32, #tpu.memory_space<vmem_shared>> -> memref<10000x16xf32, #tpu.memory_space<vmem_shared>>
    tpu.enqueue_indirect_dma source(%dma_start3A_264 : memref<80x16xf32, #tpu.memory_space<vmem>>) target(%dma_start3A_270 : memref<10000x16xf32, #tpu.memory_space<vmem_shared>>) offsets(%dma_start3A_267 : memref<80xi32, #tpu.memory_space<vmem>>) semaphore(%arg10 : memref<!tpu.dma_semaphore, #tpu.memory_space<semaphore_mem>>) {add = true}
    %dma_start3A_271 = arith.constant 2 : i32
    %dma_start3A_272 = arith.constant 122 : i32
    %dma_start3A_273 = arith.constant 0 : i32
    %dma_start3A_274 = arith.constant 0 : i32
    %dma_start3A_275 = tpu.memref_slice %arg7[%dma_start3A_271, %dma_start3A_273, %dma_start3A_274] : memref<10x80x16xf32, #tpu.memory_space<vmem>> -> memref<1x80x16xf32, #tpu.memory_space<vmem>>
    %dma_start3A_276 = tpu.memref_squeeze %dma_start3A_275 : memref<1x80x16xf32, #tpu.memory_space<vmem>> -> memref<80x16xf32, #tpu.memory_space<vmem>>
    %dma_start3A_277 = arith.constant 0 : i32
    %dma_start3A_278 = tpu.memref_slice %arg6[%dma_start3A_272, %dma_start3A_277] : memref<125x80xi32, #tpu.memory_space<vmem>> -> memref<1x80xi32, #tpu.memory_space<vmem>>
    %dma_start3A_279 = tpu.memref_squeeze %dma_start3A_278 : memref<1x80xi32, #tpu.memory_space<vmem>> -> memref<80xi32, #tpu.memory_space<vmem>>
    %dma_start3A_280 = arith.constant 0 : i32
    %dma_start3A_281 = arith.constant 0 : i32
    %dma_start3A_282 = tpu.memref_slice %arg8[%dma_start3A_280, %dma_start3A_281] : memref<10000x16xf32, #tpu.memory_space<vmem_shared>> -> memref<10000x16xf32, #tpu.memory_space<vmem_shared>>
    tpu.enqueue_indirect_dma source(%dma_start3A_276 : memref<80x16xf32, #tpu.memory_space<vmem>>) target(%dma_start3A_282 : memref<10000x16xf32, #tpu.memory_space<vmem_shared>>) offsets(%dma_start3A_279 : memref<80xi32, #tpu.memory_space<vmem>>) semaphore(%arg10 : memref<!tpu.dma_semaphore, #tpu.memory_space<semaphore_mem>>) {add = true}
    %dma_start3A_283 = arith.constant 3 : i32
    %dma_start3A_284 = arith.constant 123 : i32
    %dma_start3A_285 = arith.constant 0 : i32
    %dma_start3A_286 = arith.constant 0 : i32
    %dma_start3A_287 = tpu.memref_slice %arg7[%dma_start3A_283, %dma_start3A_285, %dma_start3A_286] : memref<10x80x16xf32, #tpu.memory_space<vmem>> -> memref<1x80x16xf32, #tpu.memory_space<vmem>>
    %dma_start3A_288 = tpu.memref_squeeze %dma_start3A_287 : memref<1x80x16xf32, #tpu.memory_space<vmem>> -> memref<80x16xf32, #tpu.memory_space<vmem>>
    %dma_start3A_289 = arith.constant 0 : i32
    %dma_start3A_290 = tpu.memref_slice %arg6[%dma_start3A_284, %dma_start3A_289] : memref<125x80xi32, #tpu.memory_space<vmem>> -> memref<1x80xi32, #tpu.memory_space<vmem>>
    %dma_start3A_291 = tpu.memref_squeeze %dma_start3A_290 : memref<1x80xi32, #tpu.memory_space<vmem>> -> memref<80xi32, #tpu.memory_space<vmem>>
    %dma_start3A_292 = arith.constant 0 : i32
    %dma_start3A_293 = arith.constant 0 : i32
    %dma_start3A_294 = tpu.memref_slice %arg8[%dma_start3A_292, %dma_start3A_293] : memref<10000x16xf32, #tpu.memory_space<vmem_shared>> -> memref<10000x16xf32, #tpu.memory_space<vmem_shared>>
    tpu.enqueue_indirect_dma source(%dma_start3A_288 : memref<80x16xf32, #tpu.memory_space<vmem>>) target(%dma_start3A_294 : memref<10000x16xf32, #tpu.memory_space<vmem_shared>>) offsets(%dma_start3A_291 : memref<80xi32, #tpu.memory_space<vmem>>) semaphore(%arg10 : memref<!tpu.dma_semaphore, #tpu.memory_space<semaphore_mem>>) {add = true}
    %dma_start3A_295 = arith.constant 4 : i32
    %dma_start3A_296 = arith.constant 124 : i32
    %dma_start3A_297 = arith.constant 0 : i32
    %dma_start3A_298 = arith.constant 0 : i32
    %dma_start3A_299 = tpu.memref_slice %arg7[%dma_start3A_295, %dma_start3A_297, %dma_start3A_298] : memref<10x80x16xf32, #tpu.memory_space<vmem>> -> memref<1x80x16xf32, #tpu.memory_space<vmem>>
    %dma_start3A_300 = tpu.memref_squeeze %dma_start3A_299 : memref<1x80x16xf32, #tpu.memory_space<vmem>> -> memref<80x16xf32, #tpu.memory_space<vmem>>
    %dma_start3A_301 = arith.constant 0 : i32
    %dma_start3A_302 = tpu.memref_slice %arg6[%dma_start3A_296, %dma_start3A_301] : memref<125x80xi32, #tpu.memory_space<vmem>> -> memref<1x80xi32, #tpu.memory_space<vmem>>
    %dma_start3A_303 = tpu.memref_squeeze %dma_start3A_302 : memref<1x80xi32, #tpu.memory_space<vmem>> -> memref<80xi32, #tpu.memory_space<vmem>>
    %dma_start3A_304 = arith.constant 0 : i32
    %dma_start3A_305 = arith.constant 0 : i32
    %dma_start3A_306 = tpu.memref_slice %arg8[%dma_start3A_304, %dma_start3A_305] : memref<10000x16xf32, #tpu.memory_space<vmem_shared>> -> memref<10000x16xf32, #tpu.memory_space<vmem_shared>>
    tpu.enqueue_indirect_dma source(%dma_start3A_300 : memref<80x16xf32, #tpu.memory_space<vmem>>) target(%dma_start3A_306 : memref<10000x16xf32, #tpu.memory_space<vmem_shared>>) offsets(%dma_start3A_303 : memref<80xi32, #tpu.memory_space<vmem>>) semaphore(%arg10 : memref<!tpu.dma_semaphore, #tpu.memory_space<semaphore_mem>>) {add = true}
    %dma_wait3A_307 = arith.constant 0 : i32
    %dma_wait3A_308 = arith.constant 120 : i32
    %dma_wait3A_309 = arith.constant 0 : i32
    %dma_wait3A_310 = arith.constant 0 : i32
    %dma_wait3A_311 = tpu.memref_slice %arg7[%dma_wait3A_307, %dma_wait3A_309, %dma_wait3A_310] : memref<10x80x16xf32, #tpu.memory_space<vmem>> -> memref<1x80x16xf32, #tpu.memory_space<vmem>>
    %dma_wait3A_312 = tpu.memref_squeeze %dma_wait3A_311 : memref<1x80x16xf32, #tpu.memory_space<vmem>> -> memref<80x16xf32, #tpu.memory_space<vmem>>
    %dma_wait3A_313 = arith.constant 0 : i32
    %dma_wait3A_314 = tpu.memref_slice %arg6[%dma_wait3A_308, %dma_wait3A_313] : memref<125x80xi32, #tpu.memory_space<vmem>> -> memref<1x80xi32, #tpu.memory_space<vmem>>
    %dma_wait3A_315 = tpu.memref_squeeze %dma_wait3A_314 : memref<1x80xi32, #tpu.memory_space<vmem>> -> memref<80xi32, #tpu.memory_space<vmem>>
    %dma_wait3A_316 = arith.constant 0 : i32
    %dma_wait3A_317 = arith.constant 0 : i32
    %dma_wait3A_318 = tpu.memref_slice %arg8[%dma_wait3A_316, %dma_wait3A_317] : memref<10000x16xf32, #tpu.memory_space<vmem_shared>> -> memref<10000x16xf32, #tpu.memory_space<vmem_shared>>
    tpu.wait_indirect_dma semaphore(%arg10 : memref<!tpu.dma_semaphore, #tpu.memory_space<semaphore_mem>>) src(%dma_wait3A_312 : memref<80x16xf32, #tpu.memory_space<vmem>>) dst(%dma_wait3A_318 : memref<10000x16xf32, #tpu.memory_space<vmem_shared>>)
    %dma_wait3A_319 = arith.constant 1 : i32
    %dma_wait3A_320 = arith.constant 121 : i32
    %dma_wait3A_321 = arith.constant 0 : i32
    %dma_wait3A_322 = arith.constant 0 : i32
    %dma_wait3A_323 = tpu.memref_slice %arg7[%dma_wait3A_319, %dma_wait3A_321, %dma_wait3A_322] : memref<10x80x16xf32, #tpu.memory_space<vmem>> -> memref<1x80x16xf32, #tpu.memory_space<vmem>>
    %dma_wait3A_324 = tpu.memref_squeeze %dma_wait3A_323 : memref<1x80x16xf32, #tpu.memory_space<vmem>> -> memref<80x16xf32, #tpu.memory_space<vmem>>
    %dma_wait3A_325 = arith.constant 0 : i32
    %dma_wait3A_326 = tpu.memref_slice %arg6[%dma_wait3A_320, %dma_wait3A_325] : memref<125x80xi32, #tpu.memory_space<vmem>> -> memref<1x80xi32, #tpu.memory_space<vmem>>
    %dma_wait3A_327 = tpu.memref_squeeze %dma_wait3A_326 : memref<1x80xi32, #tpu.memory_space<vmem>> -> memref<80xi32, #tpu.memory_space<vmem>>
    %dma_wait3A_328 = arith.constant 0 : i32
    %dma_wait3A_329 = arith.constant 0 : i32
    %dma_wait3A_330 = tpu.memref_slice %arg8[%dma_wait3A_328, %dma_wait3A_329] : memref<10000x16xf32, #tpu.memory_space<vmem_shared>> -> memref<10000x16xf32, #tpu.memory_space<vmem_shared>>
    tpu.wait_indirect_dma semaphore(%arg10 : memref<!tpu.dma_semaphore, #tpu.memory_space<semaphore_mem>>) src(%dma_wait3A_324 : memref<80x16xf32, #tpu.memory_space<vmem>>) dst(%dma_wait3A_330 : memref<10000x16xf32, #tpu.memory_space<vmem_shared>>)
    %dma_wait3A_331 = arith.constant 2 : i32
    %dma_wait3A_332 = arith.constant 122 : i32
    %dma_wait3A_333 = arith.constant 0 : i32
    %dma_wait3A_334 = arith.constant 0 : i32
    %dma_wait3A_335 = tpu.memref_slice %arg7[%dma_wait3A_331, %dma_wait3A_333, %dma_wait3A_334] : memref<10x80x16xf32, #tpu.memory_space<vmem>> -> memref<1x80x16xf32, #tpu.memory_space<vmem>>
    %dma_wait3A_336 = tpu.memref_squeeze %dma_wait3A_335 : memref<1x80x16xf32, #tpu.memory_space<vmem>> -> memref<80x16xf32, #tpu.memory_space<vmem>>
    %dma_wait3A_337 = arith.constant 0 : i32
    %dma_wait3A_338 = tpu.memref_slice %arg6[%dma_wait3A_332, %dma_wait3A_337] : memref<125x80xi32, #tpu.memory_space<vmem>> -> memref<1x80xi32, #tpu.memory_space<vmem>>
    %dma_wait3A_339 = tpu.memref_squeeze %dma_wait3A_338 : memref<1x80xi32, #tpu.memory_space<vmem>> -> memref<80xi32, #tpu.memory_space<vmem>>
    %dma_wait3A_340 = arith.constant 0 : i32
    %dma_wait3A_341 = arith.constant 0 : i32
    %dma_wait3A_342 = tpu.memref_slice %arg8[%dma_wait3A_340, %dma_wait3A_341] : memref<10000x16xf32, #tpu.memory_space<vmem_shared>> -> memref<10000x16xf32, #tpu.memory_space<vmem_shared>>
    tpu.wait_indirect_dma semaphore(%arg10 : memref<!tpu.dma_semaphore, #tpu.memory_space<semaphore_mem>>) src(%dma_wait3A_336 : memref<80x16xf32, #tpu.memory_space<vmem>>) dst(%dma_wait3A_342 : memref<10000x16xf32, #tpu.memory_space<vmem_shared>>)
    %dma_wait3A_343 = arith.constant 3 : i32
    %dma_wait3A_344 = arith.constant 123 : i32
    %dma_wait3A_345 = arith.constant 0 : i32
    %dma_wait3A_346 = arith.constant 0 : i32
    %dma_wait3A_347 = tpu.memref_slice %arg7[%dma_wait3A_343, %dma_wait3A_345, %dma_wait3A_346] : memref<10x80x16xf32, #tpu.memory_space<vmem>> -> memref<1x80x16xf32, #tpu.memory_space<vmem>>
    %dma_wait3A_348 = tpu.memref_squeeze %dma_wait3A_347 : memref<1x80x16xf32, #tpu.memory_space<vmem>> -> memref<80x16xf32, #tpu.memory_space<vmem>>
    %dma_wait3A_349 = arith.constant 0 : i32
    %dma_wait3A_350 = tpu.memref_slice %arg6[%dma_wait3A_344, %dma_wait3A_349] : memref<125x80xi32, #tpu.memory_space<vmem>> -> memref<1x80xi32, #tpu.memory_space<vmem>>
    %dma_wait3A_351 = tpu.memref_squeeze %dma_wait3A_350 : memref<1x80xi32, #tpu.memory_space<vmem>> -> memref<80xi32, #tpu.memory_space<vmem>>
    %dma_wait3A_352 = arith.constant 0 : i32
    %dma_wait3A_353 = arith.constant 0 : i32
    %dma_wait3A_354 = tpu.memref_slice %arg8[%dma_wait3A_352, %dma_wait3A_353] : memref<10000x16xf32, #tpu.memory_space<vmem_shared>> -> memref<10000x16xf32, #tpu.memory_space<vmem_shared>>
    tpu.wait_indirect_dma semaphore(%arg10 : memref<!tpu.dma_semaphore, #tpu.memory_space<semaphore_mem>>) src(%dma_wait3A_348 : memref<80x16xf32, #tpu.memory_space<vmem>>) dst(%dma_wait3A_354 : memref<10000x16xf32, #tpu.memory_space<vmem_shared>>)
    %dma_wait3A_355 = arith.constant 4 : i32
    %dma_wait3A_356 = arith.constant 124 : i32
    %dma_wait3A_357 = arith.constant 0 : i32
    %dma_wait3A_358 = arith.constant 0 : i32
    %dma_wait3A_359 = tpu.memref_slice %arg7[%dma_wait3A_355, %dma_wait3A_357, %dma_wait3A_358] : memref<10x80x16xf32, #tpu.memory_space<vmem>> -> memref<1x80x16xf32, #tpu.memory_space<vmem>>
    %dma_wait3A_360 = tpu.memref_squeeze %dma_wait3A_359 : memref<1x80x16xf32, #tpu.memory_space<vmem>> -> memref<80x16xf32, #tpu.memory_space<vmem>>
    %dma_wait3A_361 = arith.constant 0 : i32
    %dma_wait3A_362 = tpu.memref_slice %arg6[%dma_wait3A_356, %dma_wait3A_361] : memref<125x80xi32, #tpu.memory_space<vmem>> -> memref<1x80xi32, #tpu.memory_space<vmem>>
    %dma_wait3A_363 = tpu.memref_squeeze %dma_wait3A_362 : memref<1x80xi32, #tpu.memory_space<vmem>> -> memref<80xi32, #tpu.memory_space<vmem>>
    %dma_wait3A_364 = arith.constant 0 : i32
    %dma_wait3A_365 = arith.constant 0 : i32
    %dma_wait3A_366 = tpu.memref_slice %arg8[%dma_wait3A_364, %dma_wait3A_365] : memref<10000x16xf32, #tpu.memory_space<vmem_shared>> -> memref<10000x16xf32, #tpu.memory_space<vmem_shared>>
    tpu.wait_indirect_dma semaphore(%arg10 : memref<!tpu.dma_semaphore, #tpu.memory_space<semaphore_mem>>) src(%dma_wait3A_360 : memref<80x16xf32, #tpu.memory_space<vmem>>) dst(%dma_wait3A_366 : memref<10000x16xf32, #tpu.memory_space<vmem_shared>>)
    %barrier3A_367 = arith.constant 0 : index
    tpu.barrier barrier_id(%barrier3A_367)
    %lt3A_368 = arith.constant 10 : i32
    %lt3A_369 = arith.cmpi slt, %arg1, %lt3A_368 : i32
    %convert_element_type3A_370 = arith.extui %lt3A_369 : i1 to i32
    %cond3A_371 = arith.constant 0 : i32
    %cond3A_372 = arith.cmpi ne, %convert_element_type3A_370, %cond3A_371 : i32
    scf.if %cond3A_372 {
      %mul3A_373 = arith.constant 1000 : i32
      %mul3A_374 = arith.muli %arg1, %mul3A_373 : i32
      %mul3A_375 = arith.constant 1000 : i32
      %mul3A_376 = arith.muli %arg1, %mul3A_375 : i32
      "tpu.region"() ({
        %run_scoped3A_377 = tpu.sem_alloc : memref<!tpu.dma_semaphore, #tpu.memory_space<semaphore_mem>>
        %dma_start3A_378 = arith.constant 0 : i32
        %dma_start3A_379 = tpu.memref_slice %arg4[%arg0, %mul3A_376, %dma_start3A_378] : memref<2x10000x16xf32, #tpu.memory_space<hbm>> -> memref<1x1000x16xf32, #tpu.memory_space<hbm>>
        %dma_start3A_380 = tpu.memref_squeeze %dma_start3A_379 : memref<1x1000x16xf32, #tpu.memory_space<hbm>> -> memref<1000x16xf32, #tpu.memory_space<hbm>>
        %dma_start3A_381 = arith.constant 0 : i32
        %dma_start3A_382 = tpu.memref_slice %arg8[%mul3A_374, %dma_start3A_381] : memref<10000x16xf32, #tpu.memory_space<vmem_shared>> -> memref<1000x16xf32, #tpu.memory_space<vmem_shared>>
        tpu.enqueue_dma source(%dma_start3A_382 : memref<1000x16xf32, #tpu.memory_space<vmem_shared>>) target(%dma_start3A_380 : memref<1000x16xf32, #tpu.memory_space<hbm>>) target_semaphore(%run_scoped3A_377 : memref<!tpu.dma_semaphore, #tpu.memory_space<semaphore_mem>>)
        %dma_wait3A_383 = arith.constant 0 : i32
        %dma_wait3A_384 = tpu.memref_slice %arg4[%arg0, %mul3A_376, %dma_wait3A_383] : memref<2x10000x16xf32, #tpu.memory_space<hbm>> -> memref<1x1000x16xf32, #tpu.memory_space<hbm>>
        %dma_wait3A_385 = tpu.memref_squeeze %dma_wait3A_384 : memref<1x1000x16xf32, #tpu.memory_space<hbm>> -> memref<1000x16xf32, #tpu.memory_space<hbm>>
        %dma_wait3A_386 = arith.constant 0 : i32
        %dma_wait3A_387 = tpu.memref_slice %arg8[%mul3A_374, %dma_wait3A_386] : memref<10000x16xf32, #tpu.memory_space<vmem_shared>> -> memref<1000x16xf32, #tpu.memory_space<vmem_shared>>
        tpu.wait_dma2 semaphore(%run_scoped3A_377 : memref<!tpu.dma_semaphore, #tpu.memory_space<semaphore_mem>>) src(%dma_wait3A_387 : memref<1000x16xf32, #tpu.memory_space<vmem_shared>>) dst(%dma_wait3A_385 : memref<1000x16xf32, #tpu.memory_space<hbm>>)
        tpu.yield
      }) : () -> ()
    } else {
    }
    return
  }
}

module attributes {stable_mosaic.version = 14 : i64} {
  func.func @_tc1_body(%arg0: i32, %arg1: memref<2x1000x16xf32, #tpu.memory_space<vmem>>, %arg2: memref<1000x128xf32, #tpu.memory_space<vmem>>, %arg3: memref<128x128xf32, #tpu.memory_space<vmem>>, %arg4: memref<1000x128xf32, #tpu.memory_space<vmem>>, %arg5: memref<1000x1xf32, #tpu.memory_space<vmem>>) attributes {dimension_semantics = [#tpu.dimension_semantics<arbitrary>], iteration_bounds = array<i64: 10>, scalar_prefetch = 0 : i64, scratch_operands = 0 : i64, tpu.core_type = #tpu.core_type<tc>, window_params = [{transform_indices = @transform_0, window_bounds = array<i64: 2, 1000, 16>}, {transform_indices = @transform_1, window_bounds = array<i64: 1000, 128>}, {pipeline_mode = #tpu.pipeline_mode<synchronous>, transform_indices = @transform_2, window_bounds = array<i64: 128, 128>}, {transform_indices = @transform_3, window_bounds = array<i64: 1000, 128>}, {transform_indices = @transform_4, window_bounds = array<i64: 1000, 1>}]} {
    %get3A = arith.constant 0 : index
    %get3A_0 = arith.constant 0 : index
    %get3A_1 = arith.constant 0 : index
    %get3A_2 = vector.load %arg1[%get3A, %get3A_0, %get3A_1] : memref<2x1000x16xf32, #tpu.memory_space<vmem>>, vector<1x1000x16xf32>
    %get3A_3 = vector.shape_cast %get3A_2 : vector<1x1000x16xf32> to vector<1000x16xf32>
    %get3A_4 = arith.constant 1 : index
    %get3A_5 = arith.constant 0 : index
    %get3A_6 = arith.constant 0 : index
    %get3A_7 = vector.load %arg1[%get3A_4, %get3A_5, %get3A_6] : memref<2x1000x16xf32, #tpu.memory_space<vmem>>, vector<1x1000x16xf32>
    %get3A_8 = vector.shape_cast %get3A_7 : vector<1x1000x16xf32> to vector<1000x16xf32>
    %add3A = arith.addf %get3A_3, %get3A_8 : vector<1000x16xf32>
    %add3A_9 = arith.constant 1.000000e+00 : f32
    %add3A_10 = vector.broadcast %add3A_9 : f32 to vector<1000x16xf32>
    %add3A_11 = arith.addf %add3A, %add3A_10 : vector<1000x16xf32>
    %slice3A = vector.extract_strided_slice %add3A_11 {offsets = [0, 0], sizes = [1000, 1], strides = [1, 1]} : vector<1000x16xf32> to vector<1000x1xf32>
    %rsqrt3A = math.rsqrt %slice3A : vector<1000x1xf32>
    %get3A_12 = arith.constant 0 : index
    %get3A_13 = arith.constant 0 : index
    %get3A_14 = vector.load %arg2[%get3A_12, %get3A_13] : memref<1000x128xf32, #tpu.memory_space<vmem>>, vector<1000x128xf32>
    %get3A_15 = arith.constant 0 : index
    %get3A_16 = arith.constant 0 : index
    %get3A_17 = vector.load %arg3[%get3A_15, %get3A_16] : memref<128x128xf32, #tpu.memory_space<vmem>>, vector<128x128xf32>
    %dot_general3A = arith.constant dense<0.000000e+00> : vector<1000x128xf32>
    %dot_general3A_18 = tpu.matmul %get3A_14, %get3A_17, %dot_general3A {dimension_numbers = #tpu.dot_dimension_numbers<[1], [0], [0], [1], [0, 0, 1, 1], [], []>, transpose_lhs_hint = false} : vector<1000x128xf32>, vector<128x128xf32>, vector<1000x128xf32> -> vector<1000x128xf32>
    %mul3A = vector.broadcast %rsqrt3A : vector<1000x1xf32> to vector<1000x128xf32>
    %mul3A_19 = arith.mulf %dot_general3A_18, %mul3A : vector<1000x128xf32>
    %swap3A = arith.constant 0 : index
    %swap3A_20 = arith.constant 0 : index
    %swap3A_21 = vector.load %arg4[%swap3A, %swap3A_20] : memref<1000x128xf32, #tpu.memory_space<vmem>>, vector<1000x128xf32>
    tpu.vector_store %arg4[%swap3A, %swap3A_20], %mul3A_19 {strides = array<i32>} : memref<1000x128xf32, #tpu.memory_space<vmem>>, vector<1000x128xf32>,
    %swap3A_22 = arith.constant 0 : index
    %swap3A_23 = arith.constant 0 : index
    %swap3A_24 = vector.load %arg5[%swap3A_22, %swap3A_23] : memref<1000x1xf32, #tpu.memory_space<vmem>>, vector<1000x1xf32>
    tpu.vector_store %arg5[%swap3A_22, %swap3A_23], %rsqrt3A {strides = array<i32>} : memref<1000x1xf32, #tpu.memory_space<vmem>>, vector<1000x1xf32>,
    return
  }
  func.func @transform_0(%arg0: i32) -> (i32, i32, i32) {
    %c0_i32 = arith.constant 0 : i32
    %c0_i32_0 = arith.constant 0 : i32
    %c0_i32_1 = arith.constant 0 : i32
    return %c0_i32, %arg0, %c0_i32_0 : i32, i32, i32
  }
  func.func @transform_1(%arg0: i32) -> (i32, i32) {
    %c0_i32 = arith.constant 0 : i32
    %c0_i32_0 = arith.constant 0 : i32
    return %arg0, %c0_i32 : i32, i32
  }
  func.func @transform_2(%arg0: i32) -> (i32, i32) {
    %c0_i32 = arith.constant 0 : i32
    %c0_i32_0 = arith.constant 0 : i32
    %c0_i32_1 = arith.constant 0 : i32
    return %c0_i32, %c0_i32_0 : i32, i32
  }
  func.func @transform_3(%arg0: i32) -> (i32, i32) {
    %c0_i32 = arith.constant 0 : i32
    %c0_i32_0 = arith.constant 0 : i32
    return %arg0, %c0_i32 : i32, i32
  }
  func.func @transform_4(%arg0: i32) -> (i32, i32) {
    %c0_i32 = arith.constant 0 : i32
    %c0_i32_0 = arith.constant 0 : i32
    return %arg0, %c0_i32 : i32, i32
  }
}

module attributes {stable_mosaic.version = 14 : i64} {
  func.func @_tc2_body(%arg0: i32, %arg1: memref<2x1000x128xf32, #tpu.memory_space<vmem>>, %arg2: memref<1000x128xf32, #tpu.memory_space<vmem>>, %arg3: memref<1000x1xf32, #tpu.memory_space<vmem>>, %arg4: memref<1x128xf32, #tpu.memory_space<vmem>>, %arg5: memref<128x16xf32, #tpu.memory_space<vmem>>, %arg6: memref<1000x16xf32, #tpu.memory_space<vmem>>) attributes {dimension_semantics = [#tpu.dimension_semantics<arbitrary>], iteration_bounds = array<i64: 10>, scalar_prefetch = 0 : i64, scratch_operands = 0 : i64, tpu.core_type = #tpu.core_type<tc>, window_params = [{transform_indices = @transform_0, window_bounds = array<i64: 2, 1000, 128>}, {transform_indices = @transform_1, window_bounds = array<i64: 1000, 128>}, {transform_indices = @transform_2, window_bounds = array<i64: 1000, 1>}, {pipeline_mode = #tpu.pipeline_mode<synchronous>, transform_indices = @transform_3, window_bounds = array<i64: 1, 128>}, {pipeline_mode = #tpu.pipeline_mode<synchronous>, transform_indices = @transform_4, window_bounds = array<i64: 128, 16>}, {transform_indices = @transform_5, window_bounds = array<i64: 1000, 16>}]} {
    %get3A = arith.constant 0 : index
    %get3A_0 = arith.constant 0 : index
    %get3A_1 = arith.constant 0 : index
    %get3A_2 = vector.load %arg1[%get3A, %get3A_0, %get3A_1] : memref<2x1000x128xf32, #tpu.memory_space<vmem>>, vector<1x1000x128xf32>
    %get3A_3 = vector.shape_cast %get3A_2 : vector<1x1000x128xf32> to vector<1000x128xf32>
    %get3A_4 = arith.constant 1 : index
    %get3A_5 = arith.constant 0 : index
    %get3A_6 = arith.constant 0 : index
    %get3A_7 = vector.load %arg1[%get3A_4, %get3A_5, %get3A_6] : memref<2x1000x128xf32, #tpu.memory_space<vmem>>, vector<1x1000x128xf32>
    %get3A_8 = vector.shape_cast %get3A_7 : vector<1x1000x128xf32> to vector<1000x128xf32>
    %add3A = arith.addf %get3A_3, %get3A_8 : vector<1000x128xf32>
    %get3A_9 = arith.constant 0 : index
    %get3A_10 = arith.constant 0 : index
    %get3A_11 = vector.load %arg2[%get3A_9, %get3A_10] : memref<1000x128xf32, #tpu.memory_space<vmem>>, vector<1000x128xf32>
    %sub3A = arith.subf %add3A, %get3A_11 : vector<1000x128xf32>
    %get3A_12 = arith.constant 0 : index
    %get3A_13 = arith.constant 0 : index
    %get3A_14 = vector.load %arg3[%get3A_12, %get3A_13] : memref<1000x1xf32, #tpu.memory_space<vmem>>, vector<1000x1xf32>
    %mul3A = vector.broadcast %get3A_14 : vector<1000x1xf32> to vector<1000x128xf32>
    %mul3A_15 = arith.mulf %mul3A, %sub3A : vector<1000x128xf32>
    %get3A_16 = arith.constant 0 : index
    %get3A_17 = arith.constant 0 : index
    %get3A_18 = vector.load %arg4[%get3A_16, %get3A_17] : memref<1x128xf32, #tpu.memory_space<vmem>>, vector<1x128xf32>
    %add3A_19 = vector.broadcast %get3A_18 : vector<1x128xf32> to vector<1000x128xf32>
    %add3A_20 = arith.addf %mul3A_15, %add3A_19 : vector<1000x128xf32>
    %max3A = arith.constant 0.000000e+00 : f32
    %max3A_21 = vector.broadcast %max3A : f32 to vector<1000x128xf32>
    %max3A_22 = arith.maximumf %add3A_20, %max3A_21 : vector<1000x128xf32>
    %get3A_23 = arith.constant 0 : index
    %get3A_24 = arith.constant 0 : index
    %get3A_25 = vector.load %arg5[%get3A_23, %get3A_24] : memref<128x16xf32, #tpu.memory_space<vmem>>, vector<128x16xf32>
    %dot_general3A = arith.constant dense<0.000000e+00> : vector<1000x16xf32>
    %dot_general3A_26 = tpu.matmul %max3A_22, %get3A_25, %dot_general3A {dimension_numbers = #tpu.dot_dimension_numbers<[1], [0], [0], [1], [0, 0, 1, 1], [], []>, transpose_lhs_hint = false} : vector<1000x128xf32>, vector<128x16xf32>, vector<1000x16xf32> -> vector<1000x16xf32>
    %get3A_27 = arith.constant 0 : index
    %get3A_28 = arith.constant 0 : index
    %get3A_29 = vector.load %arg3[%get3A_27, %get3A_28] : memref<1000x1xf32, #tpu.memory_space<vmem>>, vector<1000x1xf32>
    %mul3A_30 = vector.broadcast %get3A_29 : vector<1000x1xf32> to vector<1000x16xf32>
    %mul3A_31 = arith.mulf %dot_general3A_26, %mul3A_30 : vector<1000x16xf32>
    %swap3A = arith.constant 0 : index
    %swap3A_32 = arith.constant 0 : index
    %swap3A_33 = vector.load %arg6[%swap3A, %swap3A_32] : memref<1000x16xf32, #tpu.memory_space<vmem>>, vector<1000x16xf32>
    tpu.vector_store %arg6[%swap3A, %swap3A_32], %mul3A_31 {strides = array<i32>} : memref<1000x16xf32, #tpu.memory_space<vmem>>, vector<1000x16xf32>,
    return
  }
  func.func @transform_0(%arg0: i32) -> (i32, i32, i32) {
    %c0_i32 = arith.constant 0 : i32
    %c0_i32_0 = arith.constant 0 : i32
    %c0_i32_1 = arith.constant 0 : i32
    return %c0_i32, %arg0, %c0_i32_0 : i32, i32, i32
  }
  func.func @transform_1(%arg0: i32) -> (i32, i32) {
    %c0_i32 = arith.constant 0 : i32
    %c0_i32_0 = arith.constant 0 : i32
    return %arg0, %c0_i32 : i32, i32
  }
  func.func @transform_2(%arg0: i32) -> (i32, i32) {
    %c0_i32 = arith.constant 0 : i32
    %c0_i32_0 = arith.constant 0 : i32
    return %arg0, %c0_i32 : i32, i32
  }
  func.func @transform_3(%arg0: i32) -> (i32, i32) {
    %c0_i32 = arith.constant 0 : i32
    %c0_i32_0 = arith.constant 0 : i32
    %c0_i32_1 = arith.constant 0 : i32
    return %c0_i32, %c0_i32_0 : i32, i32
  }
  func.func @transform_4(%arg0: i32) -> (i32, i32) {
    %c0_i32 = arith.constant 0 : i32
    %c0_i32_0 = arith.constant 0 : i32
    %c0_i32_1 = arith.constant 0 : i32
    return %c0_i32, %c0_i32_0 : i32, i32
  }
  func.func @transform_5(%arg0: i32) -> (i32, i32) {
    %c0_i32 = arith.constant 0 : i32
    %c0_i32_0 = arith.constant 0 : i32
    return %arg0, %c0_i32 : i32, i32
  }
}

module attributes {stable_mosaic.version = 14 : i64} {
  func.func @_tc3_body(%arg0: i32, %arg1: memref<2x1000x16xf32, #tpu.memory_space<vmem>>, %arg2: memref<1000x16xf32, #tpu.memory_space<vmem>>, %arg3: memref<1000x1xf32, #tpu.memory_space<vmem>>, %arg4: memref<1x16xf32, #tpu.memory_space<vmem>>, %arg5: memref<1000x16xf32, #tpu.memory_space<vmem>>) attributes {dimension_semantics = [#tpu.dimension_semantics<arbitrary>], iteration_bounds = array<i64: 10>, scalar_prefetch = 0 : i64, scratch_operands = 0 : i64, tpu.core_type = #tpu.core_type<tc>, window_params = [{transform_indices = @transform_0, window_bounds = array<i64: 2, 1000, 16>}, {transform_indices = @transform_1, window_bounds = array<i64: 1000, 16>}, {transform_indices = @transform_2, window_bounds = array<i64: 1000, 1>}, {pipeline_mode = #tpu.pipeline_mode<synchronous>, transform_indices = @transform_3, window_bounds = array<i64: 1, 16>}, {transform_indices = @transform_4, window_bounds = array<i64: 1000, 16>}]} {
    %get3A = arith.constant 0 : index
    %get3A_0 = arith.constant 0 : index
    %get3A_1 = vector.load %arg3[%get3A, %get3A_0] : memref<1000x1xf32, #tpu.memory_space<vmem>>, vector<1000x1xf32>
    %get3A_2 = arith.constant 0 : index
    %get3A_3 = arith.constant 0 : index
    %get3A_4 = arith.constant 0 : index
    %get3A_5 = vector.load %arg1[%get3A_2, %get3A_3, %get3A_4] : memref<2x1000x16xf32, #tpu.memory_space<vmem>>, vector<1x1000x16xf32>
    %get3A_6 = vector.shape_cast %get3A_5 : vector<1x1000x16xf32> to vector<1000x16xf32>
    %get3A_7 = arith.constant 1 : index
    %get3A_8 = arith.constant 0 : index
    %get3A_9 = arith.constant 0 : index
    %get3A_10 = vector.load %arg1[%get3A_7, %get3A_8, %get3A_9] : memref<2x1000x16xf32, #tpu.memory_space<vmem>>, vector<1x1000x16xf32>
    %get3A_11 = vector.shape_cast %get3A_10 : vector<1x1000x16xf32> to vector<1000x16xf32>
    %add3A = arith.addf %get3A_6, %get3A_11 : vector<1000x16xf32>
    %get3A_12 = arith.constant 0 : index
    %get3A_13 = arith.constant 0 : index
    %get3A_14 = vector.load %arg2[%get3A_12, %get3A_13] : memref<1000x16xf32, #tpu.memory_space<vmem>>, vector<1000x16xf32>
    %sub3A = arith.subf %add3A, %get3A_14 : vector<1000x16xf32>
    %mul3A = vector.broadcast %get3A_1 : vector<1000x1xf32> to vector<1000x16xf32>
    %mul3A_15 = arith.mulf %mul3A, %sub3A : vector<1000x16xf32>
    %get3A_16 = arith.constant 0 : index
    %get3A_17 = arith.constant 0 : index
    %get3A_18 = vector.load %arg4[%get3A_16, %get3A_17] : memref<1x16xf32, #tpu.memory_space<vmem>>, vector<1x16xf32>
    %add3A_19 = vector.broadcast %get3A_18 : vector<1x16xf32> to vector<1000x16xf32>
    %add3A_20 = arith.addf %mul3A_15, %add3A_19 : vector<1000x16xf32>
    %reduce_max3A = arith.constant dense<0xFF800000> : vector<1000xf32>
    %reduce_max3A_21 = vector.multi_reduction <maximumf>, %add3A_20, %reduce_max3A [1] : vector<1000x16xf32> to vector<1000xf32>
    %broadcast_in_dim3A = vector.shape_cast %reduce_max3A_21 : vector<1000xf32> to vector<1000x1xf32>
    %sub3A_22 = vector.broadcast %broadcast_in_dim3A : vector<1000x1xf32> to vector<1000x16xf32>
    %sub3A_23 = arith.subf %add3A_20, %sub3A_22 : vector<1000x16xf32>
    %exp3A = math.exp %sub3A_23 : vector<1000x16xf32>
    %reduce_sum3A = arith.constant dense<0.000000e+00> : vector<1000xf32>
    %reduce_sum3A_24 = vector.multi_reduction <add>, %exp3A, %reduce_sum3A [1] : vector<1000x16xf32> to vector<1000xf32>
    %broadcast_in_dim3A_25 = vector.shape_cast %reduce_sum3A_24 : vector<1000xf32> to vector<1000x1xf32>
    %log3A = math.log %broadcast_in_dim3A_25 : vector<1000x1xf32>
    %add3A_26 = arith.addf %log3A, %broadcast_in_dim3A : vector<1000x1xf32>
    %sub3A_27 = vector.broadcast %add3A_26 : vector<1000x1xf32> to vector<1000x16xf32>
    %sub3A_28 = arith.subf %add3A_20, %sub3A_27 : vector<1000x16xf32>
    %swap3A = arith.constant 0 : index
    %swap3A_29 = arith.constant 0 : index
    %swap3A_30 = vector.load %arg5[%swap3A, %swap3A_29] : memref<1000x16xf32, #tpu.memory_space<vmem>>, vector<1000x16xf32>
    tpu.vector_store %arg5[%swap3A, %swap3A_29], %sub3A_28 {strides = array<i32>} : memref<1000x16xf32, #tpu.memory_space<vmem>>, vector<1000x16xf32>,
    return
  }
  func.func @transform_0(%arg0: i32) -> (i32, i32, i32) {
    %c0_i32 = arith.constant 0 : i32
    %c0_i32_0 = arith.constant 0 : i32
    %c0_i32_1 = arith.constant 0 : i32
    return %c0_i32, %arg0, %c0_i32_0 : i32, i32, i32
  }
  func.func @transform_1(%arg0: i32) -> (i32, i32) {
    %c0_i32 = arith.constant 0 : i32
    %c0_i32_0 = arith.constant 0 : i32
    return %arg0, %c0_i32 : i32, i32
  }
  func.func @transform_2(%arg0: i32) -> (i32, i32) {
    %c0_i32 = arith.constant 0 : i32
    %c0_i32_0 = arith.constant 0 : i32
    return %arg0, %c0_i32 : i32, i32
  }
  func.func @transform_3(%arg0: i32) -> (i32, i32) {
    %c0_i32 = arith.constant 0 : i32
    %c0_i32_0 = arith.constant 0 : i32
    %c0_i32_1 = arith.constant 0 : i32
    return %c0_i32, %c0_i32_0 : i32, i32
  }
  func.func @transform_4(%arg0: i32) -> (i32, i32) {
    %c0_i32 = arith.constant 0 : i32
    %c0_i32_0 = arith.constant 0 : i32
    return %arg0, %c0_i32 : i32, i32
  }
}

</mosaic_0001>

<sc_bundles>
// kernel: kernel.11.cloned.1.call-start
scs
__scs_entry_jumppad:
0x0: {  	(pc) =	sbr.rel $0x88, $3  }
0x1: {  	(tag) =	ssettag $0x0;
	lr =	simm.s32 $0x1  }
0x2: {  	[smem:$0x3F9B] =	sst lr;
	_ =	strace $0xD0000000  }
0x3: {  	_ = 	snop  }
0x4: {  	_ = 	snop  }
0x5: {  	_ = 	snop  }
0x6: {  	_ = 	snop  }
0x7: {  	_ = 	snop  }
__scs_overlays_trampoline_lowered:
0x8: {  	[smem:$0x3FAA] =	sst s0  }
0x9: {  	[smem:$0x3FAB] =	sst s1  }
0xa: {  	[smem:$0x3FAC] =	sst s2  }
0xb: {  	[smem:$0x3FAD] =	sst s3  }
0xc: {  	[smem:$0x3FAE] =	sst s4  }
0xd: {  	[smem:$0x3FAF] =	sst s5  }
0xe: {  	[smem:$0x3FB0] =	sst s6  }
0xf: {  	[smem:$0x3FB1] =	sst s7  }
0x10: {  	[smem:$0x3FB2] =	sst s8  }
0x11: {  	[smem:$0x3FB3] =	sst s9;
	s0 =	simm.s32 @!p0 $0x0  }
0x12: {  	s1 =	sld [smem:$0x3F99];
	s0 =	simm.s32 @p0 $0x1  }
0x13: {  	[smem:$0x3FB4] =	sst s0;
	s0 =	simm.s32 @!p1 $0x0  }
0x14: {  	s2 =	sld [smem:$0x3F98];
	s0 =	simm.s32 @p1 $0x1  }
0x15: {  	[smem:$0x3FB5] =	sst s0;
	s0 =	simm.s32 @!p2 $0x0  }
0x16: {  	s3 =	sld [smem:$0x3FDB];
	s0 =	simm.s32 @p2 $0x1  }
0x17: {  	s4 =	simm.s32 $0x1BF5;
	[smem:$0x3FB7] =	sst s0  }
0x18: {  	s0 =	sld [smem:$0x3F9A];
	_ =	swait.ge [sflag:s4], $0x0  }
0x19: {  	s7 =	sld [smem:$0x3F9B]  }
0x1a: {  	s8 =	sadd.s32 $0xFFFFE003, lr  }
0x1b: {  	s9 =	sadd.s32 $0xFFFFFEF7, lr;
	s5 =	simm.s32 $0xFFFFFFFF;
	p2 =	slt.u32 s8, $0xFFFFF086  }
0x1c: {  	p1 =	slt.u32 s9, $0xF7A;
	s5 =	simm.s32 @!p2 $0x0  }
0x1d: {  	s5 =	simm.s32 @p1 $0x1;
	p0 =	seq.s32 s7, s2  }
0x1e: {  	s7 =	smul.u32 @!p0 $0xF7A, s2;
	p2 =	seq.s32 @!p0 s5, $0x0  }
0x1f: {  	s9 =	smul.u32 $0xF7A, s1;
	s8 =	simm.s32 @!p0 $0x1BF5;
	p2 =	por !p2, p0  }
0x20: {  	[sflag:s8] =	ssyncset.s32 @!p0 $0xFFFFF086;
	s6 =	sadd.s32 @!p0 s3, s7;
	s7 =	simm.s32 @!p0 $0x108  }
0x21: {  	s3 =	sadd.s32 s3, s9;
	s6 =	sadd.s32 @!p0 $0x88, s6;
	s7 =	simm.s32 @p2 $0x1082  }
0x22: {  	[simem:s7], [sflag:s8] =	dma.local @!p0 [hbm:s6], $0xF7A  }
0x23: {  	s9 =	sor.u32 $0xD0000000, s2;
	s6 =	simm.s32 $0x108;
	_ =	swait.ge @!p0 [sflag:s8], $0x0  }
0x24: {  	s3 =	sadd.s32 $0x88, s3;
	s6 =	simm.s32 @!p1 $0x1082;
	[sflag:s4] =	ssyncset.s32 $0xFFFFF086  }
0x25: {  	[simem:s6], [sflag:s4] =	dma.local [hbm:s3], $0xF7A  }
0x26: {  	[smem:$0x3F9B] =	sst s1;
	(tag) =	ssettag s2;
	_ =	strace s9  }
0x27: {  	s1 =	sld [smem:$0x3FAB]  }
0x28: {  	s2 =	sld [smem:$0x3FAC]  }
0x29: {  	s4 =	sld [smem:$0x3FAE]  }
0x2a: {  	p0 =	seq.s32 s5, $0x0;
	s5 =	sld [smem:$0x3FAF]  }
0x2b: {  	s6 =	sld [smem:$0x3FB0]  }
0x2c: {  	s7 =	sld [smem:$0x3FB1]  }
0x2d: {  	s3 =	simm.s32 $0x108;
	s8 =	sld [smem:$0x3FB2]  }
0x2e: {  	s3 =	simm.s32 @!p0 $0x1082;
	s9 =	sld [smem:$0x3FB3]  }
0x2f: {  	lr =	sadd.s32 s0, s3;
	s0 =	sld [smem:$0x3FAA]  }
0x30: {  	s3 =	sld [smem:$0x3FAD]  }
0x31: {  	[smem:$0x3FB6] =	sst s10  }
0x32: {  	s10 =	sld [smem:$0x3FB4];
	_ =	sdelay $0x3  }
0x33: {  	p0 =	seq.s32 s10, $0x1;
	s10 =	sld [smem:$0x3FB6];
	_ =	sdelay $0x3  }
0x34: {  	[smem:$0x3FB6] =	sst s10  }
0x35: {  	s10 =	sld [smem:$0x3FB5];
	_ =	sdelay $0x3  }
0x36: {  	p1 =	seq.s32 s10, $0x1;
	s10 =	sld [smem:$0x3FB6];
	_ =	sdelay $0x3  }
0x37: {  	[smem:$0x3FB6] =	sst s10  }
0x38: {  	s10 =	sld [smem:$0x3FB7]  }
0x39: {  	_ = 	snop;
	(pc) =	sbr.ind lr, $3  }
0x3a: {  	_ = 	snop  }
0x3b: {  	_ = 	snop  }
0x3c: {  	p2 =	seq.s32 s10, $0x1;
	s10 =	sld [smem:$0x3FB6]  }
0x3d: {  	_ =	shalt  }
0x3e: {  	_ =	shalt  }
0x3f: {  	_ =	shalt  }
0x40: {  	_ =	shalt  }
0x41: {  	_ =	shalt  }
0x42: {  	_ =	shalt  }
0x43: {  	_ =	shalt  }
0x44: {  	_ =	shalt  }
0x45: {  	_ =	shalt  }
0x46: {  	_ =	shalt  }
0x47: {  	_ =	shalt  }
0x48: {  	_ =	shalt  }
0x49: {  	_ =	shalt  }
0x4a: {  	_ =	shalt  }
0x4b: {  	_ =	shalt  }
0x4c: {  	_ =	shalt  }
0x4d: {  	_ =	shalt  }
0x4e: {  	_ =	shalt  }
0x4f: {  	_ =	shalt  }
0x50: {  	_ =	shalt  }
0x51: {  	_ =	shalt  }
0x52: {  	_ =	shalt  }
0x53: {  	_ =	shalt  }
0x54: {  	_ =	shalt  }
0x55: {  	_ =	shalt  }
0x56: {  	_ =	shalt  }
0x57: {  	_ =	shalt  }
0x58: {  	_ =	shalt  }
0x59: {  	_ =	shalt  }
0x5a: {  	_ =	shalt  }
0x5b: {  	_ =	shalt  }
0x5c: {  	_ =	shalt  }
0x5d: {  	_ =	shalt  }
0x5e: {  	_ =	shalt  }
0x5f: {  	_ =	shalt  }
0x60: {  	_ =	shalt  }
0x61: {  	_ =	shalt  }
0x62: {  	_ =	shalt  }
0x63: {  	_ =	shalt  }
0x64: {  	_ =	shalt  }
0x65: {  	_ =	shalt  }
0x66: {  	_ =	shalt  }
0x67: {  	_ =	shalt  }
0x68: {  	_ =	shalt  }
0x69: {  	_ =	shalt  }
0x6a: {  	_ =	shalt  }
0x6b: {  	_ =	shalt  }
0x6c: {  	_ =	shalt  }
0x6d: {  	_ =	shalt  }
0x6e: {  	_ =	shalt  }
0x6f: {  	_ =	shalt  }
0x70: {  	_ =	shalt  }
0x71: {  	_ =	shalt  }
0x72: {  	_ =	shalt  }
0x73: {  	_ =	shalt  }
0x74: {  	_ =	shalt  }
0x75: {  	_ =	shalt  }
0x76: {  	_ =	shalt  }
0x77: {  	_ =	shalt  }
0x78: {  	_ =	shalt  }
0x79: {  	_ =	shalt  }
0x7a: {  	_ =	shalt  }
0x7b: {  	_ =	shalt  }
0x7c: {  	_ =	shalt  }
0x7d: {  	_ =	shalt  }
0x7e: {  	_ =	shalt  }
0x7f: {  	_ =	shalt  }
0x80: {  	_ =	shalt  }
0x81: {  	_ =	shalt  }
0x82: {  	_ =	shalt  }
0x83: {  	_ =	shalt  }
0x84: {  	_ =	shalt  }
0x85: {  	_ =	shalt  }
0x86: {  	_ =	shalt  }
0x87: {  	_ =	shalt  }
.Lfunc_end0:
.L_simem_size_0:
called_computation.1_lowered:
.L_overlay_start_0:
0x88: {  	s2 =	sld [smem:$0x3FD9]  }
0x89: {  	s3 =	sld [smem:$0x3FFE];
	_ =	sdelay $0x1  }
0x8a: {  	s1 =	srdreg.scid  }
0x8b: {  	s0 =	sand.u32 $0x1, s1  }
0x8c: {  	s16 =	sshll.u32 s0, $0xA;
	s2 =	sadd.s32 s3, s2  }
0x8d: {  	s2 =	sadd.s32 s2, s16  }
0x8e: {  	[smem:$0x3FC2] =	sst s2  }
0x8f: {  	_ = 	snop  }
0x90: {  	(tm) =	ssettm $0x1  }
0x91: {  	s17 =	sld [smem:$0x3FFB];
	_ =	sdelay $0x3  }
0x92: {  	_ =	strace s17  }
0x93: {  	s2 =	sld [smem:$0x3FFC];
	_ =	sdelay $0x3  }
0x94: {  	_ =	strace s2  }
0x95: {  	s2 =	sld [smem:$0x3FFD];
	_ =	sdelay $0x3  }
0x96: {  	_ =	strace s2  }
0x97: {  	_ =	strace $0x8FFFFFFF  }
0x98: {  	s18 =	sld [smem:$0x3FDB];
	_ =	sdelay $0x1  }
0x99: {  	s19 =	simm.s32 $_scs_section_size  }
0x9a: {  	s4 =	simm.s32 $_size__tile_overlayer_lowered;
	s5 =	simm.s32 $_tile_overlayer_lowered  }
0x9b: {  	s22 =	simm.s32 $0x1BFF;
	s21 =	sshll.u32 s5, $0x1;
	s2 =	sadd.s32 s19, s18  }
0x9c: {  	s6 =	simm.s32 $0x0;
	s20 =	sshll.u32 s4, $0x1;
	s4 =	sadd.s32 s21, s2  }
0x9d: {  	[timem:s6], [sflag:s22] =	dma.local [hbm:s4], s20  }
0x9e: {  	_ =	swait.ge [sflag:s22], s20  }
0x9f: {  	s3 =	ssub.s32 $0x0, s20;
	[sflag:s22] =	ssyncset.done $0x0  }
0xa0: {  	[sflag:s22] =	ssyncadd.s32 s3;
	_ =	sdelay $0x1  }
0xa1: {  	s23 =	simm.s32 $0x1B8B  }
0xa2: {  	_ =	swait.ge [sflag:s23], $0x1  }
0xa3: {  	[sflag:s23] =	ssyncset.done $0x0  }
0xa4: {  	s25 =	simm.s32 $0x1B8E;
	s24 =	sld [smem:$0x3FFE];
	[sflag:s23] =	ssyncadd.s32 $0xFFFFFFFF  }
0xa5: {  	s26 =	simm.s32 $execute0_lowered;
	[smem:$0x3FD2] =	sst s25  }
0xa6: {  	s4 =	sshll.u32 s26, $0x1;
	_ =	strace $0x80000049;
	[dreg:$0x1] =	wrdreg $0xFFFFFFFF  }
0xa7: {  	s28 =	simm.s32 $_size_execute0_lowered;
	s2 =	sadd.s32 s2, s4;
	[dreg:$0x0] =	wrdreg $0x0  }
0xa8: {  	s4 =	sshll.u32 s28, $0x1;
	[dreg:$0x2] =	wrdreg s2  }
0xa9: {  	[dreg:$0x3] =	wrdreg s4  }
0xaa: {  	[dreg:$0x4] =	wrdreg $0xC0  }
0xab: {  	_ =	task [dreg:s6], $0x5FFFF  }
0xac: {  	[dreg:$0x1] =	wrdreg $0xFFFFFFFF  }
0xad: {  	[dreg:$0x0] =	wrdreg $0x60  }
0xae: {  	[dreg:$0x2] =	wrdreg s24  }
0xaf: {  	[dreg:$0x3] =	wrdreg $0x9E200  }
0xb0: {  	[dreg:$0x4] =	wrdreg $0x9  }
0xb1: {  	_ =	task.clear_ibuf [dreg:s6], $0x5FFFF;
	_ =	strace $0x90000049  }
0xb2: {  	s29 =	simm.s32 $0x9;
	_ =	strace $0x8000004B  }
0xb3: {  	_ =	swait.ge [sflag:s29], $0x1  }
0xb4: {  	[sflag:s29] =	ssyncadd.s32 $0xFFFFFFFF  }
0xb5: {  	_ =	strace $0x9000004B  }
0xb6: {  	_ =	sfence  }
0xb7: {  	s30 =	sld [smem:$0x0];
	_ =	sdelay $0x2  }
0xb8: {  	s31 =	sshll.u32 s1, $0xD;
	s1 =	sshrl.u32 s1, $0x2  }
0xb9: {  	s3 =	sand.u32 $0x4000, s31;
	s1 =	sadd.s32 s1, s30  }
0xba: {  	s0 =	sor.u32 s3, s0;
	s1 =	sshll.u32 s1, $0x11  }
0xbb: {  	s0 =	sor.u32 s1, s0  }
0xbc: {  	s0 =	sadd.s32 $0x8F2B, s0  }
0xbd: {  	[sflag:s0] =	ssyncadd.remote.s32 $0x1  }
0xbe: {  	_ =	sfence.sel $0xFFFF  }
0xbf: {  	[dreg:$0x0] =	wrdreg $0xFFFFFFFF;
	(pc) =	sbr.abs _section_cstart, $3  }
0xc0: {  	[dreg:$0x1] =	wrdreg $0xFFFFFFFF  }
0xc1: {  	_ =	task.clear_ibuf [dreg:s6], $0x2FFFF;
	_ =	strace $0x9FFFFFFF  }
0xc2: {  	(tm) =	ssettm $0x7FFFFFFF  }
0xc3: {  	_ =	shalt  }
tec
execute0_lowered:
.L_overlay_start_1:
0x0: {  	(tag) =	ssettag $0x1  }
0x1: {  	s0 =	srdreg.scid;
	s5 =	rddreg [dreg:$0x0]  }
0x2: {  	s2 =	rddreg [dreg:$0x1];
	s3 =	simm.s32 $0x0;
	s11 =	simm.s32 $0x2710  }
0x3: {  	s14 =	simm.s32 $0x50;
	s15 =	simm.s32 $0x4E20;
	s16 =	simm.s32 $0x1  }
0x4: {  	s17 =	simm.s32 $0x7620;
	s18 =	simm.s32 $0x2760;
	s19 =	simm.s32 $0x2  }
0x5: {  	s20 =	simm.s32 $0xA0;
	s21 =	simm.s32 $0x26C0;
	s22 =	simm.s32 $0x4DD0  }
0x6: {  	s23 =	simm.s32 $0x0;
	s4 =	sand.u32 $0x1, s0;
	s0 =	stileid.u32  }
0x7: {  	[smem:$0x7FF] =	sst s3;
	s1 =	sshll.u32 s4, $0x4;
	s7 =	smul.u32 $0x1F400, s0  }
0x8: {  	s8 =	smul.u32 $0x138800, s4;
	s9 =	ssub.s32 $0x2, s4;
	s4 =	sadd.s32 $0x15C00, s5  }
0x9: {  	p0 =	sgt.u32 s0, $0x9;
	s1 =	sor.u32 s0, s1;
	s31 =	sshrl.u32 s9, $0x1  }
0xa: {  	s12 =	sshll.u32 @!p0 s0, $0x6;
	s6 =	smul.u32 $0x2710, s1;
	s1 =	rddreg [dreg:$0x2]  }
0xb: {  	_ =	strace $0x8000004A;
	s8 =	sadd.s32 s7, s8;
	s9 =	ssub.s32 s9, s31  }
.Ltmp0:
0xc: {  	s10 =	sshrl.u32 s7, $0x3;
	s13 =	sadd.s32 s7, s2;
	(pc) =	sbr.rel .LBB2_1-.Ltmp0, $4  }
0xd: {  	s12 =	sor.u32 @!p0 $0x1C03, s12;
	s8 =	sshrl.u32 s8, $0x3;
	s7 =	sadd.s32 s4, s10  }
0xe: {  	s9 =	smax.u32 s9, $0x1;
	s10 =	simm.s32 $0x3;
	s6 =	sshrl.u32 s6, $0x3  }
0xf: {  	s13 =	sshrl.u32 @!p0 s13, $0x3;
	s8 =	sadd.s32 s8, s5;
	s6 =	sadd.s32 s6, s5  }
0x10: {  	s8 =	sadd.s32 $0x3CE00, s8;
	s5 =	sadd.s32 $0x2200, s6;
	s6 =	sadd.s32 $0xBE40, s6  }
.LBB2_4:
0x11: {  	_ =	swait.ge [sflag:s19], $0x2800  }
0x12: {  	[sflag:s19] =	ssyncset.done $0x0  }
0x13: {  	[sflag:s19] =	ssyncadd.s32 $0xFFFFD800  }
0x14: {  	[tilespmem:s15], [sflag:$0x1] =	stream.indirect.gather [hbm4b:s4+s14], $0x80, s21, s14, $0xb8;
	[tilespmem:$0x1D6A0] =	vst v63  }
0x15: {  	_ =	swait.ge [sflag:s16], $0x2800  }
0x16: {  	[sflag:s16] =	ssyncset.done $0x0  }
0x17: {  	[sflag:s16] =	ssyncadd.s32 $0xFFFFD800  }
0x18: {  	[spmem:s2] =	stream.indirect.scatter.add.f32 [tilespmem:s15], [sflag:$0x2], $0x80, s22, s14, $0xb8;
	[tilespmem:$0x1D6A0] =	vst v63  }
0x19: {  	_ =	swait.ge [sflag:s19], $0x2800  }
0x1a: {  	s23 =	sadd.s32 $0x1, s23;
	[sflag:s19] =	ssyncset.done $0x0  }
0x1b: {  	p1 =	sne.s32 s23, s9;
	[sflag:s19] =	ssyncadd.s32 $0xFFFFD800  }
.Ltmp1:
0x1c: {  	s24 =	simm.s32 @!p0 $0x3;
	[bflag:$0x0] =	sbarrier.arrive $0xFFFF;
	(pc) =	sbr.rel @!p1 .LBB2_5-.Ltmp1, $4  }
0x1d: {  	[hbm:s8], [sflag:s12] =	dma.local @!p0 [spmem:s13], $0x3E80  }
0x1e: {  	_ =	swait.ge @!p0 [sflag:s24], $0x3E80  }
0x1f: {  	[sflag:s24] =	ssyncset.done @!p0 $0x0  }
0x20: {  	[sflag:s24] =	ssyncadd.s32 @!p0 $0xFFFFC180  }
.LBB2_1:
0x21: {  	[tilespmem:s3], [sflag:$0x3] =	stream.linear.gather [hbm4b:s5+s3], $0x2710, $0x38;
	[tilespmem:$0x1D6A0] =	vst v63  }
0x22: {  	_ =	swait.ge [sflag:s10], $0x2710  }
0x23: {  	[sflag:s10] =	ssyncset.done $0x0  }
0x24: {  	[sflag:s10] =	ssyncadd.s32 $0xFFFFD8F0  }
0x25: {  	[tilespmem:s11], [sflag:$0x3] =	stream.linear.gather [hbm4b:s6+s3], $0x2710, $0x38;
	[tilespmem:$0x1D6A0] =	vst v63  }
0x26: {  	_ =	swait.ge [sflag:s10], $0x2710  }
0x27: {  	[sflag:s10] =	ssyncset.done $0x0  }
0x28: {  	s24 =	simm.s32 @!p0 $0x3;
	[sflag:s10] =	ssyncadd.s32 $0xFFFFD8F0  }
0x29: {  	[spmem:s13], [sflag:s12] =	dma.local @!p0 [hbm:s7], $0x3E80  }
0x2a: {  	_ =	swait.ge @!p0 [sflag:s24], $0x3E80  }
0x2b: {  	[sflag:s24] =	ssyncset.done @!p0 $0x0  }
0x2c: {  	[sflag:s24] =	ssyncadd.s32 @!p0 $0xFFFFC180  }
0x2d: {  	[bflag:$0x0] =	sbarrier.arrive $0xFFFF  }
0x2e: {  	[tilespmem:s15], [sflag:$0x1] =	stream.indirect.gather [hbm4b:s4+s14], $0x80, s3, s14, $0xb8;
	[tilespmem:$0x1D6A0] =	vst v63  }
0x2f: {  	_ =	swait.ge [sflag:s16], $0x2800  }
0x30: {  	[sflag:s16] =	ssyncset.done $0x0  }
0x31: {  	[sflag:s16] =	ssyncadd.s32 $0xFFFFD800  }
0x32: {  	[spmem:s2] =	stream.indirect.scatter.add.f32 [tilespmem:s15], [sflag:$0x2], $0x80, s11, s14, $0xb8;
	[tilespmem:$0x1D6A0] =	vst v63  }
0x33: {  	_ = 	snop  }
0x34: {  	[tilespmem:s17], [sflag:$0x1] =	stream.indirect.gather [hbm4b:s4+s14], $0x80, s14, s14, $0xb8;
	[tilespmem:$0x1D6A0] =	vst v63  }
0x35: {  	_ =	swait.ge [sflag:s16], $0x2800  }
0x36: {  	[sflag:s16] =	ssyncset.done $0x0  }
0x37: {  	[sflag:s16] =	ssyncadd.s32 $0xFFFFD800  }
0x38: {  	[spmem:s2] =	stream.indirect.scatter.add.f32 [tilespmem:s17], [sflag:$0x2], $0x80, s18, s14, $0xb8;
	[tilespmem:$0x1D6A0] =	vst v63  }
0x39: {  	_ =	swait.ge [sflag:s19], $0x2800  }
0x3a: {  	[sflag:s19] =	ssyncset.done $0x0  }
0x3b: {  	s24 =	simm.s32 $0xFFFF6A00;
	[sflag:s19] =	ssyncadd.s32 $0xFFFFD800  }
0x3c: {  	[tilespmem:s15], [sflag:$0x1] =	stream.indirect.gather [hbm4b:s4+s14], $0x80, s20, s14, $0xb8;
	[tilespmem:$0x1D6A0] =	vst v63  }
.LBB2_2:
0x3d: {  	_ =	swait.ge [sflag:s16], $0x2800  }
0x3e: {  	s25 =	sshra.s32 s24, $0x2;
	[sflag:s16] =	ssyncset.done $0x0  }
0x3f: {  	s26 =	sadd.s32 $0x4D30, s25;
	[sflag:s16] =	ssyncadd.s32 $0xFFFFD800  }
0x40: {  	[spmem:s2] =	stream.indirect.scatter.add.f32 [tilespmem:s15], [sflag:$0x2], $0x80, s26, s14, $0xb8;
	[tilespmem:$0x1D6A0] =	vst v63  }
0x41: {  	_ =	swait.ge [sflag:s19], $0x2800  }
0x42: {  	[sflag:s19] =	ssyncset.done $0x0  }
0x43: {  	s30 =	sadd.s32 $0x2670, s25;
	[sflag:s19] =	ssyncadd.s32 $0xFFFFD800  }
0x44: {  	[tilespmem:s17], [sflag:$0x1] =	stream.indirect.gather [hbm4b:s4+s14], $0x80, s30, s14, $0xb8;
	[tilespmem:$0x1D6A0] =	vst v63  }
0x45: {  	_ =	swait.ge [sflag:s16], $0x2800  }
0x46: {  	p1 =	seq.s32 s24, $0x0;
	[sflag:s16] =	ssyncset.done $0x0  }
.Ltmp2:
0x47: {  	s31 =	sadd.s32 $0x4D80, s25;
	[sflag:s16] =	ssyncadd.s32 $0xFFFFD800;
	(pc) =	sbr.rel @p1 .LBB2_4-.Ltmp2, $4  }
0x48: {  	[spmem:s2] =	stream.indirect.scatter.add.f32 [tilespmem:s17], [sflag:$0x2], $0x80, s31, s14, $0xb8;
	[tilespmem:$0x1D6A0] =	vst v63  }
0x49: {  	_ =	swait.ge [sflag:s19], $0x2800  }
0x4a: {  	[sflag:s19] =	ssyncset.done $0x0  }
0x4b: {  	[sflag:s19] =	ssyncadd.s32 $0xFFFFD800  }
.Ltmp3:
0x4c: {  	(pc) =	sbr.rel .LBB2_2-.Ltmp3, $3  }
0x4d: {  	_ =	sdelay $0x1  }
0x4e: {  	s25 =	sadd.s32 $0x26C0, s25;
	s24 =	sadd.s32 $0x280, s24  }
0x4f: {  	[tilespmem:s15], [sflag:$0x1] =	stream.indirect.gather [hbm4b:s4+s14], $0x80, s25, s14, $0xb8;
	[tilespmem:$0x1D6A0] =	vst v63  }
.LBB2_5:
0x50: {  	_ =	sfence.sel $0x180000  }
0x51: {  	[bflag:$0x0] =	sbarrier.arrive $0xFFFF  }
0x52: {  	p0 =	sne.s32 s0, $0x0;
	_ =	strace $0x9000004A  }
0x53: {  	s0 =	sadd.s32 @!p0 $0x100000, s1;
	[bflag:$0x2] =	sbarrier.arrive $0xFFFF  }
0x54: {  	[sflag:s0] =	ssyncadd.tile.s32 @!p0 $0x1;
	_ =	shalt  }
.Lfunc_end2:
_tile_overlayer_lowered:
.L_overlay_start_2:
0x55: {  	(tag) =	ssettag $0x2  }
0x56: {  	s0 =	rddreg [dreg:$0x0];
	s2 =	stileid.u32  }
0x57: {  	s1 =	rddreg [dreg:$0x1];
	p0 =	sne.s32 s2, $0x0  }
0x58: {  	s3 =	rddreg [dreg:$0x2];
	[bflag:$0x3] =	sbarrier.arrive $0xFFFF;
	s2 =	simm.s32 @!p0 $0x1C03  }
0x59: {  	[timem:s3], [sflag:s2] =	dma.local @!p0 [hbm:s0], s1  }
0x5a: {  	s0 =	simm.s32 @!p0 $0x3  }
0x5b: {  	_ =	swait.ge @!p0 [sflag:s0], s1  }
0x5c: {  	s1 =	ssub.s32 @!p0 $0x0, s1;
	[sflag:s0] =	ssyncset.done @!p0 $0x0  }
0x5d: {  	[sflag:s0] =	ssyncadd.s32 @!p0 s1  }
0x5e: {  	[bflag:$0x3] =	sbarrier.arrive $0xFFFF  }
0x5f: {  	_ =	shalt  }

// kernel: kernel.14.cloned.1.call-start
scs
__scs_entry_jumppad:
0x0: {  	(pc) =	sbr.rel $0x88, $3  }
0x1: {  	(tag) =	ssettag $0x0;
	lr =	simm.s32 $0x1  }
0x2: {  	[smem:$0x3F9B] =	sst lr;
	_ =	strace $0xD0000000  }
0x3: {  	_ = 	snop  }
0x4: {  	_ = 	snop  }
0x5: {  	_ = 	snop  }
0x6: {  	_ = 	snop  }
0x7: {  	_ = 	snop  }
__scs_overlays_trampoline_lowered:
0x8: {  	[smem:$0x3FAA] =	sst s0  }
0x9: {  	[smem:$0x3FAB] =	sst s1  }
0xa: {  	[smem:$0x3FAC] =	sst s2  }
0xb: {  	[smem:$0x3FAD] =	sst s3  }
0xc: {  	[smem:$0x3FAE] =	sst s4  }
0xd: {  	[smem:$0x3FAF] =	sst s5  }
0xe: {  	[smem:$0x3FB0] =	sst s6  }
0xf: {  	[smem:$0x3FB1] =	sst s7  }
0x10: {  	[smem:$0x3FB2] =	sst s8  }
0x11: {  	[smem:$0x3FB3] =	sst s9;
	s0 =	simm.s32 @!p0 $0x0  }
0x12: {  	s1 =	sld [smem:$0x3F99];
	s0 =	simm.s32 @p0 $0x1  }
0x13: {  	[smem:$0x3FB4] =	sst s0;
	s0 =	simm.s32 @!p1 $0x0  }
0x14: {  	s2 =	sld [smem:$0x3F98];
	s0 =	simm.s32 @p1 $0x1  }
0x15: {  	[smem:$0x3FB5] =	sst s0;
	s0 =	simm.s32 @!p2 $0x0  }
0x16: {  	s3 =	sld [smem:$0x3FDB];
	s0 =	simm.s32 @p2 $0x1  }
0x17: {  	s4 =	simm.s32 $0x1BF5;
	[smem:$0x3FB7] =	sst s0  }
0x18: {  	s0 =	sld [smem:$0x3F9A];
	_ =	swait.ge [sflag:s4], $0x0  }
0x19: {  	s7 =	sld [smem:$0x3F9B]  }
0x1a: {  	s8 =	sadd.s32 $0xFFFFE003, lr  }
0x1b: {  	s9 =	sadd.s32 $0xFFFFFEF7, lr;
	s5 =	simm.s32 $0xFFFFFFFF;
	p2 =	slt.u32 s8, $0xFFFFF086  }
0x1c: {  	p1 =	slt.u32 s9, $0xF7A;
	s5 =	simm.s32 @!p2 $0x0  }
0x1d: {  	s5 =	simm.s32 @p1 $0x1;
	p0 =	seq.s32 s7, s2  }
0x1e: {  	s7 =	smul.u32 @!p0 $0xF7A, s2;
	p2 =	seq.s32 @!p0 s5, $0x0  }
0x1f: {  	s9 =	smul.u32 $0xF7A, s1;
	s8 =	simm.s32 @!p0 $0x1BF5;
	p2 =	por !p2, p0  }
0x20: {  	[sflag:s8] =	ssyncset.s32 @!p0 $0xFFFFF086;
	s6 =	sadd.s32 @!p0 s3, s7;
	s7 =	simm.s32 @!p0 $0x108  }
0x21: {  	s3 =	sadd.s32 s3, s9;
	s6 =	sadd.s32 @!p0 $0x88, s6;
	s7 =	simm.s32 @p2 $0x1082  }
0x22: {  	[simem:s7], [sflag:s8] =	dma.local @!p0 [hbm:s6], $0xF7A  }
0x23: {  	s9 =	sor.u32 $0xD0000000, s2;
	s6 =	simm.s32 $0x108;
	_ =	swait.ge @!p0 [sflag:s8], $0x0  }
0x24: {  	s3 =	sadd.s32 $0x88, s3;
	s6 =	simm.s32 @!p1 $0x1082;
	[sflag:s4] =	ssyncset.s32 $0xFFFFF086  }
0x25: {  	[simem:s6], [sflag:s4] =	dma.local [hbm:s3], $0xF7A  }
0x26: {  	[smem:$0x3F9B] =	sst s1;
	(tag) =	ssettag s2;
	_ =	strace s9  }
0x27: {  	s1 =	sld [smem:$0x3FAB]  }
0x28: {  	s2 =	sld [smem:$0x3FAC]  }
0x29: {  	s4 =	sld [smem:$0x3FAE]  }
0x2a: {  	p0 =	seq.s32 s5, $0x0;
	s5 =	sld [smem:$0x3FAF]  }
0x2b: {  	s6 =	sld [smem:$0x3FB0]  }
0x2c: {  	s7 =	sld [smem:$0x3FB1]  }
0x2d: {  	s3 =	simm.s32 $0x108;
	s8 =	sld [smem:$0x3FB2]  }
0x2e: {  	s3 =	simm.s32 @!p0 $0x1082;
	s9 =	sld [smem:$0x3FB3]  }
0x2f: {  	lr =	sadd.s32 s0, s3;
	s0 =	sld [smem:$0x3FAA]  }
0x30: {  	s3 =	sld [smem:$0x3FAD]  }
0x31: {  	[smem:$0x3FB6] =	sst s10  }
0x32: {  	s10 =	sld [smem:$0x3FB4];
	_ =	sdelay $0x3  }
0x33: {  	p0 =	seq.s32 s10, $0x1;
	s10 =	sld [smem:$0x3FB6];
	_ =	sdelay $0x3  }
0x34: {  	[smem:$0x3FB6] =	sst s10  }
0x35: {  	s10 =	sld [smem:$0x3FB5];
	_ =	sdelay $0x3  }
0x36: {  	p1 =	seq.s32 s10, $0x1;
	s10 =	sld [smem:$0x3FB6];
	_ =	sdelay $0x3  }
0x37: {  	[smem:$0x3FB6] =	sst s10  }
0x38: {  	s10 =	sld [smem:$0x3FB7]  }
0x39: {  	_ = 	snop;
	(pc) =	sbr.ind lr, $3  }
0x3a: {  	_ = 	snop  }
0x3b: {  	_ = 	snop  }
0x3c: {  	p2 =	seq.s32 s10, $0x1;
	s10 =	sld [smem:$0x3FB6]  }
0x3d: {  	_ =	shalt  }
0x3e: {  	_ =	shalt  }
0x3f: {  	_ =	shalt  }
0x40: {  	_ =	shalt  }
0x41: {  	_ =	shalt  }
0x42: {  	_ =	shalt  }
0x43: {  	_ =	shalt  }
0x44: {  	_ =	shalt  }
0x45: {  	_ =	shalt  }
0x46: {  	_ =	shalt  }
0x47: {  	_ =	shalt  }
0x48: {  	_ =	shalt  }
0x49: {  	_ =	shalt  }
0x4a: {  	_ =	shalt  }
0x4b: {  	_ =	shalt  }
0x4c: {  	_ =	shalt  }
0x4d: {  	_ =	shalt  }
0x4e: {  	_ =	shalt  }
0x4f: {  	_ =	shalt  }
0x50: {  	_ =	shalt  }
0x51: {  	_ =	shalt  }
0x52: {  	_ =	shalt  }
0x53: {  	_ =	shalt  }
0x54: {  	_ =	shalt  }
0x55: {  	_ =	shalt  }
0x56: {  	_ =	shalt  }
0x57: {  	_ =	shalt  }
0x58: {  	_ =	shalt  }
0x59: {  	_ =	shalt  }
0x5a: {  	_ =	shalt  }
0x5b: {  	_ =	shalt  }
0x5c: {  	_ =	shalt  }
0x5d: {  	_ =	shalt  }
0x5e: {  	_ =	shalt  }
0x5f: {  	_ =	shalt  }
0x60: {  	_ =	shalt  }
0x61: {  	_ =	shalt  }
0x62: {  	_ =	shalt  }
0x63: {  	_ =	shalt  }
0x64: {  	_ =	shalt  }
0x65: {  	_ =	shalt  }
0x66: {  	_ =	shalt  }
0x67: {  	_ =	shalt  }
0x68: {  	_ =	shalt  }
0x69: {  	_ =	shalt  }
0x6a: {  	_ =	shalt  }
0x6b: {  	_ =	shalt  }
0x6c: {  	_ =	shalt  }
0x6d: {  	_ =	shalt  }
0x6e: {  	_ =	shalt  }
0x6f: {  	_ =	shalt  }
0x70: {  	_ =	shalt  }
0x71: {  	_ =	shalt  }
0x72: {  	_ =	shalt  }
0x73: {  	_ =	shalt  }
0x74: {  	_ =	shalt  }
0x75: {  	_ =	shalt  }
0x76: {  	_ =	shalt  }
0x77: {  	_ =	shalt  }
0x78: {  	_ =	shalt  }
0x79: {  	_ =	shalt  }
0x7a: {  	_ =	shalt  }
0x7b: {  	_ =	shalt  }
0x7c: {  	_ =	shalt  }
0x7d: {  	_ =	shalt  }
0x7e: {  	_ =	shalt  }
0x7f: {  	_ =	shalt  }
0x80: {  	_ =	shalt  }
0x81: {  	_ =	shalt  }
0x82: {  	_ =	shalt  }
0x83: {  	_ =	shalt  }
0x84: {  	_ =	shalt  }
0x85: {  	_ =	shalt  }
0x86: {  	_ =	shalt  }
0x87: {  	_ =	shalt  }
.Lfunc_end0:
.L_simem_size_0:
called_computation.2_lowered:
.L_overlay_start_0:
0x88: {  	s2 =	sld [smem:$0x3FD9]  }
0x89: {  	s3 =	sld [smem:$0x3FFE];
	_ =	sdelay $0x1  }
0x8a: {  	s1 =	srdreg.scid  }
0x8b: {  	s0 =	sand.u32 $0x1, s1  }
0x8c: {  	s17 =	sshll.u32 s0, $0xA;
	s2 =	sadd.s32 s3, s2  }
0x8d: {  	s2 =	sadd.s32 s2, s17  }
0x8e: {  	[smem:$0x3FC2] =	sst s2  }
0x8f: {  	_ = 	snop  }
0x90: {  	s2 =	sld [smem:$0x3FD0];
	(tm) =	ssettm $0x1  }
0x91: {  	s18 =	sld [smem:$0x3FFB];
	_ =	sdelay $0x3  }
0x92: {  	_ =	strace s18  }
0x93: {  	s3 =	sld [smem:$0x3FFC];
	_ =	sdelay $0x3  }
0x94: {  	_ =	strace s3  }
0x95: {  	s3 =	sld [smem:$0x3FFD];
	_ =	sdelay $0x3  }
0x96: {  	_ =	strace s3  }
0x97: {  	_ =	strace $0x8FFFFFFF  }
0x98: {  	s19 =	sld [smem:$0x3FDB];
	_ =	sdelay $0x1  }
0x99: {  	s4 =	simm.s32 $_scs_section_size  }
0x9a: {  	s5 =	simm.s32 $_size__tile_overlayer_lowered;
	s6 =	simm.s32 $_tile_overlayer_lowered  }
0x9b: {  	s22 =	simm.s32 $0x1BFF;
	s21 =	sshll.u32 s6, $0x1;
	s3 =	sadd.s32 s4, s19  }
0x9c: {  	s7 =	simm.s32 $0x0;
	s20 =	sshll.u32 s5, $0x1;
	s5 =	sadd.s32 s21, s3  }
0x9d: {  	[timem:s7], [sflag:s22] =	dma.local [hbm:s5], s20  }
0x9e: {  	_ =	swait.ge [sflag:s22], s20  }
0x9f: {  	s4 =	ssub.s32 $0x0, s20;
	[sflag:s22] =	ssyncset.done $0x0  }
0xa0: {  	[sflag:s22] =	ssyncadd.s32 s4;
	_ =	sdelay $0x1  }
0xa1: {  	s23 =	simm.s32 $0x1B8B  }
0xa2: {  	_ =	swait.ge [sflag:s23], $0x1  }
0xa3: {  	[sflag:s23] =	ssyncset.done $0x0  }
0xa4: {  	s25 =	simm.s32 $0x1B8E;
	s24 =	sld [smem:$0x3FFE];
	[sflag:s23] =	ssyncadd.s32 $0xFFFFFFFF  }
0xa5: {  	s26 =	simm.s32 $execute0_lowered;
	[smem:$0x3FD2] =	sst s25  }
0xa6: {  	s5 =	sshll.u32 s26, $0x1;
	_ =	strace $0x8000004C;
	[dreg:$0x1] =	wrdreg $0xFFFFFFFF  }
0xa7: {  	s28 =	simm.s32 $_size_execute0_lowered;
	s3 =	sadd.s32 s3, s5;
	[dreg:$0x0] =	wrdreg $0x0  }
0xa8: {  	s5 =	sshll.u32 s28, $0x1;
	[dreg:$0x2] =	wrdreg s3  }
0xa9: {  	[dreg:$0x3] =	wrdreg s5  }
0xaa: {  	[dreg:$0x4] =	wrdreg $0xC0  }
0xab: {  	_ =	task [dreg:s7], $0x5FFFF  }
0xac: {  	[dreg:$0x1] =	wrdreg $0xFFFFFFFF  }
0xad: {  	[dreg:$0x0] =	wrdreg $0x60  }
0xae: {  	[dreg:$0x2] =	wrdreg s24  }
0xaf: {  	[dreg:$0x3] =	wrdreg s2  }
0xb0: {  	[dreg:$0x4] =	wrdreg $0x80200  }
0xb1: {  	[dreg:$0x5] =	wrdreg $0x9  }
0xb2: {  	_ =	task.clear_ibuf [dreg:s7], $0x6FFFF;
	_ =	strace $0x9000004C  }
0xb3: {  	s29 =	simm.s32 $0x9;
	_ =	strace $0x8000004E  }
0xb4: {  	_ =	swait.ge [sflag:s29], $0x1  }
0xb5: {  	[sflag:s29] =	ssyncadd.s32 $0xFFFFFFFF  }
0xb6: {  	_ =	strace $0x9000004E  }
0xb7: {  	_ =	sfence  }
0xb8: {  	s30 =	sld [smem:$0x0];
	_ =	sdelay $0x2  }
0xb9: {  	s31 =	sshll.u32 s1, $0xD;
	s1 =	sshrl.u32 s1, $0x2  }
0xba: {  	s3 =	sand.u32 $0x4000, s31;
	s1 =	sadd.s32 s1, s30  }
0xbb: {  	s0 =	sor.u32 s3, s0;
	s1 =	sshll.u32 s1, $0x11  }
0xbc: {  	s0 =	sor.u32 s1, s0  }
0xbd: {  	s0 =	sadd.s32 $0x8F2B, s0  }
0xbe: {  	[sflag:s0] =	ssyncadd.remote.s32 $0x1  }
0xbf: {  	_ =	sfence.sel $0xFFFF  }
0xc0: {  	[dreg:$0x0] =	wrdreg $0xFFFFFFFF;
	(pc) =	sbr.abs _section_cstart, $3  }
0xc1: {  	[dreg:$0x1] =	wrdreg $0xFFFFFFFF  }
0xc2: {  	_ =	task.clear_ibuf [dreg:s7], $0x2FFFF;
	_ =	strace $0x9FFFFFFF  }
0xc3: {  	(tm) =	ssettm $0x7FFFFFFF  }
tec
execute0_lowered:
.L_overlay_start_1:
0x0: {  	(tag) =	ssettag $0x1  }
0x1: {  	s0 =	srdreg.scid;
	s1 =	rddreg [dreg:$0x0]  }
0x2: {  	s12 =	stileid.u32;
	s2 =	rddreg [dreg:$0x1]  }
0x3: {  	s10 =	simm.s32 $0x3;
	s14 =	simm.s32 $0x50;
	s15 =	simm.s32 $0x4E20  }
0x4: {  	s16 =	simm.s32 $0x5320;
	s18 =	simm.s32 $0x5820;
	s20 =	simm.s32 $0x5D20  }
0x5: {  	s22 =	simm.s32 $0x6220;
	s23 =	simm.s32 $0x1;
	s24 =	simm.s32 $0x6720  }
0x6: {  	s28 =	simm.s32 $0x7620;
	s29 =	simm.s32 $0x7B20;
	s30 =	simm.s32 $0x2  }
0x7: {  	s31 =	simm.s32 $0x4D30;
	s0 =	sand.u32 $0x1, s0;
	s7 =	smul.u32 $0x3E80, s12  }
0x8: {  	p0 =	sgt.u32 s12, $0x9;
	s3 =	sshll.u32 s0, $0x4;
	s6 =	smul.u32 $0x27100, s0  }
0x9: {  	s0 =	ssub.s32 $0x2, s0;
	s4 =	sor.u32 s12, s3;
	s3 =	rddreg [dreg:$0x2]  }
0xa: {  	s26 =	sshrl.u32 s0, $0x1;
	s5 =	smul.u32 $0x2710, s4;
	s4 =	simm.s32 $0x0  }
0xb: {  	s6 =	sadd.s32 s7, s6;
	s0 =	ssub.s32 s0, s26;
	s11 =	sadd.s32 s7, s3  }
0xc: {  	s7 =	sshrl.u32 s7, $0x3;
	s26 =	simm.s32 $0x7120;
	[smem:$0x7FF] =	sst s4  }
0xd: {  	s25 =	sshrl.u32 s6, $0x3;
	s7 =	sadd.s32 s2, s7;
	s9 =	smax.u32 s0, $0x1  }
.Ltmp0:
0xe: {  	s0 =	sshll.u32 @!p0 s12, $0x6;
	s13 =	sshrl.u32 @!p0 s11, $0x3;
	(pc) =	sbr.rel .LBB2_1-.Ltmp0, $4  }
0xf: {  	s11 =	simm.s32 $0x0;
	_ =	strace $0x8000004D;
	s5 =	sshrl.u32 s5, $0x3  }
0x10: {  	s12 =	sor.u32 @!p0 $0x1C03, s0;
	s0 =	simm.s32 $0x4DD0;
	s8 =	sadd.s32 s5, s1  }
0x11: {  	s1 =	sadd.s32 s25, s1;
	s25 =	simm.s32 $0x6C20;
	s5 =	sadd.s32 $0x2200, s8  }
0x12: {  	s6 =	sadd.s32 $0xBE40, s8;
	s8 =	sadd.s32 $0x15C00, s1;
	s1 =	simm.s32 $0x4D80  }
.LBB2_4:
0x13: {  	_ =	swait.ge [sflag:s30], $0x500  }
0x14: {  	[sflag:s30] =	ssyncset.done $0x0  }
0x15: {  	[sflag:s30] =	ssyncadd.s32 $0xFFFFFB00  }
0x16: {  	_ =	swait.ge [sflag:s30], $0x500  }
0x17: {  	[sflag:s30] =	ssyncset.done $0x0  }
0x18: {  	[sflag:s30] =	ssyncadd.s32 $0xFFFFFB00  }
0x19: {  	_ =	swait.ge [sflag:s30], $0x500  }
0x1a: {  	[sflag:s30] =	ssyncset.done $0x0  }
0x1b: {  	[sflag:s30] =	ssyncadd.s32 $0xFFFFFB00  }
0x1c: {  	_ =	swait.ge [sflag:s30], $0x500  }
0x1d: {  	[sflag:s30] =	ssyncset.done $0x0  }
0x1e: {  	[sflag:s30] =	ssyncadd.s32 $0xFFFFFB00  }
0x1f: {  	_ =	swait.ge [sflag:s30], $0x500  }
0x20: {  	[sflag:s30] =	ssyncset.done $0x0  }
0x21: {  	s17 =	simm.s32 $0x2580;
	[sflag:s30] =	ssyncadd.s32 $0xFFFFFB00  }
0x22: {  	[tilespmem:s15], [sflag:$0x1] =	stream.indirect.gather [hbm4b:s2+s14], $0x10, s17, s14, $0xb8;
	[tilespmem:$0xA730] =	vst v63  }
0x23: {  	s19 =	simm.s32 $0x25D0  }
0x24: {  	[tilespmem:s16], [sflag:$0x1] =	stream.indirect.gather [hbm4b:s2+s14], $0x10, s19, s14, $0xb8;
	[tilespmem:$0xA730] =	vst v63  }
0x25: {  	s21 =	simm.s32 $0x2620  }
0x26: {  	[tilespmem:s18], [sflag:$0x1] =	stream.indirect.gather [hbm4b:s2+s14], $0x10, s21, s14, $0xb8;
	[tilespmem:$0xA730] =	vst v63  }
0x27: {  	s19 =	simm.s32 $0x2670  }
0x28: {  	[tilespmem:s20], [sflag:$0x1] =	stream.indirect.gather [hbm4b:s2+s14], $0x10, s19, s14, $0xb8;
	[tilespmem:$0xA730] =	vst v63  }
0x29: {  	s21 =	simm.s32 $0x26C0  }
0x2a: {  	[tilespmem:s22], [sflag:$0x1] =	stream.indirect.gather [hbm4b:s2+s14], $0x10, s21, s14, $0xb8;
	[tilespmem:$0xA730] =	vst v63  }
0x2b: {  	_ =	swait.ge [sflag:s23], $0x500  }
0x2c: {  	[sflag:s23] =	ssyncset.done $0x0  }
0x2d: {  	[sflag:s23] =	ssyncadd.s32 $0xFFFFFB00  }
0x2e: {  	_ =	swait.ge [sflag:s23], $0x500  }
0x2f: {  	[sflag:s23] =	ssyncset.done $0x0  }
0x30: {  	[sflag:s23] =	ssyncadd.s32 $0xFFFFFB00  }
0x31: {  	_ =	swait.ge [sflag:s23], $0x500  }
0x32: {  	[sflag:s23] =	ssyncset.done $0x0  }
0x33: {  	[sflag:s23] =	ssyncadd.s32 $0xFFFFFB00  }
0x34: {  	_ =	swait.ge [sflag:s23], $0x500  }
0x35: {  	[sflag:s23] =	ssyncset.done $0x0  }
0x36: {  	[sflag:s23] =	ssyncadd.s32 $0xFFFFFB00  }
0x37: {  	_ =	swait.ge [sflag:s23], $0x500  }
0x38: {  	[sflag:s23] =	ssyncset.done $0x0  }
0x39: {  	s19 =	simm.s32 $0x4C90;
	[sflag:s23] =	ssyncadd.s32 $0xFFFFFB00  }
0x3a: {  	[spmem:s3] =	stream.indirect.scatter.add.f32 [tilespmem:s15], [sflag:$0x2], $0x10, s19, s14, $0xb8;
	[tilespmem:$0xA730] =	vst v63  }
0x3b: {  	s21 =	simm.s32 $0x4CE0  }
0x3c: {  	[spmem:s3] =	stream.indirect.scatter.add.f32 [tilespmem:s16], [sflag:$0x2], $0x10, s21, s14, $0xb8;
	[tilespmem:$0xA730] =	vst v63  }
0x3d: {  	_ = 	snop  }
0x3e: {  	[spmem:s3] =	stream.indirect.scatter.add.f32 [tilespmem:s18], [sflag:$0x2], $0x10, s31, s14, $0xb8;
	[tilespmem:$0xA730] =	vst v63  }
0x3f: {  	_ = 	snop  }
0x40: {  	[spmem:s3] =	stream.indirect.scatter.add.f32 [tilespmem:s20], [sflag:$0x2], $0x10, s1, s14, $0xb8;
	[tilespmem:$0xA730] =	vst v63  }
0x41: {  	_ = 	snop  }
0x42: {  	[spmem:s3] =	stream.indirect.scatter.add.f32 [tilespmem:s22], [sflag:$0x2], $0x10, s0, s14, $0xb8;
	[tilespmem:$0xA730] =	vst v63  }
0x43: {  	_ =	swait.ge [sflag:s30], $0x500  }
0x44: {  	[sflag:s30] =	ssyncset.done $0x0  }
0x45: {  	[sflag:s30] =	ssyncadd.s32 $0xFFFFFB00  }
0x46: {  	_ =	swait.ge [sflag:s30], $0x500  }
0x47: {  	[sflag:s30] =	ssyncset.done $0x0  }
0x48: {  	[sflag:s30] =	ssyncadd.s32 $0xFFFFFB00  }
0x49: {  	_ =	swait.ge [sflag:s30], $0x500  }
0x4a: {  	[sflag:s30] =	ssyncset.done $0x0  }
0x4b: {  	[sflag:s30] =	ssyncadd.s32 $0xFFFFFB00  }
0x4c: {  	_ =	swait.ge [sflag:s30], $0x500  }
0x4d: {  	[sflag:s30] =	ssyncset.done $0x0  }
0x4e: {  	[sflag:s30] =	ssyncadd.s32 $0xFFFFFB00  }
0x4f: {  	_ =	swait.ge [sflag:s30], $0x500  }
0x50: {  	s11 =	sadd.s32 $0x1, s11;
	[sflag:s30] =	ssyncset.done $0x0  }
0x51: {  	p1 =	sne.s32 s11, s9;
	[sflag:s30] =	ssyncadd.s32 $0xFFFFFB00  }
.Ltmp1:
0x52: {  	s17 =	simm.s32 @!p0 $0x3;
	[bflag:$0x0] =	sbarrier.arrive $0xFFFF;
	(pc) =	sbr.rel @!p1 .LBB2_5-.Ltmp1, $4  }
0x53: {  	[hbm:s8], [sflag:s12] =	dma.local @!p0 [spmem:s13], $0x7D0  }
0x54: {  	_ =	swait.ge @!p0 [sflag:s17], $0x7D0  }
0x55: {  	[sflag:s17] =	ssyncset.done @!p0 $0x0  }
0x56: {  	[sflag:s17] =	ssyncadd.s32 @!p0 $0xFFFFF830  }
.LBB2_1:
0x57: {  	[tilespmem:s4], [sflag:$0x3] =	stream.linear.gather [hbm4b:s5+s4], $0x2710, $0x38;
	[tilespmem:$0xA730] =	vst v63  }
0x58: {  	_ =	swait.ge [sflag:s10], $0x2710  }
0x59: {  	[sflag:s10] =	ssyncset.done $0x0  }
0x5a: {  	s17 =	simm.s32 $0x2710;
	[sflag:s10] =	ssyncadd.s32 $0xFFFFD8F0  }
0x5b: {  	[tilespmem:s17], [sflag:$0x3] =	stream.linear.gather [hbm4b:s6+s4], $0x2710, $0x38;
	[tilespmem:$0xA730] =	vst v63  }
0x5c: {  	_ =	swait.ge [sflag:s10], $0x2710  }
0x5d: {  	[sflag:s10] =	ssyncset.done $0x0  }
0x5e: {  	s17 =	simm.s32 @!p0 $0x3;
	[sflag:s10] =	ssyncadd.s32 $0xFFFFD8F0  }
0x5f: {  	[spmem:s13], [sflag:s12] =	dma.local @!p0 [hbm:s7], $0x7D0  }
0x60: {  	_ =	swait.ge @!p0 [sflag:s17], $0x7D0  }
0x61: {  	[sflag:s17] =	ssyncset.done @!p0 $0x0  }
0x62: {  	[sflag:s17] =	ssyncadd.s32 @!p0 $0xFFFFF830  }
0x63: {  	[bflag:$0x0] =	sbarrier.arrive $0xFFFF  }
0x64: {  	[tilespmem:s15], [sflag:$0x1] =	stream.indirect.gather [hbm4b:s2+s14], $0x10, s4, s14, $0xb8;
	[tilespmem:$0xA730] =	vst v63  }
0x65: {  	_ = 	snop  }
0x66: {  	[tilespmem:s16], [sflag:$0x1] =	stream.indirect.gather [hbm4b:s2+s14], $0x10, s14, s14, $0xb8;
	[tilespmem:$0xA730] =	vst v63  }
0x67: {  	s21 =	simm.s32 $0xA0  }
0x68: {  	[tilespmem:s18], [sflag:$0x1] =	stream.indirect.gather [hbm4b:s2+s14], $0x10, s21, s14, $0xb8;
	[tilespmem:$0xA730] =	vst v63  }
0x69: {  	s19 =	simm.s32 $0xF0  }
0x6a: {  	[tilespmem:s20], [sflag:$0x1] =	stream.indirect.gather [hbm4b:s2+s14], $0x10, s19, s14, $0xb8;
	[tilespmem:$0xA730] =	vst v63  }
0x6b: {  	s17 =	simm.s32 $0x0;
	s21 =	simm.s32 $0x140  }
0x6c: {  	[tilespmem:s22], [sflag:$0x1] =	stream.indirect.gather [hbm4b:s2+s14], $0x10, s21, s14, $0xb8;
	[tilespmem:$0xA730] =	vst v63  }
.LBB2_2:
0x6d: {  	_ =	swait.ge [sflag:s23], $0x500  }
0x6e: {  	[sflag:s23] =	ssyncset.done $0x0  }
0x6f: {  	[sflag:s23] =	ssyncadd.s32 $0xFFFFFB00  }
0x70: {  	_ =	swait.ge [sflag:s23], $0x500  }
0x71: {  	[sflag:s23] =	ssyncset.done $0x0  }
0x72: {  	[sflag:s23] =	ssyncadd.s32 $0xFFFFFB00  }
0x73: {  	_ =	swait.ge [sflag:s23], $0x500  }
0x74: {  	[sflag:s23] =	ssyncset.done $0x0  }
0x75: {  	[sflag:s23] =	ssyncadd.s32 $0xFFFFFB00  }
0x76: {  	_ =	swait.ge [sflag:s23], $0x500  }
0x77: {  	[sflag:s23] =	ssyncset.done $0x0  }
0x78: {  	[sflag:s23] =	ssyncadd.s32 $0xFFFFFB00  }
0x79: {  	_ =	swait.ge [sflag:s23], $0x500  }
0x7a: {  	s19 =	sshra.s32 s17, $0x2;
	[sflag:s23] =	ssyncset.done $0x0  }
0x7b: {  	s21 =	sadd.s32 $0x2710, s19;
	[sflag:s23] =	ssyncadd.s32 $0xFFFFFB00  }
0x7c: {  	[spmem:s3] =	stream.indirect.scatter.add.f32 [tilespmem:s15], [sflag:$0x2], $0x10, s21, s14, $0xb8;
	[tilespmem:$0xA730] =	vst v63  }
0x7d: {  	s21 =	sadd.s32 $0x2760, s19  }
0x7e: {  	[spmem:s3] =	stream.indirect.scatter.add.f32 [tilespmem:s16], [sflag:$0x2], $0x10, s21, s14, $0xb8;
	[tilespmem:$0xA730] =	vst v63  }
0x7f: {  	s21 =	sadd.s32 $0x27B0, s19  }
0x80: {  	[spmem:s3] =	stream.indirect.scatter.add.f32 [tilespmem:s18], [sflag:$0x2], $0x10, s21, s14, $0xb8;
	[tilespmem:$0xA730] =	vst v63  }
0x81: {  	s21 =	sadd.s32 $0x2800, s19  }
0x82: {  	[spmem:s3] =	stream.indirect.scatter.add.f32 [tilespmem:s20], [sflag:$0x2], $0x10, s21, s14, $0xb8;
	[tilespmem:$0xA730] =	vst v63  }
0x83: {  	p1 =	seq.s32 s17, $0x0;
	s21 =	sadd.s32 $0x2850, s19  }
0x84: {  	[spmem:s3] =	stream.indirect.scatter.add.f32 [tilespmem:s22], [sflag:$0x2], $0x10, s21, s14, $0xb8;
	[tilespmem:$0xA730] =	vst v63  }
0x85: {  	s21 =	simm.s32 @!p1 $0x2  }
0x86: {  	_ =	swait.ge @!p1 [sflag:s21], $0x500  }
0x87: {  	[sflag:s21] =	ssyncset.done @!p1 $0x0  }
0x88: {  	[sflag:s21] =	ssyncadd.s32 @!p1 $0xFFFFFB00  }
0x89: {  	_ =	swait.ge @!p1 [sflag:s21], $0x500  }
0x8a: {  	[sflag:s21] =	ssyncset.done @!p1 $0x0  }
0x8b: {  	[sflag:s21] =	ssyncadd.s32 @!p1 $0xFFFFFB00  }
0x8c: {  	_ =	swait.ge @!p1 [sflag:s21], $0x500  }
0x8d: {  	[sflag:s21] =	ssyncset.done @!p1 $0x0  }
0x8e: {  	[sflag:s21] =	ssyncadd.s32 @!p1 $0xFFFFFB00  }
0x8f: {  	_ =	swait.ge @!p1 [sflag:s21], $0x500  }
0x90: {  	[sflag:s21] =	ssyncset.done @!p1 $0x0  }
0x91: {  	[sflag:s21] =	ssyncadd.s32 @!p1 $0xFFFFFB00  }
0x92: {  	_ =	swait.ge @!p1 [sflag:s21], $0x500  }
0x93: {  	[sflag:s21] =	ssyncset.done @!p1 $0x0  }
0x94: {  	[sflag:s21] =	ssyncadd.s32 @!p1 $0xFFFFFB00;
	s21 =	sadd.s32 $0x190, s19  }
0x95: {  	[tilespmem:s24], [sflag:$0x1] =	stream.indirect.gather [hbm4b:s2+s14], $0x10, s21, s14, $0xb8;
	[tilespmem:$0xA730] =	vst v63  }
0x96: {  	s21 =	sadd.s32 $0x1E0, s19  }
0x97: {  	[tilespmem:s25], [sflag:$0x1] =	stream.indirect.gather [hbm4b:s2+s14], $0x10, s21, s14, $0xb8;
	[tilespmem:$0xA730] =	vst v63  }
0x98: {  	s21 =	sadd.s32 $0x230, s19  }
0x99: {  	[tilespmem:s26], [sflag:$0x1] =	stream.indirect.gather [hbm4b:s2+s14], $0x10, s21, s14, $0xb8;
	[tilespmem:$0xA730] =	vst v63  }
0x9a: {  	s21 =	sadd.s32 $0x280, s19  }
0x9b: {  	[tilespmem:s28], [sflag:$0x1] =	stream.indirect.gather [hbm4b:s2+s14], $0x10, s21, s14, $0xb8;
	[tilespmem:$0xA730] =	vst v63  }
0x9c: {  	s21 =	sadd.s32 $0x2D0, s19  }
0x9d: {  	[tilespmem:s29], [sflag:$0x1] =	stream.indirect.gather [hbm4b:s2+s14], $0x10, s21, s14, $0xb8;
	[tilespmem:$0xA730] =	vst v63  }
0x9e: {  	_ =	swait.ge [sflag:s23], $0x500  }
0x9f: {  	[sflag:s23] =	ssyncset.done $0x0  }
0xa0: {  	[sflag:s23] =	ssyncadd.s32 $0xFFFFFB00  }
0xa1: {  	_ =	swait.ge [sflag:s23], $0x500  }
0xa2: {  	[sflag:s23] =	ssyncset.done $0x0  }
0xa3: {  	[sflag:s23] =	ssyncadd.s32 $0xFFFFFB00  }
0xa4: {  	_ =	swait.ge [sflag:s23], $0x500  }
0xa5: {  	[sflag:s23] =	ssyncset.done $0x0  }
0xa6: {  	[sflag:s23] =	ssyncadd.s32 $0xFFFFFB00  }
0xa7: {  	_ =	swait.ge [sflag:s23], $0x500  }
0xa8: {  	[sflag:s23] =	ssyncset.done $0x0  }
0xa9: {  	[sflag:s23] =	ssyncadd.s32 $0xFFFFFB00  }
0xaa: {  	_ =	swait.ge [sflag:s23], $0x500  }
0xab: {  	[sflag:s23] =	ssyncset.done $0x0  }
0xac: {  	s21 =	sadd.s32 $0x28A0, s19;
	[sflag:s23] =	ssyncadd.s32 $0xFFFFFB00  }
0xad: {  	[spmem:s3] =	stream.indirect.scatter.add.f32 [tilespmem:s24], [sflag:$0x2], $0x10, s21, s14, $0xb8;
	[tilespmem:$0xA730] =	vst v63  }
0xae: {  	s21 =	sadd.s32 $0x28F0, s19  }
0xaf: {  	[spmem:s3] =	stream.indirect.scatter.add.f32 [tilespmem:s25], [sflag:$0x2], $0x10, s21, s14, $0xb8;
	[tilespmem:$0xA730] =	vst v63  }
0xb0: {  	s21 =	sadd.s32 $0x2940, s19  }
0xb1: {  	[spmem:s3] =	stream.indirect.scatter.add.f32 [tilespmem:s26], [sflag:$0x2], $0x10, s21, s14, $0xb8;
	[tilespmem:$0xA730] =	vst v63  }
0xb2: {  	s21 =	sadd.s32 $0x2990, s19  }
0xb3: {  	[spmem:s3] =	stream.indirect.scatter.add.f32 [tilespmem:s28], [sflag:$0x2], $0x10, s21, s14, $0xb8;
	[tilespmem:$0xA730] =	vst v63  }
0xb4: {  	s21 =	sadd.s32 $0x29E0, s19  }
0xb5: {  	[spmem:s3] =	stream.indirect.scatter.add.f32 [tilespmem:s29], [sflag:$0x2], $0x10, s21, s14, $0xb8;
	[tilespmem:$0xA730] =	vst v63  }
0xb6: {  	_ =	swait.ge [sflag:s30], $0x500  }
0xb7: {  	[sflag:s30] =	ssyncset.done $0x0  }
0xb8: {  	[sflag:s30] =	ssyncadd.s32 $0xFFFFFB00  }
0xb9: {  	_ =	swait.ge [sflag:s30], $0x500  }
0xba: {  	[sflag:s30] =	ssyncset.done $0x0  }
0xbb: {  	[sflag:s30] =	ssyncadd.s32 $0xFFFFFB00  }
0xbc: {  	_ =	swait.ge [sflag:s30], $0x500  }
0xbd: {  	[sflag:s30] =	ssyncset.done $0x0  }
0xbe: {  	[sflag:s30] =	ssyncadd.s32 $0xFFFFFB00  }
0xbf: {  	p1 =	seq.s32 s17, $0x8980;
	_ =	swait.ge [sflag:s30], $0x500  }
.Ltmp2:
0xc0: {  	[sflag:s30] =	ssyncset.done $0x0;
	(pc) =	sbr.rel @p1 .LBB2_4-.Ltmp2, $4  }
0xc1: {  	[sflag:s30] =	ssyncadd.s32 $0xFFFFFB00  }
0xc2: {  	_ =	swait.ge [sflag:s30], $0x500  }
0xc3: {  	[sflag:s30] =	ssyncset.done $0x0  }
0xc4: {  	[sflag:s30] =	ssyncadd.s32 $0xFFFFFB00  }
0xc5: {  	s21 =	sadd.s32 $0x320, s19  }
0xc6: {  	[tilespmem:s15], [sflag:$0x1] =	stream.indirect.gather [hbm4b:s2+s14], $0x10, s21, s14, $0xb8;
	[tilespmem:$0xA730] =	vst v63  }
0xc7: {  	s21 =	sadd.s32 $0x370, s19  }
0xc8: {  	[tilespmem:s16], [sflag:$0x1] =	stream.indirect.gather [hbm4b:s2+s14], $0x10, s21, s14, $0xb8;
	[tilespmem:$0xA730] =	vst v63  }
0xc9: {  	s21 =	sadd.s32 $0x3C0, s19  }
0xca: {  	[tilespmem:s18], [sflag:$0x1] =	stream.indirect.gather [hbm4b:s2+s14], $0x10, s21, s14, $0xb8;
	[tilespmem:$0xA730] =	vst v63  }
.Ltmp3:
0xcb: {  	_ = 	snop;
	(pc) =	sbr.rel .LBB2_2-.Ltmp3, $4  }
0xcc: {  	s21 =	sadd.s32 $0x410, s19  }
0xcd: {  	[tilespmem:s20], [sflag:$0x1] =	stream.indirect.gather [hbm4b:s2+s14], $0x10, s21, s14, $0xb8;
	[tilespmem:$0xA730] =	vst v63  }
0xce: {  	s17 =	sadd.s32 $0xC80, s17;
	s21 =	sadd.s32 $0x460, s19  }
0xcf: {  	[tilespmem:s22], [sflag:$0x1] =	stream.indirect.gather [hbm4b:s2+s14], $0x10, s21, s14, $0xb8;
	[tilespmem:$0xA730] =	vst v63  }
.LBB2_5:
0xd0: {  	_ =	sfence.sel $0x180000  }
0xd1: {  	[bflag:$0x0] =	sbarrier.arrive $0xFFFF  }
0xd2: {  	_ =	strace $0x9000004D  }
0xd3: {  	s0 =	stileid.u32;
	[bflag:$0x2] =	sbarrier.arrive $0xFFFF  }
0xd4: {  	p0 =	sne.s32 s0, $0x0;
	s0 =	rddreg [dreg:$0x3]  }
0xd5: {  	s0 =	sadd.s32 @!p0 $0x100000, s0  }
0xd6: {  	[sflag:s0] =	ssyncadd.tile.s32 @!p0 $0x1;
	_ =	shalt  }
.Lfunc_end2:
_tile_overlayer_lowered:
.L_overlay_start_2:
0xd7: {  	(tag) =	ssettag $0x2  }
0xd8: {  	s0 =	rddreg [dreg:$0x0];
	s2 =	stileid.u32  }
0xd9: {  	s1 =	rddreg [dreg:$0x1];
	p0 =	sne.s32 s2, $0x0  }
0xda: {  	s3 =	rddreg [dreg:$0x2];
	[bflag:$0x3] =	sbarrier.arrive $0xFFFF;
	s2 =	simm.s32 @!p0 $0x1C03  }
0xdb: {  	[timem:s3], [sflag:s2] =	dma.local @!p0 [hbm:s0], s1  }
0xdc: {  	s0 =	simm.s32 @!p0 $0x3  }
0xdd: {  	_ =	swait.ge @!p0 [sflag:s0], s1  }
0xde: {  	s1 =	ssub.s32 @!p0 $0x0, s1;
	[sflag:s0] =	ssyncset.done @!p0 $0x0  }
0xdf: {  	[sflag:s0] =	ssyncadd.s32 @!p0 s1  }
0xe0: {  	[bflag:$0x3] =	sbarrier.arrive $0xFFFF  }
0xe1: {  	_ =	shalt  }

// kernel: kernel.8.cloned.1.call-start
scs
__scs_entry_jumppad:
0x0: {  	(pc) =	sbr.rel $0x88, $3  }
0x1: {  	(tag) =	ssettag $0x0;
	lr =	simm.s32 $0x1  }
0x2: {  	[smem:$0x3F9B] =	sst lr;
	_ =	strace $0xD0000000  }
0x3: {  	_ = 	snop  }
0x4: {  	_ = 	snop  }
0x5: {  	_ = 	snop  }
0x6: {  	_ = 	snop  }
0x7: {  	_ = 	snop  }
__scs_overlays_trampoline_lowered:
0x8: {  	[smem:$0x3FAA] =	sst s0  }
0x9: {  	[smem:$0x3FAB] =	sst s1  }
0xa: {  	[smem:$0x3FAC] =	sst s2  }
0xb: {  	[smem:$0x3FAD] =	sst s3  }
0xc: {  	[smem:$0x3FAE] =	sst s4  }
0xd: {  	[smem:$0x3FAF] =	sst s5  }
0xe: {  	[smem:$0x3FB0] =	sst s6  }
0xf: {  	[smem:$0x3FB1] =	sst s7  }
0x10: {  	[smem:$0x3FB2] =	sst s8  }
0x11: {  	[smem:$0x3FB3] =	sst s9;
	s0 =	simm.s32 @!p0 $0x0  }
0x12: {  	s1 =	sld [smem:$0x3F99];
	s0 =	simm.s32 @p0 $0x1  }
0x13: {  	[smem:$0x3FB4] =	sst s0;
	s0 =	simm.s32 @!p1 $0x0  }
0x14: {  	s2 =	sld [smem:$0x3F98];
	s0 =	simm.s32 @p1 $0x1  }
0x15: {  	[smem:$0x3FB5] =	sst s0;
	s0 =	simm.s32 @!p2 $0x0  }
0x16: {  	s3 =	sld [smem:$0x3FDB];
	s0 =	simm.s32 @p2 $0x1  }
0x17: {  	s4 =	simm.s32 $0x1BF5;
	[smem:$0x3FB7] =	sst s0  }
0x18: {  	s0 =	sld [smem:$0x3F9A];
	_ =	swait.ge [sflag:s4], $0x0  }
0x19: {  	s7 =	sld [smem:$0x3F9B]  }
0x1a: {  	s8 =	sadd.s32 $0xFFFFE003, lr  }
0x1b: {  	s9 =	sadd.s32 $0xFFFFFEF7, lr;
	s5 =	simm.s32 $0xFFFFFFFF;
	p2 =	slt.u32 s8, $0xFFFFF086  }
0x1c: {  	p1 =	slt.u32 s9, $0xF7A;
	s5 =	simm.s32 @!p2 $0x0  }
0x1d: {  	s5 =	simm.s32 @p1 $0x1;
	p0 =	seq.s32 s7, s2  }
0x1e: {  	s7 =	smul.u32 @!p0 $0xF7A, s2;
	p2 =	seq.s32 @!p0 s5, $0x0  }
0x1f: {  	s9 =	smul.u32 $0xF7A, s1;
	s8 =	simm.s32 @!p0 $0x1BF5;
	p2 =	por !p2, p0  }
0x20: {  	[sflag:s8] =	ssyncset.s32 @!p0 $0xFFFFF086;
	s6 =	sadd.s32 @!p0 s3, s7;
	s7 =	simm.s32 @!p0 $0x108  }
0x21: {  	s3 =	sadd.s32 s3, s9;
	s6 =	sadd.s32 @!p0 $0x88, s6;
	s7 =	simm.s32 @p2 $0x1082  }
0x22: {  	[simem:s7], [sflag:s8] =	dma.local @!p0 [hbm:s6], $0xF7A  }
0x23: {  	s9 =	sor.u32 $0xD0000000, s2;
	s6 =	simm.s32 $0x108;
	_ =	swait.ge @!p0 [sflag:s8], $0x0  }
0x24: {  	s3 =	sadd.s32 $0x88, s3;
	s6 =	simm.s32 @!p1 $0x1082;
	[sflag:s4] =	ssyncset.s32 $0xFFFFF086  }
0x25: {  	[simem:s6], [sflag:s4] =	dma.local [hbm:s3], $0xF7A  }
0x26: {  	[smem:$0x3F9B] =	sst s1;
	(tag) =	ssettag s2;
	_ =	strace s9  }
0x27: {  	s1 =	sld [smem:$0x3FAB]  }
0x28: {  	s2 =	sld [smem:$0x3FAC]  }
0x29: {  	s4 =	sld [smem:$0x3FAE]  }
0x2a: {  	p0 =	seq.s32 s5, $0x0;
	s5 =	sld [smem:$0x3FAF]  }
0x2b: {  	s6 =	sld [smem:$0x3FB0]  }
0x2c: {  	s7 =	sld [smem:$0x3FB1]  }
0x2d: {  	s3 =	simm.s32 $0x108;
	s8 =	sld [smem:$0x3FB2]  }
0x2e: {  	s3 =	simm.s32 @!p0 $0x1082;
	s9 =	sld [smem:$0x3FB3]  }
0x2f: {  	lr =	sadd.s32 s0, s3;
	s0 =	sld [smem:$0x3FAA]  }
0x30: {  	s3 =	sld [smem:$0x3FAD]  }
0x31: {  	[smem:$0x3FB6] =	sst s10  }
0x32: {  	s10 =	sld [smem:$0x3FB4];
	_ =	sdelay $0x3  }
0x33: {  	p0 =	seq.s32 s10, $0x1;
	s10 =	sld [smem:$0x3FB6];
	_ =	sdelay $0x3  }
0x34: {  	[smem:$0x3FB6] =	sst s10  }
0x35: {  	s10 =	sld [smem:$0x3FB5];
	_ =	sdelay $0x3  }
0x36: {  	p1 =	seq.s32 s10, $0x1;
	s10 =	sld [smem:$0x3FB6];
	_ =	sdelay $0x3  }
0x37: {  	[smem:$0x3FB6] =	sst s10  }
0x38: {  	s10 =	sld [smem:$0x3FB7]  }
0x39: {  	_ = 	snop;
	(pc) =	sbr.ind lr, $3  }
0x3a: {  	_ = 	snop  }
0x3b: {  	_ = 	snop  }
0x3c: {  	p2 =	seq.s32 s10, $0x1;
	s10 =	sld [smem:$0x3FB6]  }
0x3d: {  	_ =	shalt  }
0x3e: {  	_ =	shalt  }
0x3f: {  	_ =	shalt  }
0x40: {  	_ =	shalt  }
0x41: {  	_ =	shalt  }
0x42: {  	_ =	shalt  }
0x43: {  	_ =	shalt  }
0x44: {  	_ =	shalt  }
0x45: {  	_ =	shalt  }
0x46: {  	_ =	shalt  }
0x47: {  	_ =	shalt  }
0x48: {  	_ =	shalt  }
0x49: {  	_ =	shalt  }
0x4a: {  	_ =	shalt  }
0x4b: {  	_ =	shalt  }
0x4c: {  	_ =	shalt  }
0x4d: {  	_ =	shalt  }
0x4e: {  	_ =	shalt  }
0x4f: {  	_ =	shalt  }
0x50: {  	_ =	shalt  }
0x51: {  	_ =	shalt  }
0x52: {  	_ =	shalt  }
0x53: {  	_ =	shalt  }
0x54: {  	_ =	shalt  }
0x55: {  	_ =	shalt  }
0x56: {  	_ =	shalt  }
0x57: {  	_ =	shalt  }
0x58: {  	_ =	shalt  }
0x59: {  	_ =	shalt  }
0x5a: {  	_ =	shalt  }
0x5b: {  	_ =	shalt  }
0x5c: {  	_ =	shalt  }
0x5d: {  	_ =	shalt  }
0x5e: {  	_ =	shalt  }
0x5f: {  	_ =	shalt  }
0x60: {  	_ =	shalt  }
0x61: {  	_ =	shalt  }
0x62: {  	_ =	shalt  }
0x63: {  	_ =	shalt  }
0x64: {  	_ =	shalt  }
0x65: {  	_ =	shalt  }
0x66: {  	_ =	shalt  }
0x67: {  	_ =	shalt  }
0x68: {  	_ =	shalt  }
0x69: {  	_ =	shalt  }
0x6a: {  	_ =	shalt  }
0x6b: {  	_ =	shalt  }
0x6c: {  	_ =	shalt  }
0x6d: {  	_ =	shalt  }
0x6e: {  	_ =	shalt  }
0x6f: {  	_ =	shalt  }
0x70: {  	_ =	shalt  }
0x71: {  	_ =	shalt  }
0x72: {  	_ =	shalt  }
0x73: {  	_ =	shalt  }
0x74: {  	_ =	shalt  }
0x75: {  	_ =	shalt  }
0x76: {  	_ =	shalt  }
0x77: {  	_ =	shalt  }
0x78: {  	_ =	shalt  }
0x79: {  	_ =	shalt  }
0x7a: {  	_ =	shalt  }
0x7b: {  	_ =	shalt  }
0x7c: {  	_ =	shalt  }
0x7d: {  	_ =	shalt  }
0x7e: {  	_ =	shalt  }
0x7f: {  	_ =	shalt  }
0x80: {  	_ =	shalt  }
0x81: {  	_ =	shalt  }
0x82: {  	_ =	shalt  }
0x83: {  	_ =	shalt  }
0x84: {  	_ =	shalt  }
0x85: {  	_ =	shalt  }
0x86: {  	_ =	shalt  }
0x87: {  	_ =	shalt  }
.Lfunc_end0:
.L_simem_size_0:
called_computation_lowered:
.L_overlay_start_0:
0x88: {  	s2 =	sld [smem:$0x3FD9]  }
0x89: {  	s3 =	sld [smem:$0x3FFE];
	_ =	sdelay $0x1  }
0x8a: {  	s1 =	srdreg.scid  }
0x8b: {  	s0 =	sand.u32 $0x1, s1  }
0x8c: {  	s17 =	sshll.u32 s0, $0xA;
	s2 =	sadd.s32 s3, s2  }
0x8d: {  	s2 =	sadd.s32 s2, s17  }
0x8e: {  	[smem:$0x3FC2] =	sst s2  }
0x8f: {  	_ = 	snop  }
0x90: {  	s2 =	sld [smem:$0x3FD0];
	(tm) =	ssettm $0x1  }
0x91: {  	s18 =	sld [smem:$0x3FFB];
	_ =	sdelay $0x3  }
0x92: {  	_ =	strace s18  }
0x93: {  	s3 =	sld [smem:$0x3FFC];
	_ =	sdelay $0x3  }
0x94: {  	_ =	strace s3  }
0x95: {  	s3 =	sld [smem:$0x3FFD];
	_ =	sdelay $0x3  }
0x96: {  	_ =	strace s3  }
0x97: {  	_ =	strace $0x8FFFFFFF  }
0x98: {  	s19 =	sld [smem:$0x3FDB];
	_ =	sdelay $0x1  }
0x99: {  	s4 =	simm.s32 $_scs_section_size  }
0x9a: {  	s5 =	simm.s32 $_size__tile_overlayer_lowered;
	s6 =	simm.s32 $_tile_overlayer_lowered  }
0x9b: {  	s22 =	simm.s32 $0x1BFF;
	s21 =	sshll.u32 s6, $0x1;
	s3 =	sadd.s32 s4, s19  }
0x9c: {  	s7 =	simm.s32 $0x0;
	s20 =	sshll.u32 s5, $0x1;
	s5 =	sadd.s32 s21, s3  }
0x9d: {  	[timem:s7], [sflag:s22] =	dma.local [hbm:s5], s20  }
0x9e: {  	_ =	swait.ge [sflag:s22], s20  }
0x9f: {  	s4 =	ssub.s32 $0x0, s20;
	[sflag:s22] =	ssyncset.done $0x0  }
0xa0: {  	[sflag:s22] =	ssyncadd.s32 s4;
	_ =	sdelay $0x1  }
0xa1: {  	s23 =	simm.s32 $0x1B8B  }
0xa2: {  	_ =	swait.ge [sflag:s23], $0x1  }
0xa3: {  	[sflag:s23] =	ssyncset.done $0x0  }
0xa4: {  	s25 =	simm.s32 $0x1B8E;
	s24 =	sld [smem:$0x3FFE];
	[sflag:s23] =	ssyncadd.s32 $0xFFFFFFFF  }
0xa5: {  	s26 =	simm.s32 $execute0_lowered;
	[smem:$0x3FD2] =	sst s25  }
0xa6: {  	s5 =	sshll.u32 s26, $0x1;
	_ =	strace $0x80000046;
	[dreg:$0x1] =	wrdreg $0xFFFFFFFF  }
0xa7: {  	s28 =	simm.s32 $_size_execute0_lowered;
	s3 =	sadd.s32 s3, s5;
	[dreg:$0x0] =	wrdreg $0x0  }
0xa8: {  	s5 =	sshll.u32 s28, $0x1;
	[dreg:$0x2] =	wrdreg s3  }
0xa9: {  	[dreg:$0x3] =	wrdreg s5  }
0xaa: {  	[dreg:$0x4] =	wrdreg $0xC0  }
0xab: {  	_ =	task [dreg:s7], $0x5FFFF  }
0xac: {  	[dreg:$0x1] =	wrdreg $0xFFFFFFFF  }
0xad: {  	[dreg:$0x0] =	wrdreg $0x60  }
0xae: {  	[dreg:$0x2] =	wrdreg s24  }
0xaf: {  	[dreg:$0x3] =	wrdreg s2  }
0xb0: {  	[dreg:$0x4] =	wrdreg $0x2C100  }
0xb1: {  	[dreg:$0x5] =	wrdreg $0x9  }
0xb2: {  	_ =	task.clear_ibuf [dreg:s7], $0x6FFFF;
	_ =	strace $0x90000046  }
0xb3: {  	s29 =	simm.s32 $0x9;
	_ =	strace $0x80000048  }
0xb4: {  	_ =	swait.ge [sflag:s29], $0x1  }
0xb5: {  	[sflag:s29] =	ssyncadd.s32 $0xFFFFFFFF  }
0xb6: {  	_ =	strace $0x90000048  }
0xb7: {  	_ =	sfence  }
0xb8: {  	s30 =	sld [smem:$0x0];
	_ =	sdelay $0x2  }
0xb9: {  	s31 =	sshll.u32 s1, $0xD;
	s1 =	sshrl.u32 s1, $0x2  }
0xba: {  	s3 =	sand.u32 $0x4000, s31;
	s1 =	sadd.s32 s1, s30  }
0xbb: {  	s0 =	sor.u32 s3, s0;
	s1 =	sshll.u32 s1, $0x11  }
0xbc: {  	s0 =	sor.u32 s1, s0  }
0xbd: {  	s0 =	sadd.s32 $0x8F2B, s0  }
0xbe: {  	[sflag:s0] =	ssyncadd.remote.s32 $0x1  }
0xbf: {  	_ =	sfence.sel $0xFFFF  }
0xc0: {  	[dreg:$0x0] =	wrdreg $0xFFFFFFFF;
	(pc) =	sbr.abs _section_cstart, $3  }
0xc1: {  	[dreg:$0x1] =	wrdreg $0xFFFFFFFF  }
0xc2: {  	_ =	task.clear_ibuf [dreg:s7], $0x2FFFF;
	_ =	strace $0x9FFFFFFF  }
0xc3: {  	(tm) =	ssettm $0x7FFFFFFF  }
tec
execute0_lowered:
.L_overlay_start_1:
0x0: {  	(tag) =	ssettag $0x1  }
0x1: {  	s5 =	rddreg [dreg:$0x0]  }
0x2: {  	s6 =	rddreg [dreg:$0x1];
	s0 =	srdreg.scid  }
0x3: {  	s2 =	rddreg [dreg:$0x2];
	s1 =	stileid.u32  }
0x4: {  	s3 =	simm.s32 $0x0;
	s13 =	simm.s32 $0x50;
	s14 =	simm.s32 $0x0  }
0x5: {  	s7 =	sand.u32 $0x1, s0;
	s0 =	rddreg [dreg:$0x3];
	s8 =	smul.u32 $0x3E80, s1  }
0x6: {  	[smem:$0x7FF] =	sst s3;
	p0 =	sgt.u32 s1, $0x9;
	s4 =	sshll.u32 s7, $0x4  }
0x7: {  	s9 =	smul.u32 $0x27100, s7;
	_ =	strace $0x80000047;
	s7 =	ssub.s32 $0x2, s7  }
0x8: {  	s4 =	sor.u32 s1, s4;
	s11 =	sshrl.u32 s7, $0x1;
	s31 =	sshrl.u32 s8, $0x3  }
0x9: {  	s12 =	sadd.s32 s8, s2;
	s10 =	smul.u32 $0x2710, s4;
	s4 =	sadd.s32 $0x15C00, s5  }
0xa: {  	s9 =	sadd.s32 s8, s9;
	s30 =	ssub.s32 s7, s11;
	s6 =	sadd.s32 s6, s31  }
0xb: {  	s11 =	sshll.u32 @!p0 s1, $0x6;
	s12 =	sshrl.u32 @!p0 s12, $0x3;
	s9 =	sshrl.u32 s9, $0x3  }
0xc: {  	s8 =	smax.u32 s30, $0x1;
	s10 =	sshrl.u32 s10, $0x3;
	s9 =	sadd.s32 s9, s5  }
0xd: {  	s11 =	sor.u32 @!p0 $0x1C01, s11;
	s5 =	sadd.s32 s5, s10;
	s7 =	sadd.s32 $0x15E00, s9  }
0xe: {  	s9 =	simm.s32 $0x1;
	s10 =	simm.s32 $0x2710;
	s5 =	sadd.s32 $0xBE40, s5  }
.LBB2_1:
0xf: {  	[tilespmem:s3], [sflag:$0x1] =	stream.linear.gather [hbm4b:s5+s3], $0x2710, $0x38;
	[tilespmem:$0x5320] =	vst v63  }
0x10: {  	_ =	swait.ge [sflag:s9], $0x2710  }
0x11: {  	[sflag:s9] =	ssyncset.done $0x0  }
0x12: {  	[sflag:s9] =	ssyncadd.s32 $0xFFFFD8F0  }
0x13: {  	[tilespmem:s10], [sflag:$0x1] =	stream.linear.gather [hbm4b:s4+s3], $0x500, $0x38;
	[tilespmem:$0x5320] =	vst v63  }
0x14: {  	_ =	swait.ge [sflag:s9], $0x500  }
0x15: {  	[sflag:s9] =	ssyncset.done $0x0  }
0x16: {  	s15 =	simm.s32 @!p0 $0x1;
	[sflag:s9] =	ssyncadd.s32 $0xFFFFFB00  }
0x17: {  	[spmem:s12], [sflag:s11] =	dma.local @!p0 [hbm:s6], $0x7D0  }
0x18: {  	_ =	swait.ge @!p0 [sflag:s15], $0x7D0  }
0x19: {  	[sflag:s15] =	ssyncset.done @!p0 $0x0  }
0x1a: {  	[sflag:s15] =	ssyncadd.s32 @!p0 $0xFFFFF830  }
0x1b: {  	s31 =	simm.s32 $0x0;
	[bflag:$0x0] =	sbarrier.arrive $0xFFFF  }
0x1c: {  	[spmem:s2] =	stream.indirect.scatter.add.f32 [tilespmem:s10], [sflag:$0x1], $0x10, s31, s13, $0xb8;
	[tilespmem:$0x5320] =	vst v63  }
0x1d: {  	_ =	swait.ge [sflag:s9], $0x500  }
0x1e: {  	s15 =	simm.s32 $0x140;
	[sflag:s9] =	ssyncset.done $0x0  }
.LBB2_2:
0x1f: {  	s16 =	sshra.s32 s15, $0x2;
	[sflag:s9] =	ssyncadd.s32 $0xFFFFFB00;
	p1 =	sne.s32 s15, $0x9B00  }
0x20: {  	[spmem:s2] =	stream.indirect.scatter.add.f32 [tilespmem:s10], [sflag:$0x1], $0x10, s16, s13, $0xb8;
	[tilespmem:$0x5320] =	vst v63  }
.Ltmp0:
0x21: {  	_ = 	snop;
	(pc) =	sbr.rel @p1 .LBB2_2-.Ltmp0, $4  }
0x22: {  	_ = 	snop  }
0x23: {  	s15 =	sadd.s32 $0x140, s15  }
0x24: {  	_ =	swait.ge [sflag:s9], $0x500  }
0x25: {  	[sflag:s9] =	ssyncset.done $0x0  }
0x26: {  	s14 =	sadd.s32 $0x1, s14  }
0x27: {  	[sflag:s9] =	ssyncadd.s32 $0xFFFFFB00;
	p1 =	sne.s32 s14, s8  }
.Ltmp1:
0x28: {  	s15 =	simm.s32 @!p0 $0x1;
	[bflag:$0x0] =	sbarrier.arrive $0xFFFF;
	(pc) =	sbr.rel @p1 .LBB2_1-.Ltmp1, $4  }
0x29: {  	[hbm:s7], [sflag:s11] =	dma.local @!p0 [spmem:s12], $0x7D0  }
0x2a: {  	_ =	swait.ge @!p0 [sflag:s15], $0x7D0  }
0x2b: {  	[sflag:s15] =	ssyncset.done @!p0 $0x0  }
0x2c: {  	[sflag:s15] =	ssyncadd.s32 @!p0 $0xFFFFF830  }
0x2d: {  	_ =	sfence.sel $0x180000  }
0x2e: {  	[bflag:$0x0] =	sbarrier.arrive $0xFFFF  }
0x2f: {  	p0 =	sne.s32 s1, $0x0;
	_ =	strace $0x90000047  }
0x30: {  	s0 =	sadd.s32 @!p0 $0x100000, s0;
	[bflag:$0x2] =	sbarrier.arrive $0xFFFF  }
0x31: {  	[sflag:s0] =	ssyncadd.tile.s32 @!p0 $0x1;
	_ =	shalt  }
.Lfunc_end2:
_tile_overlayer_lowered:
.L_overlay_start_2:
0x32: {  	(tag) =	ssettag $0x2  }
0x33: {  	s0 =	rddreg [dreg:$0x0];
	s2 =	stileid.u32  }
0x34: {  	s1 =	rddreg [dreg:$0x1];
	p0 =	sne.s32 s2, $0x0  }
0x35: {  	s3 =	rddreg [dreg:$0x2];
	[bflag:$0x3] =	sbarrier.arrive $0xFFFF;
	s2 =	simm.s32 @!p0 $0x1C01  }
0x36: {  	[timem:s3], [sflag:s2] =	dma.local @!p0 [hbm:s0], s1  }
0x37: {  	s0 =	simm.s32 @!p0 $0x1  }
0x38: {  	_ =	swait.ge @!p0 [sflag:s0], s1  }
0x39: {  	s1 =	ssub.s32 @!p0 $0x0, s1;
	[sflag:s0] =	ssyncset.done @!p0 $0x0  }
0x3a: {  	[sflag:s0] =	ssyncadd.s32 @!p0 s1  }
0x3b: {  	[bflag:$0x3] =	sbarrier.arrive $0xFFFF  }
0x3c: {  	_ =	shalt  }

</sc_bundles>
